<compile_context>
chip_gen: v7x
topology: tpu7x:2x2x1
jax: 0.10.2.dev20260603
libtpu: 0.0.44.dev20260713+nightly
codegen_flags: <defaults>
</compile_context>

<pallas_src>
import functools

import jax
import jax.numpy as jnp
from jax import lax
from jax.experimental import pallas as pl
from jax.experimental.pallas import tpu as pltpu
from jax.experimental.pallas import tpu_sc as plsc

N = 10000
E = 320000
D_IN = 128
D = 256
HALF = D // 2
NCLS = 40

NS = 16
CHUNK = 128
BLK = 16
NBLK = 10
EPS_SUB = NBLK * BLK * CHUNK
E_PAD = NS * EPS_SUB
N_PAD = 10240
TRASH = N
ROWS_SUB = N_PAD // NS

ROW_TILE = 1000
GRID = N // ROW_TILE



def _agg_body(hlo_hbm, hhi_hbm, src_hbm, dst_hbm, zz_hbm,
              alo_hbm, ahi_hbm,
              src_a, dst_a, src_b, dst_b, rows0_v, rows1_v, accum_sh,
              g0_sem, g1_sem, s0_sem, s1_sem, ia_sem, ib_sem):
    c = lax.axis_index("c")
    s = lax.axis_index("s")

    pltpu.sync_copy(zz_hbm.at[pl.ds(s * ROWS_SUB, ROWS_SUB)],
                    accum_sh.at[pl.ds(s * ROWS_SUB, ROWS_SUB)])
    plsc.subcore_barrier()

    pltpu.sync_copy(src_hbm.at[s].at[pl.ds(0, BLK)], src_a)
    pltpu.sync_copy(dst_hbm.at[s].at[pl.ds(0, BLK)], dst_a)

    def do_block(b, h_hbm, src_v, dst_v, cur_sem, nxt_src, nxt_dst, nxt_sem):
        @pl.when(b > 0)
        def _():
            pltpu.make_async_copy(src_hbm.at[s].at[pl.ds(0, BLK)], src_v,
                                  cur_sem).wait()
            pltpu.make_async_copy(dst_hbm.at[s].at[pl.ds(0, BLK)], dst_v,
                                  cur_sem).wait()

        @pl.loop(0, BLK, step=2)
        def _(j):
            @pl.when((b > 0) | (j > 0))
            def _():
                pltpu.make_async_copy(h_hbm.at[pl.ds(0, CHUNK)], rows0_v,
                                      s0_sem).wait()
                pltpu.make_async_copy(h_hbm.at[pl.ds(0, CHUNK)], rows1_v,
                                      s1_sem).wait()

            g0 = pltpu.async_copy(h_hbm.at[src_v.at[j]], rows0_v, g0_sem)
            g1 = pltpu.async_copy(h_hbm.at[src_v.at[j + 1]], rows1_v, g1_sem)

            @pl.when((j == 2) & (b + 1 < NBLK))
            def _():
                pltpu.async_copy(
                    src_hbm.at[s].at[pl.ds((b + 1) * BLK, BLK)], nxt_src,
                    nxt_sem)
                pltpu.async_copy(
                    dst_hbm.at[s].at[pl.ds((b + 1) * BLK, BLK)], nxt_dst,
                    nxt_sem)

            g0.wait()
            pltpu.async_copy(rows0_v, accum_sh.at[dst_v.at[j]], s0_sem,
                             add=True)
            g1.wait()
            pltpu.async_copy(rows1_v, accum_sh.at[dst_v.at[j + 1]], s1_sem,
                             add=True)

    def run(h_hbm):
        @pl.loop(0, NBLK, step=2)
        def _(bb):
            do_block(bb, h_hbm, src_a, dst_a, ia_sem, src_b, dst_b, ib_sem)
            do_block(bb + 1, h_hbm, src_b, dst_b, ib_sem, src_a, dst_a,
                     ia_sem)
        pltpu.make_async_copy(h_hbm.at[pl.ds(0, CHUNK)], rows0_v,
                              s0_sem).wait()
        pltpu.make_async_copy(h_hbm.at[pl.ds(0, CHUNK)], rows1_v,
                              s1_sem).wait()

    @pl.when(c == 0)
    def _():
        run(hlo_hbm)

    @pl.when(c == 1)
    def _():
        run(hhi_hbm)

    plsc.subcore_barrier()

    @pl.when(c == 0)
    def _():
        pltpu.sync_copy(accum_sh.at[pl.ds(s * ROWS_SUB, ROWS_SUB)],
                        alo_hbm.at[pl.ds(s * ROWS_SUB, ROWS_SUB)])

    @pl.when(c == 1)
    def _():
        pltpu.sync_copy(accum_sh.at[pl.ds(s * ROWS_SUB, ROWS_SUB)],
                        ahi_hbm.at[pl.ds(s * ROWS_SUB, ROWS_SUB)])


def _make_agg():
    mesh = plsc.VectorSubcoreMesh(core_axis_name="c", subcore_axis_name="s")
    f32 = jnp.float32
    return pl.kernel(
        _agg_body,
        mesh=mesh,
        out_type=(jax.ShapeDtypeStruct((N_PAD, HALF), f32),
                  jax.ShapeDtypeStruct((N_PAD, HALF), f32)),
        scratch_types=[
            pltpu.VMEM((BLK, CHUNK), jnp.int32),
            pltpu.VMEM((BLK, CHUNK), jnp.int32),
            pltpu.VMEM((BLK, CHUNK), jnp.int32),
            pltpu.VMEM((BLK, CHUNK), jnp.int32),
            pltpu.VMEM((CHUNK, HALF), f32),
            pltpu.VMEM((CHUNK, HALF), f32),
            pltpu.VMEM_SHARED((N_PAD, HALF), f32),
            pltpu.SemaphoreType.DMA,
            pltpu.SemaphoreType.DMA,
            pltpu.SemaphoreType.DMA,
            pltpu.SemaphoreType.DMA,
            pltpu.SemaphoreType.DMA,
            pltpu.SemaphoreType.DMA,
        ],
    )


_agg = _make_agg()



def _enc_body(x_ref, we_ref, be_ref, lo_ref, hi_ref):
    h = jnp.maximum(
        jnp.dot(x_ref[...], we_ref[...], preferred_element_type=jnp.float32)
        + be_ref[...], 0.0)
    lo_ref[...] = h[:, :HALF]
    hi_ref[...] = h[:, HALF:]


def _encode(x, We, be):
    f32 = jnp.float32
    return pl.pallas_call(
        _enc_body,
        grid=(GRID,),
        in_specs=[
            pl.BlockSpec((ROW_TILE, D_IN), lambda i: (i, 0)),
            pl.BlockSpec((D_IN, D), lambda i: (0, 0)),
            pl.BlockSpec((1, D), lambda i: (0, 0)),
        ],
        out_specs=(
            pl.BlockSpec((ROW_TILE, HALF), lambda i: (i, 0)),
            pl.BlockSpec((ROW_TILE, HALF), lambda i: (i, 0)),
        ),
        out_shape=(jax.ShapeDtypeStruct((N, HALF), f32),
                   jax.ShapeDtypeStruct((N, HALF), f32)),
    )(x, We, be)


def _mlp_body(eps_ref, hlo_ref, hhi_ref, alo_ref, ahi_ref,
              w1_ref, b1_ref, w2_ref, b2_ref, lo_ref, hi_ref):
    sc = 1.0 + eps_ref[0]
    zlo = hlo_ref[...] * sc + alo_ref[...]
    zhi = hhi_ref[...] * sc + ahi_ref[...]
    z = jnp.concatenate([zlo, zhi], axis=1)
    t = jnp.maximum(
        jnp.dot(z, w1_ref[...], preferred_element_type=jnp.float32)
        + b1_ref[...], 0.0)
    h = jnp.maximum(
        jnp.dot(t, w2_ref[...], preferred_element_type=jnp.float32)
        + b2_ref[...], 0.0)
    lo_ref[...] = h[:, :HALF]
    hi_ref[...] = h[:, HALF:]


def _mlp(eps, hlo, hhi, alo, ahi, w1, b1, w2, b2):
    f32 = jnp.float32
    return pl.pallas_call(
        _mlp_body,
        grid=(GRID,),
        in_specs=[
            pl.BlockSpec(memory_space=pltpu.SMEM),
            pl.BlockSpec((ROW_TILE, HALF), lambda i: (i, 0)),
            pl.BlockSpec((ROW_TILE, HALF), lambda i: (i, 0)),
            pl.BlockSpec((ROW_TILE, HALF), lambda i: (i, 0)),
            pl.BlockSpec((ROW_TILE, HALF), lambda i: (i, 0)),
            pl.BlockSpec((D, D), lambda i: (0, 0)),
            pl.BlockSpec((1, D), lambda i: (0, 0)),
            pl.BlockSpec((D, D), lambda i: (0, 0)),
            pl.BlockSpec((1, D), lambda i: (0, 0)),
        ],
        out_specs=(
            pl.BlockSpec((ROW_TILE, HALF), lambda i: (i, 0)),
            pl.BlockSpec((ROW_TILE, HALF), lambda i: (i, 0)),
        ),
        out_shape=(jax.ShapeDtypeStruct((N, HALF), f32),
                   jax.ShapeDtypeStruct((N, HALF), f32)),
    )(eps, hlo, hhi, alo, ahi, w1, b1, w2, b2)


def _head_body(hlo_ref, hhi_ref, wh_ref, bh_ref, out_ref):
    z = jnp.concatenate([hlo_ref[...], hhi_ref[...]], axis=1)
    out_ref[...] = (
        jnp.dot(z, wh_ref[...], preferred_element_type=jnp.float32)
        + bh_ref[...])


def _head(hlo, hhi, Wh, bh):
    return pl.pallas_call(
        _head_body,
        grid=(GRID,),
        in_specs=[
            pl.BlockSpec((ROW_TILE, HALF), lambda i: (i, 0)),
            pl.BlockSpec((ROW_TILE, HALF), lambda i: (i, 0)),
            pl.BlockSpec((D, NCLS), lambda i: (0, 0)),
            pl.BlockSpec((1, NCLS), lambda i: (0, 0)),
        ],
        out_specs=pl.BlockSpec((ROW_TILE, NCLS), lambda i: (i, 0)),
        out_shape=jax.ShapeDtypeStruct((N, NCLS), jnp.float32),
    )(hlo, hhi, Wh, bh)



def kernel(x, edge_index, We, be, eps0, w1_0, b1_0, w2_0, b2_0,
           eps1, w1_1, b1_1, w2_1, b2_1, eps2, w1_2, b1_2, w2_2, b2_2,
           Wh, bh):
    ei = edge_index.astype(jnp.int32)
    src_p = jnp.concatenate(
        [ei[0], jnp.zeros((E_PAD - E,), jnp.int32)]).reshape(NS, NBLK * BLK, CHUNK)
    dst_p = jnp.concatenate(
        [ei[1], jnp.full((E_PAD - E,), TRASH, jnp.int32)]).reshape(NS, NBLK * BLK, CHUNK)
    zz = jnp.zeros((N_PAD, HALF), jnp.float32)

    hlo, hhi = _encode(x, We, be.reshape(1, D))

    epss = jnp.stack([eps0, eps1, eps2]).reshape(3, 1)
    w1s = jnp.stack([w1_0, w1_1, w1_2])
    b1s = jnp.stack([b1_0, b1_1, b1_2]).reshape(3, 1, D)
    w2s = jnp.stack([w2_0, w2_1, w2_2])
    b2s = jnp.stack([b2_0, b2_1, b2_2]).reshape(3, 1, D)

    def body(carry, params):
        hlo, hhi = carry
        eps, w1, b1, w2, b2 = params
        alo, ahi = _agg(hlo, hhi, src_p, dst_p, zz)
        hlo, hhi = _mlp(eps, hlo, hhi, alo[:N], ahi[:N], w1, b1, w2, b2)
        return (hlo, hhi), None

    (hlo, hhi), _ = lax.scan(body, (hlo, hhi), (epss, w1s, b1s, w2s, b2s))
    return _head(hlo, hhi, Wh, bh.reshape(1, NCLS))

# --- scband reference (transcript-rebuilt; emitter-appended) ---
"""Pipeline reference for scband-finetune-gnn-62122406969970 (READ-ONLY COPY).

The authoritative reference and input builder live on the scoring server;
editing this copy changes nothing except your own understanding.
"""

import jax, jax.numpy as jnp
import numpy as np

N_NODES = 10000
N_EDGES = 320000
D_IN = 128
GNN_HIDDEN_DIM = 256
NUM_CLASSES = 40
N_LAYERS = 3


def setup_inputs(seed: int = 0) -> dict:
    key = jax.random.key(seed)
    ks = jax.random.split(key, 32)
    inp = {}
    inp['x'] = jax.random.normal(ks[0], (N_NODES, D_IN), dtype=jnp.float32)
    inp['edge_index'] = jax.random.randint(ks[1], (2, N_EDGES), 0, N_NODES, dtype=jnp.int64)
    # InputEncoder: Linear(D_IN -> GNN_HIDDEN_DIM) + ReLU
    inp['We'] = jax.random.normal(ks[2], (D_IN, GNN_HIDDEN_DIM), dtype=jnp.float32) * 0.05
    inp['be'] = jnp.zeros((GNN_HIDDEN_DIM,), dtype=jnp.float32)
    # GIN backbone: 3 layers, each MLP(Linear->ReLU->Linear) with learnable eps
    for i in range(N_LAYERS):
        inp[f'eps{i}'] = jnp.zeros((), dtype=jnp.float32)
        inp[f'w1_{i}'] = jax.random.normal(ks[3 + 4 * i], (GNN_HIDDEN_DIM, GNN_HIDDEN_DIM), dtype=jnp.float32) * 0.05
        inp[f'b1_{i}'] = jnp.zeros((GNN_HIDDEN_DIM,), dtype=jnp.float32)
        inp[f'w2_{i}'] = jax.random.normal(ks[4 + 4 * i], (GNN_HIDDEN_DIM, GNN_HIDDEN_DIM), dtype=jnp.float32) * 0.05
        inp[f'b2_{i}'] = jnp.zeros((GNN_HIDDEN_DIM,), dtype=jnp.float32)
    # Node classification head: single Linear(GNN_HIDDEN_DIM -> NUM_CLASSES)
    inp['Wh'] = jax.random.normal(ks[20], (GNN_HIDDEN_DIM, NUM_CLASSES), dtype=jnp.float32) * 0.05
    inp['bh'] = jnp.zeros((NUM_CLASSES,), dtype=jnp.float32)
    return inp


def reference(x, edge_index, We, be, eps0, w1_0, b1_0, w2_0, b2_0, eps1, w1_1, b1_1, w2_1, b2_1, eps2, w1_2, b1_2, w2_2, b2_2, Wh, bh):
    src = edge_index[0]
    dst = edge_index[1]
    n = x.shape[0]
    # input encoder
    h = jax.nn.relu(x @ We + be)
    layers = [(eps0, w1_0, b1_0, w2_0, b2_0), (eps1, w1_1, b1_1, w2_1, b2_1), (eps2, w1_2, b1_2, w2_2, b2_2)]
    for (eps, w1, b1, w2, b2) in layers:
        # GIN aggregation: sum of neighbor messages (gather on src, scatter-add on dst)
        msgs = jnp.take(h, src, axis=0)
        agg = jax.ops.segment_sum(msgs, dst, num_segments=n)
        z = (1.0 + eps) * h + agg
        h = jax.nn.relu(jax.nn.relu(z @ w1 + b1) @ w2 + b2)
    # node classification head
    out = h @ Wh + bh
    return out

if __name__ == "__main__":
    import jax
    _d = setup_inputs()
    print(jax.jit(kernel)(*tuple(_d.values())))

</pallas_src>

<mosaic_0001>
#map = affine_map<(d0, d1) -> (0, 0)>
#map1 = affine_map<(d0, d1) -> (0, 0, 0)>
module attributes {stable_mosaic.version = 14 : i64} {
  func.func @_agg_body(%arg0: i32, %arg1: i32, %arg2: memref<10000x128xf32, #tpu.memory_space<hbm>>, %arg3: memref<10000x128xf32, #tpu.memory_space<hbm>>, %arg4: memref<16x160x128xi32, #tpu.memory_space<hbm>>, %arg5: memref<16x160x128xi32, #tpu.memory_space<hbm>>, %arg6: memref<10240x128xf32, #tpu.memory_space<hbm>>, %arg7: memref<10240x128xf32, #tpu.memory_space<hbm>>, %arg8: memref<10240x128xf32, #tpu.memory_space<hbm>>, %arg9: memref<16x128xi32, #tpu.memory_space<vmem>>, %arg10: memref<16x128xi32, #tpu.memory_space<vmem>>, %arg11: memref<16x128xi32, #tpu.memory_space<vmem>>, %arg12: memref<16x128xi32, #tpu.memory_space<vmem>>, %arg13: memref<128x128xf32, #tpu.memory_space<vmem>>, %arg14: memref<128x128xf32, #tpu.memory_space<vmem>>, %arg15: memref<10240x128xf32, #tpu.memory_space<vmem_shared>>, %arg16: memref<!tpu.dma_semaphore, #tpu.memory_space<semaphore_mem>>, %arg17: memref<!tpu.dma_semaphore, #tpu.memory_space<semaphore_mem>>, %arg18: memref<!tpu.dma_semaphore, #tpu.memory_space<semaphore_mem>>, %arg19: memref<!tpu.dma_semaphore, #tpu.memory_space<semaphore_mem>>, %arg20: memref<!tpu.dma_semaphore, #tpu.memory_space<semaphore_mem>>, %arg21: memref<!tpu.dma_semaphore, #tpu.memory_space<semaphore_mem>>) attributes {dimension_semantics = [#tpu.dimension_semantics<core_parallel>, #tpu.dimension_semantics<subcore_parallel>], iteration_bounds = array<i64: 2, 16>, scalar_prefetch = 0 : i64, scratch_operands = 13 : i64, tpu.core_type = #tpu.core_type<sc_vector_subcore>, window_params = [{transform_indices = #map}, {transform_indices = #map}, {transform_indices = #map1}, {transform_indices = #map1}, {transform_indices = #map}, {transform_indices = #map}, {transform_indices = #map}]} {
    %mul3A = arith.constant 640 : i32
    %mul3A_0 = arith.muli %arg1, %mul3A : i32
    %mul3A_1 = arith.constant 640 : i32
    %mul3A_2 = arith.muli %arg1, %mul3A_1 : i32
    "tpu.region"() ({
      %run_scoped3A = tpu.sem_alloc : memref<!tpu.dma_semaphore, #tpu.memory_space<semaphore_mem>>
      %dma_start3A = arith.constant 0 : i32
      %dma_start3A_21 = tpu.memref_slice %arg15[%mul3A_2, %dma_start3A] : memref<10240x128xf32, #tpu.memory_space<vmem_shared>> -> memref<640x128xf32, #tpu.memory_space<vmem_shared>>
      %dma_start3A_22 = arith.constant 0 : i32
      %dma_start3A_23 = tpu.memref_slice %arg6[%mul3A_0, %dma_start3A_22] : memref<10240x128xf32, #tpu.memory_space<hbm>> -> memref<640x128xf32, #tpu.memory_space<hbm>>
      tpu.enqueue_dma source(%dma_start3A_23 : memref<640x128xf32, #tpu.memory_space<hbm>>) target(%dma_start3A_21 : memref<640x128xf32, #tpu.memory_space<vmem_shared>>) target_semaphore(%run_scoped3A : memref<!tpu.dma_semaphore, #tpu.memory_space<semaphore_mem>>)
      %dma_wait3A = arith.constant 0 : i32
      %dma_wait3A_24 = tpu.memref_slice %arg15[%mul3A_2, %dma_wait3A] : memref<10240x128xf32, #tpu.memory_space<vmem_shared>> -> memref<640x128xf32, #tpu.memory_space<vmem_shared>>
      %dma_wait3A_25 = arith.constant 0 : i32
      %dma_wait3A_26 = tpu.memref_slice %arg6[%mul3A_0, %dma_wait3A_25] : memref<10240x128xf32, #tpu.memory_space<hbm>> -> memref<640x128xf32, #tpu.memory_space<hbm>>
      tpu.wait_dma2 semaphore(%run_scoped3A : memref<!tpu.dma_semaphore, #tpu.memory_space<semaphore_mem>>) src(%dma_wait3A_26 : memref<640x128xf32, #tpu.memory_space<hbm>>) dst(%dma_wait3A_24 : memref<640x128xf32, #tpu.memory_space<vmem_shared>>)
      tpu.yield
    }) : () -> ()
    %barrier3A = arith.constant 0 : index
    tpu.barrier barrier_id(%barrier3A)
    "tpu.region"() ({
      %run_scoped3A = tpu.sem_alloc : memref<!tpu.dma_semaphore, #tpu.memory_space<semaphore_mem>>
      %dma_start3A = arith.constant 0 : i32
      %dma_start3A_21 = arith.constant 0 : i32
      %dma_start3A_22 = tpu.memref_slice %arg4[%arg1, %dma_start3A, %dma_start3A_21] : memref<16x160x128xi32, #tpu.memory_space<hbm>> -> memref<1x160x128xi32, #tpu.memory_space<hbm>>
      %dma_start3A_23 = tpu.memref_squeeze %dma_start3A_22 : memref<1x160x128xi32, #tpu.memory_space<hbm>> -> memref<160x128xi32, #tpu.memory_space<hbm>>
      %dma_start3A_24 = arith.constant 0 : i32
      %dma_start3A_25 = arith.constant 0 : i32
      %dma_start3A_26 = tpu.memref_slice %dma_start3A_23[%dma_start3A_24, %dma_start3A_25] : memref<160x128xi32, #tpu.memory_space<hbm>> -> memref<16x128xi32, #tpu.memory_space<hbm>>
      %dma_start3A_27 = arith.constant 0 : i32
      %dma_start3A_28 = arith.constant 0 : i32
      %dma_start3A_29 = tpu.memref_slice %arg4[%arg1, %dma_start3A_27, %dma_start3A_28] : memref<16x160x128xi32, #tpu.memory_space<hbm>> -> memref<1x160x128xi32, #tpu.memory_space<hbm>>
      %dma_start3A_30 = tpu.memref_squeeze %dma_start3A_29 : memref<1x160x128xi32, #tpu.memory_space<hbm>> -> memref<160x128xi32, #tpu.memory_space<hbm>>
      %dma_start3A_31 = arith.constant 0 : i32
      %dma_start3A_32 = arith.constant 0 : i32
      %dma_start3A_33 = tpu.memref_slice %dma_start3A_30[%dma_start3A_31, %dma_start3A_32] : memref<160x128xi32, #tpu.memory_space<hbm>> -> memref<16x128xi32, #tpu.memory_space<hbm>>
      tpu.enqueue_dma source(%dma_start3A_33 : memref<16x128xi32, #tpu.memory_space<hbm>>) target(%arg9 : memref<16x128xi32, #tpu.memory_space<vmem>>) target_semaphore(%run_scoped3A : memref<!tpu.dma_semaphore, #tpu.memory_space<semaphore_mem>>)
      %dma_wait3A = arith.constant 0 : i32
      %dma_wait3A_34 = arith.constant 0 : i32
      %dma_wait3A_35 = tpu.memref_slice %arg4[%arg1, %dma_wait3A, %dma_wait3A_34] : memref<16x160x128xi32, #tpu.memory_space<hbm>> -> memref<1x160x128xi32, #tpu.memory_space<hbm>>
      %dma_wait3A_36 = tpu.memref_squeeze %dma_wait3A_35 : memref<1x160x128xi32, #tpu.memory_space<hbm>> -> memref<160x128xi32, #tpu.memory_space<hbm>>
      %dma_wait3A_37 = arith.constant 0 : i32
      %dma_wait3A_38 = arith.constant 0 : i32
      %dma_wait3A_39 = tpu.memref_slice %dma_wait3A_36[%dma_wait3A_37, %dma_wait3A_38] : memref<160x128xi32, #tpu.memory_space<hbm>> -> memref<16x128xi32, #tpu.memory_space<hbm>>
      %dma_wait3A_40 = arith.constant 0 : i32
      %dma_wait3A_41 = arith.constant 0 : i32
      %dma_wait3A_42 = tpu.memref_slice %arg4[%arg1, %dma_wait3A_40, %dma_wait3A_41] : memref<16x160x128xi32, #tpu.memory_space<hbm>> -> memref<1x160x128xi32, #tpu.memory_space<hbm>>
      %dma_wait3A_43 = tpu.memref_squeeze %dma_wait3A_42 : memref<1x160x128xi32, #tpu.memory_space<hbm>> -> memref<160x128xi32, #tpu.memory_space<hbm>>
      %dma_wait3A_44 = arith.constant 0 : i32
      %dma_wait3A_45 = arith.constant 0 : i32
      %dma_wait3A_46 = tpu.memref_slice %dma_wait3A_43[%dma_wait3A_44, %dma_wait3A_45] : memref<160x128xi32, #tpu.memory_space<hbm>> -> memref<16x128xi32, #tpu.memory_space<hbm>>
      tpu.wait_dma2 semaphore(%run_scoped3A : memref<!tpu.dma_semaphore, #tpu.memory_space<semaphore_mem>>) src(%dma_wait3A_46 : memref<16x128xi32, #tpu.memory_space<hbm>>) dst(%arg9 : memref<16x128xi32, #tpu.memory_space<vmem>>)
      tpu.yield
    }) : () -> ()
    "tpu.region"() ({
      %run_scoped3A = tpu.sem_alloc : memref<!tpu.dma_semaphore, #tpu.memory_space<semaphore_mem>>
      %dma_start3A = arith.constant 0 : i32
      %dma_start3A_21 = arith.constant 0 : i32
      %dma_start3A_22 = tpu.memref_slice %arg5[%arg1, %dma_start3A, %dma_start3A_21] : memref<16x160x128xi32, #tpu.memory_space<hbm>> -> memref<1x160x128xi32, #tpu.memory_space<hbm>>
      %dma_start3A_23 = tpu.memref_squeeze %dma_start3A_22 : memref<1x160x128xi32, #tpu.memory_space<hbm>> -> memref<160x128xi32, #tpu.memory_space<hbm>>
      %dma_start3A_24 = arith.constant 0 : i32
      %dma_start3A_25 = arith.constant 0 : i32
      %dma_start3A_26 = tpu.memref_slice %dma_start3A_23[%dma_start3A_24, %dma_start3A_25] : memref<160x128xi32, #tpu.memory_space<hbm>> -> memref<16x128xi32, #tpu.memory_space<hbm>>
      %dma_start3A_27 = arith.constant 0 : i32
      %dma_start3A_28 = arith.constant 0 : i32
      %dma_start3A_29 = tpu.memref_slice %arg5[%arg1, %dma_start3A_27, %dma_start3A_28] : memref<16x160x128xi32, #tpu.memory_space<hbm>> -> memref<1x160x128xi32, #tpu.memory_space<hbm>>
      %dma_start3A_30 = tpu.memref_squeeze %dma_start3A_29 : memref<1x160x128xi32, #tpu.memory_space<hbm>> -> memref<160x128xi32, #tpu.memory_space<hbm>>
      %dma_start3A_31 = arith.constant 0 : i32
      %dma_start3A_32 = arith.constant 0 : i32
      %dma_start3A_33 = tpu.memref_slice %dma_start3A_30[%dma_start3A_31, %dma_start3A_32] : memref<160x128xi32, #tpu.memory_space<hbm>> -> memref<16x128xi32, #tpu.memory_space<hbm>>
      tpu.enqueue_dma source(%dma_start3A_33 : memref<16x128xi32, #tpu.memory_space<hbm>>) target(%arg10 : memref<16x128xi32, #tpu.memory_space<vmem>>) target_semaphore(%run_scoped3A : memref<!tpu.dma_semaphore, #tpu.memory_space<semaphore_mem>>)
      %dma_wait3A = arith.constant 0 : i32
      %dma_wait3A_34 = arith.constant 0 : i32
      %dma_wait3A_35 = tpu.memref_slice %arg5[%arg1, %dma_wait3A, %dma_wait3A_34] : memref<16x160x128xi32, #tpu.memory_space<hbm>> -> memref<1x160x128xi32, #tpu.memory_space<hbm>>
      %dma_wait3A_36 = tpu.memref_squeeze %dma_wait3A_35 : memref<1x160x128xi32, #tpu.memory_space<hbm>> -> memref<160x128xi32, #tpu.memory_space<hbm>>
      %dma_wait3A_37 = arith.constant 0 : i32
      %dma_wait3A_38 = arith.constant 0 : i32
      %dma_wait3A_39 = tpu.memref_slice %dma_wait3A_36[%dma_wait3A_37, %dma_wait3A_38] : memref<160x128xi32, #tpu.memory_space<hbm>> -> memref<16x128xi32, #tpu.memory_space<hbm>>
      %dma_wait3A_40 = arith.constant 0 : i32
      %dma_wait3A_41 = arith.constant 0 : i32
      %dma_wait3A_42 = tpu.memref_slice %arg5[%arg1, %dma_wait3A_40, %dma_wait3A_41] : memref<16x160x128xi32, #tpu.memory_space<hbm>> -> memref<1x160x128xi32, #tpu.memory_space<hbm>>
      %dma_wait3A_43 = tpu.memref_squeeze %dma_wait3A_42 : memref<1x160x128xi32, #tpu.memory_space<hbm>> -> memref<160x128xi32, #tpu.memory_space<hbm>>
      %dma_wait3A_44 = arith.constant 0 : i32
      %dma_wait3A_45 = arith.constant 0 : i32
      %dma_wait3A_46 = tpu.memref_slice %dma_wait3A_43[%dma_wait3A_44, %dma_wait3A_45] : memref<160x128xi32, #tpu.memory_space<hbm>> -> memref<16x128xi32, #tpu.memory_space<hbm>>
      tpu.wait_dma2 semaphore(%run_scoped3A : memref<!tpu.dma_semaphore, #tpu.memory_space<semaphore_mem>>) src(%dma_wait3A_46 : memref<16x128xi32, #tpu.memory_space<hbm>>) dst(%arg10 : memref<16x128xi32, #tpu.memory_space<vmem>>)
      tpu.yield
    }) : () -> ()
    %eq3A = arith.constant 0 : i32
    %eq3A_3 = arith.cmpi eq, %arg0, %eq3A : i32
    %convert_element_type3A = arith.extui %eq3A_3 : i1 to i32
    %cond3A = arith.constant 0 : i32
    %cond3A_4 = arith.cmpi ne, %convert_element_type3A, %cond3A : i32
    scf.if %cond3A_4 {
      %scan3A = arith.constant 0 : i32
      %scan3A_21 = arith.constant 5 : i32
      %scan3A_22 = arith.addi %scan3A, %scan3A_21 : i32
      %scan3A_23 = arith.constant 1 : i32
      scf.for %scan3A_36 = %scan3A to %scan3A_22 step %scan3A_23  : i32 {
        %mul3A_37 = arith.constant 2 : i32
        %mul3A_38 = arith.muli %scan3A_36, %mul3A_37 : i32
        %add3A = arith.constant 0 : i32
        %add3A_39 = arith.addi %add3A, %mul3A_38 : i32
        %gt3A = arith.constant 0 : i32
        %gt3A_40 = arith.cmpi sgt, %add3A_39, %gt3A : i32
        %convert_element_type3A_41 = arith.extui %gt3A_40 : i1 to i32
        %cond3A_42 = arith.constant 0 : i32
        %cond3A_43 = arith.cmpi ne, %convert_element_type3A_41, %cond3A_42 : i32
        scf.if %cond3A_43 {
          %dma_wait3A_61 = arith.constant 0 : i32
          %dma_wait3A_62 = arith.constant 0 : i32
          %dma_wait3A_63 = tpu.memref_slice %arg4[%arg1, %dma_wait3A_61, %dma_wait3A_62] : memref<16x160x128xi32, #tpu.memory_space<hbm>> -> memref<1x160x128xi32, #tpu.memory_space<hbm>>
          %dma_wait3A_64 = tpu.memref_squeeze %dma_wait3A_63 : memref<1x160x128xi32, #tpu.memory_space<hbm>> -> memref<160x128xi32, #tpu.memory_space<hbm>>
          %dma_wait3A_65 = arith.constant 0 : i32
          %dma_wait3A_66 = arith.constant 0 : i32
          %dma_wait3A_67 = tpu.memref_slice %dma_wait3A_64[%dma_wait3A_65, %dma_wait3A_66] : memref<160x128xi32, #tpu.memory_space<hbm>> -> memref<16x128xi32, #tpu.memory_space<hbm>>
          %dma_wait3A_68 = arith.constant 0 : i32
          %dma_wait3A_69 = arith.constant 0 : i32
          %dma_wait3A_70 = tpu.memref_slice %arg4[%arg1, %dma_wait3A_68, %dma_wait3A_69] : memref<16x160x128xi32, #tpu.memory_space<hbm>> -> memref<1x160x128xi32, #tpu.memory_space<hbm>>
          %dma_wait3A_71 = tpu.memref_squeeze %dma_wait3A_70 : memref<1x160x128xi32, #tpu.memory_space<hbm>> -> memref<160x128xi32, #tpu.memory_space<hbm>>
          %dma_wait3A_72 = arith.constant 0 : i32
          %dma_wait3A_73 = arith.constant 0 : i32
          %dma_wait3A_74 = tpu.memref_slice %dma_wait3A_71[%dma_wait3A_72, %dma_wait3A_73] : memref<160x128xi32, #tpu.memory_space<hbm>> -> memref<16x128xi32, #tpu.memory_space<hbm>>
          tpu.wait_dma2 semaphore(%arg20 : memref<!tpu.dma_semaphore, #tpu.memory_space<semaphore_mem>>) src(%dma_wait3A_74 : memref<16x128xi32, #tpu.memory_space<hbm>>) dst(%arg9 : memref<16x128xi32, #tpu.memory_space<vmem>>)
          %dma_wait3A_75 = arith.constant 0 : i32
          %dma_wait3A_76 = arith.constant 0 : i32
          %dma_wait3A_77 = tpu.memref_slice %arg5[%arg1, %dma_wait3A_75, %dma_wait3A_76] : memref<16x160x128xi32, #tpu.memory_space<hbm>> -> memref<1x160x128xi32, #tpu.memory_space<hbm>>
          %dma_wait3A_78 = tpu.memref_squeeze %dma_wait3A_77 : memref<1x160x128xi32, #tpu.memory_space<hbm>> -> memref<160x128xi32, #tpu.memory_space<hbm>>
          %dma_wait3A_79 = arith.constant 0 : i32
          %dma_wait3A_80 = arith.constant 0 : i32
          %dma_wait3A_81 = tpu.memref_slice %dma_wait3A_78[%dma_wait3A_79, %dma_wait3A_80] : memref<160x128xi32, #tpu.memory_space<hbm>> -> memref<16x128xi32, #tpu.memory_space<hbm>>
          %dma_wait3A_82 = arith.constant 0 : i32
          %dma_wait3A_83 = arith.constant 0 : i32
          %dma_wait3A_84 = tpu.memref_slice %arg5[%arg1, %dma_wait3A_82, %dma_wait3A_83] : memref<16x160x128xi32, #tpu.memory_space<hbm>> -> memref<1x160x128xi32, #tpu.memory_space<hbm>>
          %dma_wait3A_85 = tpu.memref_squeeze %dma_wait3A_84 : memref<1x160x128xi32, #tpu.memory_space<hbm>> -> memref<160x128xi32, #tpu.memory_space<hbm>>
          %dma_wait3A_86 = arith.constant 0 : i32
          %dma_wait3A_87 = arith.constant 0 : i32
          %dma_wait3A_88 = tpu.memref_slice %dma_wait3A_85[%dma_wait3A_86, %dma_wait3A_87] : memref<160x128xi32, #tpu.memory_space<hbm>> -> memref<16x128xi32, #tpu.memory_space<hbm>>
          tpu.wait_dma2 semaphore(%arg20 : memref<!tpu.dma_semaphore, #tpu.memory_space<semaphore_mem>>) src(%dma_wait3A_88 : memref<16x128xi32, #tpu.memory_space<hbm>>) dst(%arg10 : memref<16x128xi32, #tpu.memory_space<vmem>>)
        } else {
        }
        %scan3A_44 = arith.constant 0 : i32
        %scan3A_45 = arith.constant 8 : i32
        %scan3A_46 = arith.addi %scan3A_44, %scan3A_45 : i32
        %scan3A_47 = arith.constant 1 : i32
        scf.for %scan3A_61 = %scan3A_44 to %scan3A_46 step %scan3A_47  : i32 {
          %mul3A_62 = arith.constant 2 : i32
          %mul3A_63 = arith.muli %scan3A_61, %mul3A_62 : i32
          %add3A_64 = arith.constant 0 : i32
          %add3A_65 = arith.addi %add3A_64, %mul3A_63 : i32
          %gt3A_66 = arith.constant 0 : i32
          %gt3A_67 = arith.cmpi sgt, %add3A_39, %gt3A_66 : i32
          %gt3A_68 = arith.constant 0 : i32
          %gt3A_69 = arith.cmpi sgt, %add3A_65, %gt3A_68 : i32
          %or3A = arith.ori %gt3A_67, %gt3A_69 : i1
          %convert_element_type3A_70 = arith.extui %or3A : i1 to i32
          %cond3A_71 = arith.constant 0 : i32
          %cond3A_72 = arith.cmpi ne, %convert_element_type3A_70, %cond3A_71 : i32
          scf.if %cond3A_72 {
            %dma_wait3A_120 = arith.constant 0 : i32
            %dma_wait3A_121 = arith.constant 0 : i32
            %dma_wait3A_122 = tpu.memref_slice %arg2[%dma_wait3A_120, %dma_wait3A_121] : memref<10000x128xf32, #tpu.memory_space<hbm>> -> memref<128x128xf32, #tpu.memory_space<hbm>>
            %dma_wait3A_123 = arith.constant 0 : i32
            %dma_wait3A_124 = arith.constant 0 : i32
            %dma_wait3A_125 = tpu.memref_slice %arg2[%dma_wait3A_123, %dma_wait3A_124] : memref<10000x128xf32, #tpu.memory_space<hbm>> -> memref<128x128xf32, #tpu.memory_space<hbm>>
            tpu.wait_dma2 semaphore(%arg18 : memref<!tpu.dma_semaphore, #tpu.memory_space<semaphore_mem>>) src(%dma_wait3A_125 : memref<128x128xf32, #tpu.memory_space<hbm>>) dst(%arg13 : memref<128x128xf32, #tpu.memory_space<vmem>>)
            %dma_wait3A_126 = arith.constant 0 : i32
            %dma_wait3A_127 = arith.constant 0 : i32
            %dma_wait3A_128 = tpu.memref_slice %arg2[%dma_wait3A_126, %dma_wait3A_127] : memref<10000x128xf32, #tpu.memory_space<hbm>> -> memref<128x128xf32, #tpu.memory_space<hbm>>
            %dma_wait3A_129 = arith.constant 0 : i32
            %dma_wait3A_130 = arith.constant 0 : i32
            %dma_wait3A_131 = tpu.memref_slice %arg2[%dma_wait3A_129, %dma_wait3A_130] : memref<10000x128xf32, #tpu.memory_space<hbm>> -> memref<128x128xf32, #tpu.memory_space<hbm>>
            tpu.wait_dma2 semaphore(%arg19 : memref<!tpu.dma_semaphore, #tpu.memory_space<semaphore_mem>>) src(%dma_wait3A_131 : memref<128x128xf32, #tpu.memory_space<hbm>>) dst(%arg14 : memref<128x128xf32, #tpu.memory_space<vmem>>)
          } else {
          }
          %dma_start3A = arith.constant 0 : i32
          %dma_start3A_73 = tpu.memref_slice %arg9[%add3A_65, %dma_start3A] : memref<16x128xi32, #tpu.memory_space<vmem>> -> memref<1x128xi32, #tpu.memory_space<vmem>>
          %dma_start3A_74 = tpu.memref_squeeze %dma_start3A_73 : memref<1x128xi32, #tpu.memory_space<vmem>> -> memref<128xi32, #tpu.memory_space<vmem>>
          %dma_start3A_75 = arith.constant 0 : i32
          %dma_start3A_76 = arith.constant 0 : i32
          %dma_start3A_77 = tpu.memref_slice %arg2[%dma_start3A_75, %dma_start3A_76] : memref<10000x128xf32, #tpu.memory_space<hbm>> -> memref<10000x128xf32, #tpu.memory_space<hbm>>
          tpu.enqueue_indirect_dma source(%dma_start3A_77 : memref<10000x128xf32, #tpu.memory_space<hbm>>) target(%arg13 : memref<128x128xf32, #tpu.memory_space<vmem>>) offsets(%dma_start3A_74 : memref<128xi32, #tpu.memory_space<vmem>>) semaphore(%arg16 : memref<!tpu.dma_semaphore, #tpu.memory_space<semaphore_mem>>)
          %add3A_78 = arith.constant 1 : i32
          %add3A_79 = arith.addi %add3A_65, %add3A_78 : i32
          %dma_start3A_80 = arith.constant 0 : i32
          %dma_start3A_81 = tpu.memref_slice %arg9[%add3A_79, %dma_start3A_80] : memref<16x128xi32, #tpu.memory_space<vmem>> -> memref<1x128xi32, #tpu.memory_space<vmem>>
          %dma_start3A_82 = tpu.memref_squeeze %dma_start3A_81 : memref<1x128xi32, #tpu.memory_space<vmem>> -> memref<128xi32, #tpu.memory_space<vmem>>
          %dma_start3A_83 = arith.constant 0 : i32
          %dma_start3A_84 = arith.constant 0 : i32
          %dma_start3A_85 = tpu.memref_slice %arg2[%dma_start3A_83, %dma_start3A_84] : memref<10000x128xf32, #tpu.memory_space<hbm>> -> memref<10000x128xf32, #tpu.memory_space<hbm>>
          tpu.enqueue_indirect_dma source(%dma_start3A_85 : memref<10000x128xf32, #tpu.memory_space<hbm>>) target(%arg14 : memref<128x128xf32, #tpu.memory_space<vmem>>) offsets(%dma_start3A_82 : memref<128xi32, #tpu.memory_space<vmem>>) semaphore(%arg17 : memref<!tpu.dma_semaphore, #tpu.memory_space<semaphore_mem>>)
          %eq3A_86 = arith.constant 2 : i32
          %eq3A_87 = arith.cmpi eq, %add3A_65, %eq3A_86 : i32
          %add3A_88 = arith.constant 1 : i32
          %add3A_89 = arith.addi %add3A_39, %add3A_88 : i32
          %lt3A = arith.constant 10 : i32
          %lt3A_90 = arith.cmpi slt, %add3A_89, %lt3A : i32
          %and3A = arith.andi %eq3A_87, %lt3A_90 : i1
          %convert_element_type3A_91 = arith.extui %and3A : i1 to i32
          %cond3A_92 = arith.constant 0 : i32
          %cond3A_93 = arith.cmpi ne, %convert_element_type3A_91, %cond3A_92 : i32
          scf.if %cond3A_93 {
            %add3A_120 = arith.constant 1 : i32
            %add3A_121 = arith.addi %add3A_39, %add3A_120 : i32
            %mul3A_122 = arith.constant 16 : i32
            %mul3A_123 = arith.muli %add3A_121, %mul3A_122 : i32
            %dma_start3A_124 = arith.constant 0 : i32
            %dma_start3A_125 = arith.constant 0 : i32
            %dma_start3A_126 = tpu.memref_slice %arg4[%arg1, %dma_start3A_124, %dma_start3A_125] : memref<16x160x128xi32, #tpu.memory_space<hbm>> -> memref<1x160x128xi32, #tpu.memory_space<hbm>>
            %dma_start3A_127 = tpu.memref_squeeze %dma_start3A_126 : memref<1x160x128xi32, #tpu.memory_space<hbm>> -> memref<160x128xi32, #tpu.memory_space<hbm>>
            %dma_start3A_128 = arith.constant 0 : i32
            %dma_start3A_129 = tpu.memref_slice %dma_start3A_127[%mul3A_123, %dma_start3A_128] : memref<160x128xi32, #tpu.memory_space<hbm>> -> memref<16x128xi32, #tpu.memory_space<hbm>>
            %dma_start3A_130 = arith.constant 0 : i32
            %dma_start3A_131 = arith.constant 0 : i32
            %dma_start3A_132 = tpu.memref_slice %arg4[%arg1, %dma_start3A_130, %dma_start3A_131] : memref<16x160x128xi32, #tpu.memory_space<hbm>> -> memref<1x160x128xi32, #tpu.memory_space<hbm>>
            %dma_start3A_133 = tpu.memref_squeeze %dma_start3A_132 : memref<1x160x128xi32, #tpu.memory_space<hbm>> -> memref<160x128xi32, #tpu.memory_space<hbm>>
            %dma_start3A_134 = arith.constant 0 : i32
            %dma_start3A_135 = tpu.memref_slice %dma_start3A_133[%mul3A_123, %dma_start3A_134] : memref<160x128xi32, #tpu.memory_space<hbm>> -> memref<16x128xi32, #tpu.memory_space<hbm>>
            tpu.enqueue_dma source(%dma_start3A_135 : memref<16x128xi32, #tpu.memory_space<hbm>>) target(%arg11 : memref<16x128xi32, #tpu.memory_space<vmem>>) target_semaphore(%arg21 : memref<!tpu.dma_semaphore, #tpu.memory_space<semaphore_mem>>)
            %add3A_136 = arith.constant 1 : i32
            %add3A_137 = arith.addi %add3A_39, %add3A_136 : i32
            %mul3A_138 = arith.constant 16 : i32
            %mul3A_139 = arith.muli %add3A_137, %mul3A_138 : i32
            %dma_start3A_140 = arith.constant 0 : i32
            %dma_start3A_141 = arith.constant 0 : i32
            %dma_start3A_142 = tpu.memref_slice %arg5[%arg1, %dma_start3A_140, %dma_start3A_141] : memref<16x160x128xi32, #tpu.memory_space<hbm>> -> memref<1x160x128xi32, #tpu.memory_space<hbm>>
            %dma_start3A_143 = tpu.memref_squeeze %dma_start3A_142 : memref<1x160x128xi32, #tpu.memory_space<hbm>> -> memref<160x128xi32, #tpu.memory_space<hbm>>
            %dma_start3A_144 = arith.constant 0 : i32
            %dma_start3A_145 = tpu.memref_slice %dma_start3A_143[%mul3A_139, %dma_start3A_144] : memref<160x128xi32, #tpu.memory_space<hbm>> -> memref<16x128xi32, #tpu.memory_space<hbm>>
            %dma_start3A_146 = arith.constant 0 : i32
            %dma_start3A_147 = arith.constant 0 : i32
            %dma_start3A_148 = tpu.memref_slice %arg5[%arg1, %dma_start3A_146, %dma_start3A_147] : memref<16x160x128xi32, #tpu.memory_space<hbm>> -> memref<1x160x128xi32, #tpu.memory_space<hbm>>
            %dma_start3A_149 = tpu.memref_squeeze %dma_start3A_148 : memref<1x160x128xi32, #tpu.memory_space<hbm>> -> memref<160x128xi32, #tpu.memory_space<hbm>>
            %dma_start3A_150 = arith.constant 0 : i32
            %dma_start3A_151 = tpu.memref_slice %dma_start3A_149[%mul3A_139, %dma_start3A_150] : memref<160x128xi32, #tpu.memory_space<hbm>> -> memref<16x128xi32, #tpu.memory_space<hbm>>
            tpu.enqueue_dma source(%dma_start3A_151 : memref<16x128xi32, #tpu.memory_space<hbm>>) target(%arg12 : memref<16x128xi32, #tpu.memory_space<vmem>>) target_semaphore(%arg21 : memref<!tpu.dma_semaphore, #tpu.memory_space<semaphore_mem>>)
          } else {
          }
          %dma_wait3A_94 = arith.constant 0 : i32
          %dma_wait3A_95 = tpu.memref_slice %arg9[%add3A_65, %dma_wait3A_94] : memref<16x128xi32, #tpu.memory_space<vmem>> -> memref<1x128xi32, #tpu.memory_space<vmem>>
          %dma_wait3A_96 = tpu.memref_squeeze %dma_wait3A_95 : memref<1x128xi32, #tpu.memory_space<vmem>> -> memref<128xi32, #tpu.memory_space<vmem>>
          %dma_wait3A_97 = arith.constant 0 : i32
          %dma_wait3A_98 = arith.constant 0 : i32
          %dma_wait3A_99 = tpu.memref_slice %arg2[%dma_wait3A_97, %dma_wait3A_98] : memref<10000x128xf32, #tpu.memory_space<hbm>> -> memref<10000x128xf32, #tpu.memory_space<hbm>>
          tpu.wait_indirect_dma semaphore(%arg16 : memref<!tpu.dma_semaphore, #tpu.memory_space<semaphore_mem>>) src(%dma_wait3A_99 : memref<10000x128xf32, #tpu.memory_space<hbm>>) dst(%arg13 : memref<128x128xf32, #tpu.memory_space<vmem>>)
          %dma_start3A_100 = arith.constant 0 : i32
          %dma_start3A_101 = tpu.memref_slice %arg10[%add3A_65, %dma_start3A_100] : memref<16x128xi32, #tpu.memory_space<vmem>> -> memref<1x128xi32, #tpu.memory_space<vmem>>
          %dma_start3A_102 = tpu.memref_squeeze %dma_start3A_101 : memref<1x128xi32, #tpu.memory_space<vmem>> -> memref<128xi32, #tpu.memory_space<vmem>>
          %dma_start3A_103 = arith.constant 0 : i32
          %dma_start3A_104 = arith.constant 0 : i32
          %dma_start3A_105 = tpu.memref_slice %arg15[%dma_start3A_103, %dma_start3A_104] : memref<10240x128xf32, #tpu.memory_space<vmem_shared>> -> memref<10240x128xf32, #tpu.memory_space<vmem_shared>>
          tpu.enqueue_indirect_dma source(%arg13 : memref<128x128xf32, #tpu.memory_space<vmem>>) target(%dma_start3A_105 : memref<10240x128xf32, #tpu.memory_space<vmem_shared>>) offsets(%dma_start3A_102 : memref<128xi32, #tpu.memory_space<vmem>>) semaphore(%arg18 : memref<!tpu.dma_semaphore, #tpu.memory_space<semaphore_mem>>) {add = true}
          %dma_wait3A_106 = arith.constant 0 : i32
          %dma_wait3A_107 = tpu.memref_slice %arg9[%add3A_79, %dma_wait3A_106] : memref<16x128xi32, #tpu.memory_space<vmem>> -> memref<1x128xi32, #tpu.memory_space<vmem>>
          %dma_wait3A_108 = tpu.memref_squeeze %dma_wait3A_107 : memref<1x128xi32, #tpu.memory_space<vmem>> -> memref<128xi32, #tpu.memory_space<vmem>>
          %dma_wait3A_109 = arith.constant 0 : i32
          %dma_wait3A_110 = arith.constant 0 : i32
          %dma_wait3A_111 = tpu.memref_slice %arg2[%dma_wait3A_109, %dma_wait3A_110] : memref<10000x128xf32, #tpu.memory_space<hbm>> -> memref<10000x128xf32, #tpu.memory_space<hbm>>
          tpu.wait_indirect_dma semaphore(%arg17 : memref<!tpu.dma_semaphore, #tpu.memory_space<semaphore_mem>>) src(%dma_wait3A_111 : memref<10000x128xf32, #tpu.memory_space<hbm>>) dst(%arg14 : memref<128x128xf32, #tpu.memory_space<vmem>>)
          %add3A_112 = arith.constant 1 : i32
          %add3A_113 = arith.addi %add3A_65, %add3A_112 : i32
          %dma_start3A_114 = arith.constant 0 : i32
          %dma_start3A_115 = tpu.memref_slice %arg10[%add3A_113, %dma_start3A_114] : memref<16x128xi32, #tpu.memory_space<vmem>> -> memref<1x128xi32, #tpu.memory_space<vmem>>
          %dma_start3A_116 = tpu.memref_squeeze %dma_start3A_115 : memref<1x128xi32, #tpu.memory_space<vmem>> -> memref<128xi32, #tpu.memory_space<vmem>>
          %dma_start3A_117 = arith.constant 0 : i32
          %dma_start3A_118 = arith.constant 0 : i32
          %dma_start3A_119 = tpu.memref_slice %arg15[%dma_start3A_117, %dma_start3A_118] : memref<10240x128xf32, #tpu.memory_space<vmem_shared>> -> memref<10240x128xf32, #tpu.memory_space<vmem_shared>>
          tpu.enqueue_indirect_dma source(%arg14 : memref<128x128xf32, #tpu.memory_space<vmem>>) target(%dma_start3A_119 : memref<10240x128xf32, #tpu.memory_space<vmem_shared>>) offsets(%dma_start3A_116 : memref<128xi32, #tpu.memory_space<vmem>>) semaphore(%arg19 : memref<!tpu.dma_semaphore, #tpu.memory_space<semaphore_mem>>) {add = true}
        }
        %scan3A_48 = arith.constant 8 : i32
        %add3A_49 = arith.constant 1 : i32
        %add3A_50 = arith.addi %add3A_39, %add3A_49 : i32
        %gt3A_51 = arith.constant 0 : i32
        %gt3A_52 = arith.cmpi sgt, %add3A_50, %gt3A_51 : i32
        %convert_element_type3A_53 = arith.extui %gt3A_52 : i1 to i32
        %cond3A_54 = arith.constant 0 : i32
        %cond3A_55 = arith.cmpi ne, %convert_element_type3A_53, %cond3A_54 : i32
        scf.if %cond3A_55 {
          %dma_wait3A_61 = arith.constant 0 : i32
          %dma_wait3A_62 = arith.constant 0 : i32
          %dma_wait3A_63 = tpu.memref_slice %arg4[%arg1, %dma_wait3A_61, %dma_wait3A_62] : memref<16x160x128xi32, #tpu.memory_space<hbm>> -> memref<1x160x128xi32, #tpu.memory_space<hbm>>
          %dma_wait3A_64 = tpu.memref_squeeze %dma_wait3A_63 : memref<1x160x128xi32, #tpu.memory_space<hbm>> -> memref<160x128xi32, #tpu.memory_space<hbm>>
          %dma_wait3A_65 = arith.constant 0 : i32
          %dma_wait3A_66 = arith.constant 0 : i32
          %dma_wait3A_67 = tpu.memref_slice %dma_wait3A_64[%dma_wait3A_65, %dma_wait3A_66] : memref<160x128xi32, #tpu.memory_space<hbm>> -> memref<16x128xi32, #tpu.memory_space<hbm>>
          %dma_wait3A_68 = arith.constant 0 : i32
          %dma_wait3A_69 = arith.constant 0 : i32
          %dma_wait3A_70 = tpu.memref_slice %arg4[%arg1, %dma_wait3A_68, %dma_wait3A_69] : memref<16x160x128xi32, #tpu.memory_space<hbm>> -> memref<1x160x128xi32, #tpu.memory_space<hbm>>
          %dma_wait3A_71 = tpu.memref_squeeze %dma_wait3A_70 : memref<1x160x128xi32, #tpu.memory_space<hbm>> -> memref<160x128xi32, #tpu.memory_space<hbm>>
          %dma_wait3A_72 = arith.constant 0 : i32
          %dma_wait3A_73 = arith.constant 0 : i32
          %dma_wait3A_74 = tpu.memref_slice %dma_wait3A_71[%dma_wait3A_72, %dma_wait3A_73] : memref<160x128xi32, #tpu.memory_space<hbm>> -> memref<16x128xi32, #tpu.memory_space<hbm>>
          tpu.wait_dma2 semaphore(%arg21 : memref<!tpu.dma_semaphore, #tpu.memory_space<semaphore_mem>>) src(%dma_wait3A_74 : memref<16x128xi32, #tpu.memory_space<hbm>>) dst(%arg11 : memref<16x128xi32, #tpu.memory_space<vmem>>)
          %dma_wait3A_75 = arith.constant 0 : i32
          %dma_wait3A_76 = arith.constant 0 : i32
          %dma_wait3A_77 = tpu.memref_slice %arg5[%arg1, %dma_wait3A_75, %dma_wait3A_76] : memref<16x160x128xi32, #tpu.memory_space<hbm>> -> memref<1x160x128xi32, #tpu.memory_space<hbm>>
          %dma_wait3A_78 = tpu.memref_squeeze %dma_wait3A_77 : memref<1x160x128xi32, #tpu.memory_space<hbm>> -> memref<160x128xi32, #tpu.memory_space<hbm>>
          %dma_wait3A_79 = arith.constant 0 : i32
          %dma_wait3A_80 = arith.constant 0 : i32
          %dma_wait3A_81 = tpu.memref_slice %dma_wait3A_78[%dma_wait3A_79, %dma_wait3A_80] : memref<160x128xi32, #tpu.memory_space<hbm>> -> memref<16x128xi32, #tpu.memory_space<hbm>>
          %dma_wait3A_82 = arith.constant 0 : i32
          %dma_wait3A_83 = arith.constant 0 : i32
          %dma_wait3A_84 = tpu.memref_slice %arg5[%arg1, %dma_wait3A_82, %dma_wait3A_83] : memref<16x160x128xi32, #tpu.memory_space<hbm>> -> memref<1x160x128xi32, #tpu.memory_space<hbm>>
          %dma_wait3A_85 = tpu.memref_squeeze %dma_wait3A_84 : memref<1x160x128xi32, #tpu.memory_space<hbm>> -> memref<160x128xi32, #tpu.memory_space<hbm>>
          %dma_wait3A_86 = arith.constant 0 : i32
          %dma_wait3A_87 = arith.constant 0 : i32
          %dma_wait3A_88 = tpu.memref_slice %dma_wait3A_85[%dma_wait3A_86, %dma_wait3A_87] : memref<160x128xi32, #tpu.memory_space<hbm>> -> memref<16x128xi32, #tpu.memory_space<hbm>>
          tpu.wait_dma2 semaphore(%arg21 : memref<!tpu.dma_semaphore, #tpu.memory_space<semaphore_mem>>) src(%dma_wait3A_88 : memref<16x128xi32, #tpu.memory_space<hbm>>) dst(%arg12 : memref<16x128xi32, #tpu.memory_space<vmem>>)
        } else {
        }
        %scan3A_56 = arith.constant 0 : i32
        %scan3A_57 = arith.constant 8 : i32
        %scan3A_58 = arith.addi %scan3A_56, %scan3A_57 : i32
        %scan3A_59 = arith.constant 1 : i32
        scf.for %scan3A_61 = %scan3A_56 to %scan3A_58 step %scan3A_59  : i32 {
          %mul3A_62 = arith.constant 2 : i32
          %mul3A_63 = arith.muli %scan3A_61, %mul3A_62 : i32
          %add3A_64 = arith.constant 0 : i32
          %add3A_65 = arith.addi %add3A_64, %mul3A_63 : i32
          %gt3A_66 = arith.constant 0 : i32
          %gt3A_67 = arith.cmpi sgt, %add3A_50, %gt3A_66 : i32
          %gt3A_68 = arith.constant 0 : i32
          %gt3A_69 = arith.cmpi sgt, %add3A_65, %gt3A_68 : i32
          %or3A = arith.ori %gt3A_67, %gt3A_69 : i1
          %convert_element_type3A_70 = arith.extui %or3A : i1 to i32
          %cond3A_71 = arith.constant 0 : i32
          %cond3A_72 = arith.cmpi ne, %convert_element_type3A_70, %cond3A_71 : i32
          scf.if %cond3A_72 {
            %dma_wait3A_120 = arith.constant 0 : i32
            %dma_wait3A_121 = arith.constant 0 : i32
            %dma_wait3A_122 = tpu.memref_slice %arg2[%dma_wait3A_120, %dma_wait3A_121] : memref<10000x128xf32, #tpu.memory_space<hbm>> -> memref<128x128xf32, #tpu.memory_space<hbm>>
            %dma_wait3A_123 = arith.constant 0 : i32
            %dma_wait3A_124 = arith.constant 0 : i32
            %dma_wait3A_125 = tpu.memref_slice %arg2[%dma_wait3A_123, %dma_wait3A_124] : memref<10000x128xf32, #tpu.memory_space<hbm>> -> memref<128x128xf32, #tpu.memory_space<hbm>>
            tpu.wait_dma2 semaphore(%arg18 : memref<!tpu.dma_semaphore, #tpu.memory_space<semaphore_mem>>) src(%dma_wait3A_125 : memref<128x128xf32, #tpu.memory_space<hbm>>) dst(%arg13 : memref<128x128xf32, #tpu.memory_space<vmem>>)
            %dma_wait3A_126 = arith.constant 0 : i32
            %dma_wait3A_127 = arith.constant 0 : i32
            %dma_wait3A_128 = tpu.memref_slice %arg2[%dma_wait3A_126, %dma_wait3A_127] : memref<10000x128xf32, #tpu.memory_space<hbm>> -> memref<128x128xf32, #tpu.memory_space<hbm>>
            %dma_wait3A_129 = arith.constant 0 : i32
            %dma_wait3A_130 = arith.constant 0 : i32
            %dma_wait3A_131 = tpu.memref_slice %arg2[%dma_wait3A_129, %dma_wait3A_130] : memref<10000x128xf32, #tpu.memory_space<hbm>> -> memref<128x128xf32, #tpu.memory_space<hbm>>
            tpu.wait_dma2 semaphore(%arg19 : memref<!tpu.dma_semaphore, #tpu.memory_space<semaphore_mem>>) src(%dma_wait3A_131 : memref<128x128xf32, #tpu.memory_space<hbm>>) dst(%arg14 : memref<128x128xf32, #tpu.memory_space<vmem>>)
          } else {
          }
          %dma_start3A = arith.constant 0 : i32
          %dma_start3A_73 = tpu.memref_slice %arg11[%add3A_65, %dma_start3A] : memref<16x128xi32, #tpu.memory_space<vmem>> -> memref<1x128xi32, #tpu.memory_space<vmem>>
          %dma_start3A_74 = tpu.memref_squeeze %dma_start3A_73 : memref<1x128xi32, #tpu.memory_space<vmem>> -> memref<128xi32, #tpu.memory_space<vmem>>
          %dma_start3A_75 = arith.constant 0 : i32
          %dma_start3A_76 = arith.constant 0 : i32
          %dma_start3A_77 = tpu.memref_slice %arg2[%dma_start3A_75, %dma_start3A_76] : memref<10000x128xf32, #tpu.memory_space<hbm>> -> memref<10000x128xf32, #tpu.memory_space<hbm>>
          tpu.enqueue_indirect_dma source(%dma_start3A_77 : memref<10000x128xf32, #tpu.memory_space<hbm>>) target(%arg13 : memref<128x128xf32, #tpu.memory_space<vmem>>) offsets(%dma_start3A_74 : memref<128xi32, #tpu.memory_space<vmem>>) semaphore(%arg16 : memref<!tpu.dma_semaphore, #tpu.memory_space<semaphore_mem>>)
          %add3A_78 = arith.constant 1 : i32
          %add3A_79 = arith.addi %add3A_65, %add3A_78 : i32
          %dma_start3A_80 = arith.constant 0 : i32
          %dma_start3A_81 = tpu.memref_slice %arg11[%add3A_79, %dma_start3A_80] : memref<16x128xi32, #tpu.memory_space<vmem>> -> memref<1x128xi32, #tpu.memory_space<vmem>>
          %dma_start3A_82 = tpu.memref_squeeze %dma_start3A_81 : memref<1x128xi32, #tpu.memory_space<vmem>> -> memref<128xi32, #tpu.memory_space<vmem>>
          %dma_start3A_83 = arith.constant 0 : i32
          %dma_start3A_84 = arith.constant 0 : i32
          %dma_start3A_85 = tpu.memref_slice %arg2[%dma_start3A_83, %dma_start3A_84] : memref<10000x128xf32, #tpu.memory_space<hbm>> -> memref<10000x128xf32, #tpu.memory_space<hbm>>
          tpu.enqueue_indirect_dma source(%dma_start3A_85 : memref<10000x128xf32, #tpu.memory_space<hbm>>) target(%arg14 : memref<128x128xf32, #tpu.memory_space<vmem>>) offsets(%dma_start3A_82 : memref<128xi32, #tpu.memory_space<vmem>>) semaphore(%arg17 : memref<!tpu.dma_semaphore, #tpu.memory_space<semaphore_mem>>)
          %eq3A_86 = arith.constant 2 : i32
          %eq3A_87 = arith.cmpi eq, %add3A_65, %eq3A_86 : i32
          %add3A_88 = arith.constant 1 : i32
          %add3A_89 = arith.addi %add3A_50, %add3A_88 : i32
          %lt3A = arith.constant 10 : i32
          %lt3A_90 = arith.cmpi slt, %add3A_89, %lt3A : i32
          %and3A = arith.andi %eq3A_87, %lt3A_90 : i1
          %convert_element_type3A_91 = arith.extui %and3A : i1 to i32
          %cond3A_92 = arith.constant 0 : i32
          %cond3A_93 = arith.cmpi ne, %convert_element_type3A_91, %cond3A_92 : i32
          scf.if %cond3A_93 {
            %add3A_120 = arith.constant 1 : i32
            %add3A_121 = arith.addi %add3A_50, %add3A_120 : i32
            %mul3A_122 = arith.constant 16 : i32
            %mul3A_123 = arith.muli %add3A_121, %mul3A_122 : i32
            %dma_start3A_124 = arith.constant 0 : i32
            %dma_start3A_125 = arith.constant 0 : i32
            %dma_start3A_126 = tpu.memref_slice %arg4[%arg1, %dma_start3A_124, %dma_start3A_125] : memref<16x160x128xi32, #tpu.memory_space<hbm>> -> memref<1x160x128xi32, #tpu.memory_space<hbm>>
            %dma_start3A_127 = tpu.memref_squeeze %dma_start3A_126 : memref<1x160x128xi32, #tpu.memory_space<hbm>> -> memref<160x128xi32, #tpu.memory_space<hbm>>
            %dma_start3A_128 = arith.constant 0 : i32
            %dma_start3A_129 = tpu.memref_slice %dma_start3A_127[%mul3A_123, %dma_start3A_128] : memref<160x128xi32, #tpu.memory_space<hbm>> -> memref<16x128xi32, #tpu.memory_space<hbm>>
            %dma_start3A_130 = arith.constant 0 : i32
            %dma_start3A_131 = arith.constant 0 : i32
            %dma_start3A_132 = tpu.memref_slice %arg4[%arg1, %dma_start3A_130, %dma_start3A_131] : memref<16x160x128xi32, #tpu.memory_space<hbm>> -> memref<1x160x128xi32, #tpu.memory_space<hbm>>
            %dma_start3A_133 = tpu.memref_squeeze %dma_start3A_132 : memref<1x160x128xi32, #tpu.memory_space<hbm>> -> memref<160x128xi32, #tpu.memory_space<hbm>>
            %dma_start3A_134 = arith.constant 0 : i32
            %dma_start3A_135 = tpu.memref_slice %dma_start3A_133[%mul3A_123, %dma_start3A_134] : memref<160x128xi32, #tpu.memory_space<hbm>> -> memref<16x128xi32, #tpu.memory_space<hbm>>
            tpu.enqueue_dma source(%dma_start3A_135 : memref<16x128xi32, #tpu.memory_space<hbm>>) target(%arg9 : memref<16x128xi32, #tpu.memory_space<vmem>>) target_semaphore(%arg20 : memref<!tpu.dma_semaphore, #tpu.memory_space<semaphore_mem>>)
            %add3A_136 = arith.constant 1 : i32
            %add3A_137 = arith.addi %add3A_50, %add3A_136 : i32
            %mul3A_138 = arith.constant 16 : i32
            %mul3A_139 = arith.muli %add3A_137, %mul3A_138 : i32
            %dma_start3A_140 = arith.constant 0 : i32
            %dma_start3A_141 = arith.constant 0 : i32
            %dma_start3A_142 = tpu.memref_slice %arg5[%arg1, %dma_start3A_140, %dma_start3A_141] : memref<16x160x128xi32, #tpu.memory_space<hbm>> -> memref<1x160x128xi32, #tpu.memory_space<hbm>>
            %dma_start3A_143 = tpu.memref_squeeze %dma_start3A_142 : memref<1x160x128xi32, #tpu.memory_space<hbm>> -> memref<160x128xi32, #tpu.memory_space<hbm>>
            %dma_start3A_144 = arith.constant 0 : i32
            %dma_start3A_145 = tpu.memref_slice %dma_start3A_143[%mul3A_139, %dma_start3A_144] : memref<160x128xi32, #tpu.memory_space<hbm>> -> memref<16x128xi32, #tpu.memory_space<hbm>>
            %dma_start3A_146 = arith.constant 0 : i32
            %dma_start3A_147 = arith.constant 0 : i32
            %dma_start3A_148 = tpu.memref_slice %arg5[%arg1, %dma_start3A_146, %dma_start3A_147] : memref<16x160x128xi32, #tpu.memory_space<hbm>> -> memref<1x160x128xi32, #tpu.memory_space<hbm>>
            %dma_start3A_149 = tpu.memref_squeeze %dma_start3A_148 : memref<1x160x128xi32, #tpu.memory_space<hbm>> -> memref<160x128xi32, #tpu.memory_space<hbm>>
            %dma_start3A_150 = arith.constant 0 : i32
            %dma_start3A_151 = tpu.memref_slice %dma_start3A_149[%mul3A_139, %dma_start3A_150] : memref<160x128xi32, #tpu.memory_space<hbm>> -> memref<16x128xi32, #tpu.memory_space<hbm>>
            tpu.enqueue_dma source(%dma_start3A_151 : memref<16x128xi32, #tpu.memory_space<hbm>>) target(%arg10 : memref<16x128xi32, #tpu.memory_space<vmem>>) target_semaphore(%arg20 : memref<!tpu.dma_semaphore, #tpu.memory_space<semaphore_mem>>)
          } else {
          }
          %dma_wait3A_94 = arith.constant 0 : i32
          %dma_wait3A_95 = tpu.memref_slice %arg11[%add3A_65, %dma_wait3A_94] : memref<16x128xi32, #tpu.memory_space<vmem>> -> memref<1x128xi32, #tpu.memory_space<vmem>>
          %dma_wait3A_96 = tpu.memref_squeeze %dma_wait3A_95 : memref<1x128xi32, #tpu.memory_space<vmem>> -> memref<128xi32, #tpu.memory_space<vmem>>
          %dma_wait3A_97 = arith.constant 0 : i32
          %dma_wait3A_98 = arith.constant 0 : i32
          %dma_wait3A_99 = tpu.memref_slice %arg2[%dma_wait3A_97, %dma_wait3A_98] : memref<10000x128xf32, #tpu.memory_space<hbm>> -> memref<10000x128xf32, #tpu.memory_space<hbm>>
          tpu.wait_indirect_dma semaphore(%arg16 : memref<!tpu.dma_semaphore, #tpu.memory_space<semaphore_mem>>) src(%dma_wait3A_99 : memref<10000x128xf32, #tpu.memory_space<hbm>>) dst(%arg13 : memref<128x128xf32, #tpu.memory_space<vmem>>)
          %dma_start3A_100 = arith.constant 0 : i32
          %dma_start3A_101 = tpu.memref_slice %arg12[%add3A_65, %dma_start3A_100] : memref<16x128xi32, #tpu.memory_space<vmem>> -> memref<1x128xi32, #tpu.memory_space<vmem>>
          %dma_start3A_102 = tpu.memref_squeeze %dma_start3A_101 : memref<1x128xi32, #tpu.memory_space<vmem>> -> memref<128xi32, #tpu.memory_space<vmem>>
          %dma_start3A_103 = arith.constant 0 : i32
          %dma_start3A_104 = arith.constant 0 : i32
          %dma_start3A_105 = tpu.memref_slice %arg15[%dma_start3A_103, %dma_start3A_104] : memref<10240x128xf32, #tpu.memory_space<vmem_shared>> -> memref<10240x128xf32, #tpu.memory_space<vmem_shared>>
          tpu.enqueue_indirect_dma source(%arg13 : memref<128x128xf32, #tpu.memory_space<vmem>>) target(%dma_start3A_105 : memref<10240x128xf32, #tpu.memory_space<vmem_shared>>) offsets(%dma_start3A_102 : memref<128xi32, #tpu.memory_space<vmem>>) semaphore(%arg18 : memref<!tpu.dma_semaphore, #tpu.memory_space<semaphore_mem>>) {add = true}
          %dma_wait3A_106 = arith.constant 0 : i32
          %dma_wait3A_107 = tpu.memref_slice %arg11[%add3A_79, %dma_wait3A_106] : memref<16x128xi32, #tpu.memory_space<vmem>> -> memref<1x128xi32, #tpu.memory_space<vmem>>
          %dma_wait3A_108 = tpu.memref_squeeze %dma_wait3A_107 : memref<1x128xi32, #tpu.memory_space<vmem>> -> memref<128xi32, #tpu.memory_space<vmem>>
          %dma_wait3A_109 = arith.constant 0 : i32
          %dma_wait3A_110 = arith.constant 0 : i32
          %dma_wait3A_111 = tpu.memref_slice %arg2[%dma_wait3A_109, %dma_wait3A_110] : memref<10000x128xf32, #tpu.memory_space<hbm>> -> memref<10000x128xf32, #tpu.memory_space<hbm>>
          tpu.wait_indirect_dma semaphore(%arg17 : memref<!tpu.dma_semaphore, #tpu.memory_space<semaphore_mem>>) src(%dma_wait3A_111 : memref<10000x128xf32, #tpu.memory_space<hbm>>) dst(%arg14 : memref<128x128xf32, #tpu.memory_space<vmem>>)
          %add3A_112 = arith.constant 1 : i32
          %add3A_113 = arith.addi %add3A_65, %add3A_112 : i32
          %dma_start3A_114 = arith.constant 0 : i32
          %dma_start3A_115 = tpu.memref_slice %arg12[%add3A_113, %dma_start3A_114] : memref<16x128xi32, #tpu.memory_space<vmem>> -> memref<1x128xi32, #tpu.memory_space<vmem>>
          %dma_start3A_116 = tpu.memref_squeeze %dma_start3A_115 : memref<1x128xi32, #tpu.memory_space<vmem>> -> memref<128xi32, #tpu.memory_space<vmem>>
          %dma_start3A_117 = arith.constant 0 : i32
          %dma_start3A_118 = arith.constant 0 : i32
          %dma_start3A_119 = tpu.memref_slice %arg15[%dma_start3A_117, %dma_start3A_118] : memref<10240x128xf32, #tpu.memory_space<vmem_shared>> -> memref<10240x128xf32, #tpu.memory_space<vmem_shared>>
          tpu.enqueue_indirect_dma source(%arg14 : memref<128x128xf32, #tpu.memory_space<vmem>>) target(%dma_start3A_119 : memref<10240x128xf32, #tpu.memory_space<vmem_shared>>) offsets(%dma_start3A_116 : memref<128xi32, #tpu.memory_space<vmem>>) semaphore(%arg19 : memref<!tpu.dma_semaphore, #tpu.memory_space<semaphore_mem>>) {add = true}
        }
        %scan3A_60 = arith.constant 8 : i32
      }
      %scan3A_24 = arith.constant 5 : i32
      %dma_wait3A = arith.constant 0 : i32
      %dma_wait3A_25 = arith.constant 0 : i32
      %dma_wait3A_26 = tpu.memref_slice %arg2[%dma_wait3A, %dma_wait3A_25] : memref<10000x128xf32, #tpu.memory_space<hbm>> -> memref<128x128xf32, #tpu.memory_space<hbm>>
      %dma_wait3A_27 = arith.constant 0 : i32
      %dma_wait3A_28 = arith.constant 0 : i32
      %dma_wait3A_29 = tpu.memref_slice %arg2[%dma_wait3A_27, %dma_wait3A_28] : memref<10000x128xf32, #tpu.memory_space<hbm>> -> memref<128x128xf32, #tpu.memory_space<hbm>>
      tpu.wait_dma2 semaphore(%arg18 : memref<!tpu.dma_semaphore, #tpu.memory_space<semaphore_mem>>) src(%dma_wait3A_29 : memref<128x128xf32, #tpu.memory_space<hbm>>) dst(%arg13 : memref<128x128xf32, #tpu.memory_space<vmem>>)
      %dma_wait3A_30 = arith.constant 0 : i32
      %dma_wait3A_31 = arith.constant 0 : i32
      %dma_wait3A_32 = tpu.memref_slice %arg2[%dma_wait3A_30, %dma_wait3A_31] : memref<10000x128xf32, #tpu.memory_space<hbm>> -> memref<128x128xf32, #tpu.memory_space<hbm>>
      %dma_wait3A_33 = arith.constant 0 : i32
      %dma_wait3A_34 = arith.constant 0 : i32
      %dma_wait3A_35 = tpu.memref_slice %arg2[%dma_wait3A_33, %dma_wait3A_34] : memref<10000x128xf32, #tpu.memory_space<hbm>> -> memref<128x128xf32, #tpu.memory_space<hbm>>
      tpu.wait_dma2 semaphore(%arg19 : memref<!tpu.dma_semaphore, #tpu.memory_space<semaphore_mem>>) src(%dma_wait3A_35 : memref<128x128xf32, #tpu.memory_space<hbm>>) dst(%arg14 : memref<128x128xf32, #tpu.memory_space<vmem>>)
    } else {
    }
    %eq3A_5 = arith.constant 1 : i32
    %eq3A_6 = arith.cmpi eq, %arg0, %eq3A_5 : i32
    %convert_element_type3A_7 = arith.extui %eq3A_6 : i1 to i32
    %cond3A_8 = arith.constant 0 : i32
    %cond3A_9 = arith.cmpi ne, %convert_element_type3A_7, %cond3A_8 : i32
    scf.if %cond3A_9 {
      %scan3A = arith.constant 0 : i32
      %scan3A_21 = arith.constant 5 : i32
      %scan3A_22 = arith.addi %scan3A, %scan3A_21 : i32
      %scan3A_23 = arith.constant 1 : i32
      scf.for %scan3A_36 = %scan3A to %scan3A_22 step %scan3A_23  : i32 {
        %mul3A_37 = arith.constant 2 : i32
        %mul3A_38 = arith.muli %scan3A_36, %mul3A_37 : i32
        %add3A = arith.constant 0 : i32
        %add3A_39 = arith.addi %add3A, %mul3A_38 : i32
        %gt3A = arith.constant 0 : i32
        %gt3A_40 = arith.cmpi sgt, %add3A_39, %gt3A : i32
        %convert_element_type3A_41 = arith.extui %gt3A_40 : i1 to i32
        %cond3A_42 = arith.constant 0 : i32
        %cond3A_43 = arith.cmpi ne, %convert_element_type3A_41, %cond3A_42 : i32
        scf.if %cond3A_43 {
          %dma_wait3A_61 = arith.constant 0 : i32
          %dma_wait3A_62 = arith.constant 0 : i32
          %dma_wait3A_63 = tpu.memref_slice %arg4[%arg1, %dma_wait3A_61, %dma_wait3A_62] : memref<16x160x128xi32, #tpu.memory_space<hbm>> -> memref<1x160x128xi32, #tpu.memory_space<hbm>>
          %dma_wait3A_64 = tpu.memref_squeeze %dma_wait3A_63 : memref<1x160x128xi32, #tpu.memory_space<hbm>> -> memref<160x128xi32, #tpu.memory_space<hbm>>
          %dma_wait3A_65 = arith.constant 0 : i32
          %dma_wait3A_66 = arith.constant 0 : i32
          %dma_wait3A_67 = tpu.memref_slice %dma_wait3A_64[%dma_wait3A_65, %dma_wait3A_66] : memref<160x128xi32, #tpu.memory_space<hbm>> -> memref<16x128xi32, #tpu.memory_space<hbm>>
          %dma_wait3A_68 = arith.constant 0 : i32
          %dma_wait3A_69 = arith.constant 0 : i32
          %dma_wait3A_70 = tpu.memref_slice %arg4[%arg1, %dma_wait3A_68, %dma_wait3A_69] : memref<16x160x128xi32, #tpu.memory_space<hbm>> -> memref<1x160x128xi32, #tpu.memory_space<hbm>>
          %dma_wait3A_71 = tpu.memref_squeeze %dma_wait3A_70 : memref<1x160x128xi32, #tpu.memory_space<hbm>> -> memref<160x128xi32, #tpu.memory_space<hbm>>
          %dma_wait3A_72 = arith.constant 0 : i32
          %dma_wait3A_73 = arith.constant 0 : i32
          %dma_wait3A_74 = tpu.memref_slice %dma_wait3A_71[%dma_wait3A_72, %dma_wait3A_73] : memref<160x128xi32, #tpu.memory_space<hbm>> -> memref<16x128xi32, #tpu.memory_space<hbm>>
          tpu.wait_dma2 semaphore(%arg20 : memref<!tpu.dma_semaphore, #tpu.memory_space<semaphore_mem>>) src(%dma_wait3A_74 : memref<16x128xi32, #tpu.memory_space<hbm>>) dst(%arg9 : memref<16x128xi32, #tpu.memory_space<vmem>>)
          %dma_wait3A_75 = arith.constant 0 : i32
          %dma_wait3A_76 = arith.constant 0 : i32
          %dma_wait3A_77 = tpu.memref_slice %arg5[%arg1, %dma_wait3A_75, %dma_wait3A_76] : memref<16x160x128xi32, #tpu.memory_space<hbm>> -> memref<1x160x128xi32, #tpu.memory_space<hbm>>
          %dma_wait3A_78 = tpu.memref_squeeze %dma_wait3A_77 : memref<1x160x128xi32, #tpu.memory_space<hbm>> -> memref<160x128xi32, #tpu.memory_space<hbm>>
          %dma_wait3A_79 = arith.constant 0 : i32
          %dma_wait3A_80 = arith.constant 0 : i32
          %dma_wait3A_81 = tpu.memref_slice %dma_wait3A_78[%dma_wait3A_79, %dma_wait3A_80] : memref<160x128xi32, #tpu.memory_space<hbm>> -> memref<16x128xi32, #tpu.memory_space<hbm>>
          %dma_wait3A_82 = arith.constant 0 : i32
          %dma_wait3A_83 = arith.constant 0 : i32
          %dma_wait3A_84 = tpu.memref_slice %arg5[%arg1, %dma_wait3A_82, %dma_wait3A_83] : memref<16x160x128xi32, #tpu.memory_space<hbm>> -> memref<1x160x128xi32, #tpu.memory_space<hbm>>
          %dma_wait3A_85 = tpu.memref_squeeze %dma_wait3A_84 : memref<1x160x128xi32, #tpu.memory_space<hbm>> -> memref<160x128xi32, #tpu.memory_space<hbm>>
          %dma_wait3A_86 = arith.constant 0 : i32
          %dma_wait3A_87 = arith.constant 0 : i32
          %dma_wait3A_88 = tpu.memref_slice %dma_wait3A_85[%dma_wait3A_86, %dma_wait3A_87] : memref<160x128xi32, #tpu.memory_space<hbm>> -> memref<16x128xi32, #tpu.memory_space<hbm>>
          tpu.wait_dma2 semaphore(%arg20 : memref<!tpu.dma_semaphore, #tpu.memory_space<semaphore_mem>>) src(%dma_wait3A_88 : memref<16x128xi32, #tpu.memory_space<hbm>>) dst(%arg10 : memref<16x128xi32, #tpu.memory_space<vmem>>)
        } else {
        }
        %scan3A_44 = arith.constant 0 : i32
        %scan3A_45 = arith.constant 8 : i32
        %scan3A_46 = arith.addi %scan3A_44, %scan3A_45 : i32
        %scan3A_47 = arith.constant 1 : i32
        scf.for %scan3A_61 = %scan3A_44 to %scan3A_46 step %scan3A_47  : i32 {
          %mul3A_62 = arith.constant 2 : i32
          %mul3A_63 = arith.muli %scan3A_61, %mul3A_62 : i32
          %add3A_64 = arith.constant 0 : i32
          %add3A_65 = arith.addi %add3A_64, %mul3A_63 : i32
          %gt3A_66 = arith.constant 0 : i32
          %gt3A_67 = arith.cmpi sgt, %add3A_39, %gt3A_66 : i32
          %gt3A_68 = arith.constant 0 : i32
          %gt3A_69 = arith.cmpi sgt, %add3A_65, %gt3A_68 : i32
          %or3A = arith.ori %gt3A_67, %gt3A_69 : i1
          %convert_element_type3A_70 = arith.extui %or3A : i1 to i32
          %cond3A_71 = arith.constant 0 : i32
          %cond3A_72 = arith.cmpi ne, %convert_element_type3A_70, %cond3A_71 : i32
          scf.if %cond3A_72 {
            %dma_wait3A_120 = arith.constant 0 : i32
            %dma_wait3A_121 = arith.constant 0 : i32
            %dma_wait3A_122 = tpu.memref_slice %arg3[%dma_wait3A_120, %dma_wait3A_121] : memref<10000x128xf32, #tpu.memory_space<hbm>> -> memref<128x128xf32, #tpu.memory_space<hbm>>
            %dma_wait3A_123 = arith.constant 0 : i32
            %dma_wait3A_124 = arith.constant 0 : i32
            %dma_wait3A_125 = tpu.memref_slice %arg3[%dma_wait3A_123, %dma_wait3A_124] : memref<10000x128xf32, #tpu.memory_space<hbm>> -> memref<128x128xf32, #tpu.memory_space<hbm>>
            tpu.wait_dma2 semaphore(%arg18 : memref<!tpu.dma_semaphore, #tpu.memory_space<semaphore_mem>>) src(%dma_wait3A_125 : memref<128x128xf32, #tpu.memory_space<hbm>>) dst(%arg13 : memref<128x128xf32, #tpu.memory_space<vmem>>)
            %dma_wait3A_126 = arith.constant 0 : i32
            %dma_wait3A_127 = arith.constant 0 : i32
            %dma_wait3A_128 = tpu.memref_slice %arg3[%dma_wait3A_126, %dma_wait3A_127] : memref<10000x128xf32, #tpu.memory_space<hbm>> -> memref<128x128xf32, #tpu.memory_space<hbm>>
            %dma_wait3A_129 = arith.constant 0 : i32
            %dma_wait3A_130 = arith.constant 0 : i32
            %dma_wait3A_131 = tpu.memref_slice %arg3[%dma_wait3A_129, %dma_wait3A_130] : memref<10000x128xf32, #tpu.memory_space<hbm>> -> memref<128x128xf32, #tpu.memory_space<hbm>>
            tpu.wait_dma2 semaphore(%arg19 : memref<!tpu.dma_semaphore, #tpu.memory_space<semaphore_mem>>) src(%dma_wait3A_131 : memref<128x128xf32, #tpu.memory_space<hbm>>) dst(%arg14 : memref<128x128xf32, #tpu.memory_space<vmem>>)
          } else {
          }
          %dma_start3A = arith.constant 0 : i32
          %dma_start3A_73 = tpu.memref_slice %arg9[%add3A_65, %dma_start3A] : memref<16x128xi32, #tpu.memory_space<vmem>> -> memref<1x128xi32, #tpu.memory_space<vmem>>
          %dma_start3A_74 = tpu.memref_squeeze %dma_start3A_73 : memref<1x128xi32, #tpu.memory_space<vmem>> -> memref<128xi32, #tpu.memory_space<vmem>>
          %dma_start3A_75 = arith.constant 0 : i32
          %dma_start3A_76 = arith.constant 0 : i32
          %dma_start3A_77 = tpu.memref_slice %arg3[%dma_start3A_75, %dma_start3A_76] : memref<10000x128xf32, #tpu.memory_space<hbm>> -> memref<10000x128xf32, #tpu.memory_space<hbm>>
          tpu.enqueue_indirect_dma source(%dma_start3A_77 : memref<10000x128xf32, #tpu.memory_space<hbm>>) target(%arg13 : memref<128x128xf32, #tpu.memory_space<vmem>>) offsets(%dma_start3A_74 : memref<128xi32, #tpu.memory_space<vmem>>) semaphore(%arg16 : memref<!tpu.dma_semaphore, #tpu.memory_space<semaphore_mem>>)
          %add3A_78 = arith.constant 1 : i32
          %add3A_79 = arith.addi %add3A_65, %add3A_78 : i32
          %dma_start3A_80 = arith.constant 0 : i32
          %dma_start3A_81 = tpu.memref_slice %arg9[%add3A_79, %dma_start3A_80] : memref<16x128xi32, #tpu.memory_space<vmem>> -> memref<1x128xi32, #tpu.memory_space<vmem>>
          %dma_start3A_82 = tpu.memref_squeeze %dma_start3A_81 : memref<1x128xi32, #tpu.memory_space<vmem>> -> memref<128xi32, #tpu.memory_space<vmem>>
          %dma_start3A_83 = arith.constant 0 : i32
          %dma_start3A_84 = arith.constant 0 : i32
          %dma_start3A_85 = tpu.memref_slice %arg3[%dma_start3A_83, %dma_start3A_84] : memref<10000x128xf32, #tpu.memory_space<hbm>> -> memref<10000x128xf32, #tpu.memory_space<hbm>>
          tpu.enqueue_indirect_dma source(%dma_start3A_85 : memref<10000x128xf32, #tpu.memory_space<hbm>>) target(%arg14 : memref<128x128xf32, #tpu.memory_space<vmem>>) offsets(%dma_start3A_82 : memref<128xi32, #tpu.memory_space<vmem>>) semaphore(%arg17 : memref<!tpu.dma_semaphore, #tpu.memory_space<semaphore_mem>>)
          %eq3A_86 = arith.constant 2 : i32
          %eq3A_87 = arith.cmpi eq, %add3A_65, %eq3A_86 : i32
          %add3A_88 = arith.constant 1 : i32
          %add3A_89 = arith.addi %add3A_39, %add3A_88 : i32
          %lt3A = arith.constant 10 : i32
          %lt3A_90 = arith.cmpi slt, %add3A_89, %lt3A : i32
          %and3A = arith.andi %eq3A_87, %lt3A_90 : i1
          %convert_element_type3A_91 = arith.extui %and3A : i1 to i32
          %cond3A_92 = arith.constant 0 : i32
          %cond3A_93 = arith.cmpi ne, %convert_element_type3A_91, %cond3A_92 : i32
          scf.if %cond3A_93 {
            %add3A_120 = arith.constant 1 : i32
            %add3A_121 = arith.addi %add3A_39, %add3A_120 : i32
            %mul3A_122 = arith.constant 16 : i32
            %mul3A_123 = arith.muli %add3A_121, %mul3A_122 : i32
            %dma_start3A_124 = arith.constant 0 : i32
            %dma_start3A_125 = arith.constant 0 : i32
            %dma_start3A_126 = tpu.memref_slice %arg4[%arg1, %dma_start3A_124, %dma_start3A_125] : memref<16x160x128xi32, #tpu.memory_space<hbm>> -> memref<1x160x128xi32, #tpu.memory_space<hbm>>
            %dma_start3A_127 = tpu.memref_squeeze %dma_start3A_126 : memref<1x160x128xi32, #tpu.memory_space<hbm>> -> memref<160x128xi32, #tpu.memory_space<hbm>>
            %dma_start3A_128 = arith.constant 0 : i32
            %dma_start3A_129 = tpu.memref_slice %dma_start3A_127[%mul3A_123, %dma_start3A_128] : memref<160x128xi32, #tpu.memory_space<hbm>> -> memref<16x128xi32, #tpu.memory_space<hbm>>
            %dma_start3A_130 = arith.constant 0 : i32
            %dma_start3A_131 = arith.constant 0 : i32
            %dma_start3A_132 = tpu.memref_slice %arg4[%arg1, %dma_start3A_130, %dma_start3A_131] : memref<16x160x128xi32, #tpu.memory_space<hbm>> -> memref<1x160x128xi32, #tpu.memory_space<hbm>>
            %dma_start3A_133 = tpu.memref_squeeze %dma_start3A_132 : memref<1x160x128xi32, #tpu.memory_space<hbm>> -> memref<160x128xi32, #tpu.memory_space<hbm>>
            %dma_start3A_134 = arith.constant 0 : i32
            %dma_start3A_135 = tpu.memref_slice %dma_start3A_133[%mul3A_123, %dma_start3A_134] : memref<160x128xi32, #tpu.memory_space<hbm>> -> memref<16x128xi32, #tpu.memory_space<hbm>>
            tpu.enqueue_dma source(%dma_start3A_135 : memref<16x128xi32, #tpu.memory_space<hbm>>) target(%arg11 : memref<16x128xi32, #tpu.memory_space<vmem>>) target_semaphore(%arg21 : memref<!tpu.dma_semaphore, #tpu.memory_space<semaphore_mem>>)
            %add3A_136 = arith.constant 1 : i32
            %add3A_137 = arith.addi %add3A_39, %add3A_136 : i32
            %mul3A_138 = arith.constant 16 : i32
            %mul3A_139 = arith.muli %add3A_137, %mul3A_138 : i32
            %dma_start3A_140 = arith.constant 0 : i32
            %dma_start3A_141 = arith.constant 0 : i32
            %dma_start3A_142 = tpu.memref_slice %arg5[%arg1, %dma_start3A_140, %dma_start3A_141] : memref<16x160x128xi32, #tpu.memory_space<hbm>> -> memref<1x160x128xi32, #tpu.memory_space<hbm>>
            %dma_start3A_143 = tpu.memref_squeeze %dma_start3A_142 : memref<1x160x128xi32, #tpu.memory_space<hbm>> -> memref<160x128xi32, #tpu.memory_space<hbm>>
            %dma_start3A_144 = arith.constant 0 : i32
            %dma_start3A_145 = tpu.memref_slice %dma_start3A_143[%mul3A_139, %dma_start3A_144] : memref<160x128xi32, #tpu.memory_space<hbm>> -> memref<16x128xi32, #tpu.memory_space<hbm>>
            %dma_start3A_146 = arith.constant 0 : i32
            %dma_start3A_147 = arith.constant 0 : i32
            %dma_start3A_148 = tpu.memref_slice %arg5[%arg1, %dma_start3A_146, %dma_start3A_147] : memref<16x160x128xi32, #tpu.memory_space<hbm>> -> memref<1x160x128xi32, #tpu.memory_space<hbm>>
            %dma_start3A_149 = tpu.memref_squeeze %dma_start3A_148 : memref<1x160x128xi32, #tpu.memory_space<hbm>> -> memref<160x128xi32, #tpu.memory_space<hbm>>
            %dma_start3A_150 = arith.constant 0 : i32
            %dma_start3A_151 = tpu.memref_slice %dma_start3A_149[%mul3A_139, %dma_start3A_150] : memref<160x128xi32, #tpu.memory_space<hbm>> -> memref<16x128xi32, #tpu.memory_space<hbm>>
            tpu.enqueue_dma source(%dma_start3A_151 : memref<16x128xi32, #tpu.memory_space<hbm>>) target(%arg12 : memref<16x128xi32, #tpu.memory_space<vmem>>) target_semaphore(%arg21 : memref<!tpu.dma_semaphore, #tpu.memory_space<semaphore_mem>>)
          } else {
          }
          %dma_wait3A_94 = arith.constant 0 : i32
          %dma_wait3A_95 = tpu.memref_slice %arg9[%add3A_65, %dma_wait3A_94] : memref<16x128xi32, #tpu.memory_space<vmem>> -> memref<1x128xi32, #tpu.memory_space<vmem>>
          %dma_wait3A_96 = tpu.memref_squeeze %dma_wait3A_95 : memref<1x128xi32, #tpu.memory_space<vmem>> -> memref<128xi32, #tpu.memory_space<vmem>>
          %dma_wait3A_97 = arith.constant 0 : i32
          %dma_wait3A_98 = arith.constant 0 : i32
          %dma_wait3A_99 = tpu.memref_slice %arg3[%dma_wait3A_97, %dma_wait3A_98] : memref<10000x128xf32, #tpu.memory_space<hbm>> -> memref<10000x128xf32, #tpu.memory_space<hbm>>
          tpu.wait_indirect_dma semaphore(%arg16 : memref<!tpu.dma_semaphore, #tpu.memory_space<semaphore_mem>>) src(%dma_wait3A_99 : memref<10000x128xf32, #tpu.memory_space<hbm>>) dst(%arg13 : memref<128x128xf32, #tpu.memory_space<vmem>>)
          %dma_start3A_100 = arith.constant 0 : i32
          %dma_start3A_101 = tpu.memref_slice %arg10[%add3A_65, %dma_start3A_100] : memref<16x128xi32, #tpu.memory_space<vmem>> -> memref<1x128xi32, #tpu.memory_space<vmem>>
          %dma_start3A_102 = tpu.memref_squeeze %dma_start3A_101 : memref<1x128xi32, #tpu.memory_space<vmem>> -> memref<128xi32, #tpu.memory_space<vmem>>
          %dma_start3A_103 = arith.constant 0 : i32
          %dma_start3A_104 = arith.constant 0 : i32
          %dma_start3A_105 = tpu.memref_slice %arg15[%dma_start3A_103, %dma_start3A_104] : memref<10240x128xf32, #tpu.memory_space<vmem_shared>> -> memref<10240x128xf32, #tpu.memory_space<vmem_shared>>
          tpu.enqueue_indirect_dma source(%arg13 : memref<128x128xf32, #tpu.memory_space<vmem>>) target(%dma_start3A_105 : memref<10240x128xf32, #tpu.memory_space<vmem_shared>>) offsets(%dma_start3A_102 : memref<128xi32, #tpu.memory_space<vmem>>) semaphore(%arg18 : memref<!tpu.dma_semaphore, #tpu.memory_space<semaphore_mem>>) {add = true}
          %dma_wait3A_106 = arith.constant 0 : i32
          %dma_wait3A_107 = tpu.memref_slice %arg9[%add3A_79, %dma_wait3A_106] : memref<16x128xi32, #tpu.memory_space<vmem>> -> memref<1x128xi32, #tpu.memory_space<vmem>>
          %dma_wait3A_108 = tpu.memref_squeeze %dma_wait3A_107 : memref<1x128xi32, #tpu.memory_space<vmem>> -> memref<128xi32, #tpu.memory_space<vmem>>
          %dma_wait3A_109 = arith.constant 0 : i32
          %dma_wait3A_110 = arith.constant 0 : i32
          %dma_wait3A_111 = tpu.memref_slice %arg3[%dma_wait3A_109, %dma_wait3A_110] : memref<10000x128xf32, #tpu.memory_space<hbm>> -> memref<10000x128xf32, #tpu.memory_space<hbm>>
          tpu.wait_indirect_dma semaphore(%arg17 : memref<!tpu.dma_semaphore, #tpu.memory_space<semaphore_mem>>) src(%dma_wait3A_111 : memref<10000x128xf32, #tpu.memory_space<hbm>>) dst(%arg14 : memref<128x128xf32, #tpu.memory_space<vmem>>)
          %add3A_112 = arith.constant 1 : i32
          %add3A_113 = arith.addi %add3A_65, %add3A_112 : i32
          %dma_start3A_114 = arith.constant 0 : i32
          %dma_start3A_115 = tpu.memref_slice %arg10[%add3A_113, %dma_start3A_114] : memref<16x128xi32, #tpu.memory_space<vmem>> -> memref<1x128xi32, #tpu.memory_space<vmem>>
          %dma_start3A_116 = tpu.memref_squeeze %dma_start3A_115 : memref<1x128xi32, #tpu.memory_space<vmem>> -> memref<128xi32, #tpu.memory_space<vmem>>
          %dma_start3A_117 = arith.constant 0 : i32
          %dma_start3A_118 = arith.constant 0 : i32
          %dma_start3A_119 = tpu.memref_slice %arg15[%dma_start3A_117, %dma_start3A_118] : memref<10240x128xf32, #tpu.memory_space<vmem_shared>> -> memref<10240x128xf32, #tpu.memory_space<vmem_shared>>
          tpu.enqueue_indirect_dma source(%arg14 : memref<128x128xf32, #tpu.memory_space<vmem>>) target(%dma_start3A_119 : memref<10240x128xf32, #tpu.memory_space<vmem_shared>>) offsets(%dma_start3A_116 : memref<128xi32, #tpu.memory_space<vmem>>) semaphore(%arg19 : memref<!tpu.dma_semaphore, #tpu.memory_space<semaphore_mem>>) {add = true}
        }
        %scan3A_48 = arith.constant 8 : i32
        %add3A_49 = arith.constant 1 : i32
        %add3A_50 = arith.addi %add3A_39, %add3A_49 : i32
        %gt3A_51 = arith.constant 0 : i32
        %gt3A_52 = arith.cmpi sgt, %add3A_50, %gt3A_51 : i32
        %convert_element_type3A_53 = arith.extui %gt3A_52 : i1 to i32
        %cond3A_54 = arith.constant 0 : i32
        %cond3A_55 = arith.cmpi ne, %convert_element_type3A_53, %cond3A_54 : i32
        scf.if %cond3A_55 {
          %dma_wait3A_61 = arith.constant 0 : i32
          %dma_wait3A_62 = arith.constant 0 : i32
          %dma_wait3A_63 = tpu.memref_slice %arg4[%arg1, %dma_wait3A_61, %dma_wait3A_62] : memref<16x160x128xi32, #tpu.memory_space<hbm>> -> memref<1x160x128xi32, #tpu.memory_space<hbm>>
          %dma_wait3A_64 = tpu.memref_squeeze %dma_wait3A_63 : memref<1x160x128xi32, #tpu.memory_space<hbm>> -> memref<160x128xi32, #tpu.memory_space<hbm>>
          %dma_wait3A_65 = arith.constant 0 : i32
          %dma_wait3A_66 = arith.constant 0 : i32
          %dma_wait3A_67 = tpu.memref_slice %dma_wait3A_64[%dma_wait3A_65, %dma_wait3A_66] : memref<160x128xi32, #tpu.memory_space<hbm>> -> memref<16x128xi32, #tpu.memory_space<hbm>>
          %dma_wait3A_68 = arith.constant 0 : i32
          %dma_wait3A_69 = arith.constant 0 : i32
          %dma_wait3A_70 = tpu.memref_slice %arg4[%arg1, %dma_wait3A_68, %dma_wait3A_69] : memref<16x160x128xi32, #tpu.memory_space<hbm>> -> memref<1x160x128xi32, #tpu.memory_space<hbm>>
          %dma_wait3A_71 = tpu.memref_squeeze %dma_wait3A_70 : memref<1x160x128xi32, #tpu.memory_space<hbm>> -> memref<160x128xi32, #tpu.memory_space<hbm>>
          %dma_wait3A_72 = arith.constant 0 : i32
          %dma_wait3A_73 = arith.constant 0 : i32
          %dma_wait3A_74 = tpu.memref_slice %dma_wait3A_71[%dma_wait3A_72, %dma_wait3A_73] : memref<160x128xi32, #tpu.memory_space<hbm>> -> memref<16x128xi32, #tpu.memory_space<hbm>>
          tpu.wait_dma2 semaphore(%arg21 : memref<!tpu.dma_semaphore, #tpu.memory_space<semaphore_mem>>) src(%dma_wait3A_74 : memref<16x128xi32, #tpu.memory_space<hbm>>) dst(%arg11 : memref<16x128xi32, #tpu.memory_space<vmem>>)
          %dma_wait3A_75 = arith.constant 0 : i32
          %dma_wait3A_76 = arith.constant 0 : i32
          %dma_wait3A_77 = tpu.memref_slice %arg5[%arg1, %dma_wait3A_75, %dma_wait3A_76] : memref<16x160x128xi32, #tpu.memory_space<hbm>> -> memref<1x160x128xi32, #tpu.memory_space<hbm>>
          %dma_wait3A_78 = tpu.memref_squeeze %dma_wait3A_77 : memref<1x160x128xi32, #tpu.memory_space<hbm>> -> memref<160x128xi32, #tpu.memory_space<hbm>>
          %dma_wait3A_79 = arith.constant 0 : i32
          %dma_wait3A_80 = arith.constant 0 : i32
          %dma_wait3A_81 = tpu.memref_slice %dma_wait3A_78[%dma_wait3A_79, %dma_wait3A_80] : memref<160x128xi32, #tpu.memory_space<hbm>> -> memref<16x128xi32, #tpu.memory_space<hbm>>
          %dma_wait3A_82 = arith.constant 0 : i32
          %dma_wait3A_83 = arith.constant 0 : i32
          %dma_wait3A_84 = tpu.memref_slice %arg5[%arg1, %dma_wait3A_82, %dma_wait3A_83] : memref<16x160x128xi32, #tpu.memory_space<hbm>> -> memref<1x160x128xi32, #tpu.memory_space<hbm>>
          %dma_wait3A_85 = tpu.memref_squeeze %dma_wait3A_84 : memref<1x160x128xi32, #tpu.memory_space<hbm>> -> memref<160x128xi32, #tpu.memory_space<hbm>>
          %dma_wait3A_86 = arith.constant 0 : i32
          %dma_wait3A_87 = arith.constant 0 : i32
          %dma_wait3A_88 = tpu.memref_slice %dma_wait3A_85[%dma_wait3A_86, %dma_wait3A_87] : memref<160x128xi32, #tpu.memory_space<hbm>> -> memref<16x128xi32, #tpu.memory_space<hbm>>
          tpu.wait_dma2 semaphore(%arg21 : memref<!tpu.dma_semaphore, #tpu.memory_space<semaphore_mem>>) src(%dma_wait3A_88 : memref<16x128xi32, #tpu.memory_space<hbm>>) dst(%arg12 : memref<16x128xi32, #tpu.memory_space<vmem>>)
        } else {
        }
        %scan3A_56 = arith.constant 0 : i32
        %scan3A_57 = arith.constant 8 : i32
        %scan3A_58 = arith.addi %scan3A_56, %scan3A_57 : i32
        %scan3A_59 = arith.constant 1 : i32
        scf.for %scan3A_61 = %scan3A_56 to %scan3A_58 step %scan3A_59  : i32 {
          %mul3A_62 = arith.constant 2 : i32
          %mul3A_63 = arith.muli %scan3A_61, %mul3A_62 : i32
          %add3A_64 = arith.constant 0 : i32
          %add3A_65 = arith.addi %add3A_64, %mul3A_63 : i32
          %gt3A_66 = arith.constant 0 : i32
          %gt3A_67 = arith.cmpi sgt, %add3A_50, %gt3A_66 : i32
          %gt3A_68 = arith.constant 0 : i32
          %gt3A_69 = arith.cmpi sgt, %add3A_65, %gt3A_68 : i32
          %or3A = arith.ori %gt3A_67, %gt3A_69 : i1
          %convert_element_type3A_70 = arith.extui %or3A : i1 to i32
          %cond3A_71 = arith.constant 0 : i32
          %cond3A_72 = arith.cmpi ne, %convert_element_type3A_70, %cond3A_71 : i32
          scf.if %cond3A_72 {
            %dma_wait3A_120 = arith.constant 0 : i32
            %dma_wait3A_121 = arith.constant 0 : i32
            %dma_wait3A_122 = tpu.memref_slice %arg3[%dma_wait3A_120, %dma_wait3A_121] : memref<10000x128xf32, #tpu.memory_space<hbm>> -> memref<128x128xf32, #tpu.memory_space<hbm>>
            %dma_wait3A_123 = arith.constant 0 : i32
            %dma_wait3A_124 = arith.constant 0 : i32
            %dma_wait3A_125 = tpu.memref_slice %arg3[%dma_wait3A_123, %dma_wait3A_124] : memref<10000x128xf32, #tpu.memory_space<hbm>> -> memref<128x128xf32, #tpu.memory_space<hbm>>
            tpu.wait_dma2 semaphore(%arg18 : memref<!tpu.dma_semaphore, #tpu.memory_space<semaphore_mem>>) src(%dma_wait3A_125 : memref<128x128xf32, #tpu.memory_space<hbm>>) dst(%arg13 : memref<128x128xf32, #tpu.memory_space<vmem>>)
            %dma_wait3A_126 = arith.constant 0 : i32
            %dma_wait3A_127 = arith.constant 0 : i32
            %dma_wait3A_128 = tpu.memref_slice %arg3[%dma_wait3A_126, %dma_wait3A_127] : memref<10000x128xf32, #tpu.memory_space<hbm>> -> memref<128x128xf32, #tpu.memory_space<hbm>>
            %dma_wait3A_129 = arith.constant 0 : i32
            %dma_wait3A_130 = arith.constant 0 : i32
            %dma_wait3A_131 = tpu.memref_slice %arg3[%dma_wait3A_129, %dma_wait3A_130] : memref<10000x128xf32, #tpu.memory_space<hbm>> -> memref<128x128xf32, #tpu.memory_space<hbm>>
            tpu.wait_dma2 semaphore(%arg19 : memref<!tpu.dma_semaphore, #tpu.memory_space<semaphore_mem>>) src(%dma_wait3A_131 : memref<128x128xf32, #tpu.memory_space<hbm>>) dst(%arg14 : memref<128x128xf32, #tpu.memory_space<vmem>>)
          } else {
          }
          %dma_start3A = arith.constant 0 : i32
          %dma_start3A_73 = tpu.memref_slice %arg11[%add3A_65, %dma_start3A] : memref<16x128xi32, #tpu.memory_space<vmem>> -> memref<1x128xi32, #tpu.memory_space<vmem>>
          %dma_start3A_74 = tpu.memref_squeeze %dma_start3A_73 : memref<1x128xi32, #tpu.memory_space<vmem>> -> memref<128xi32, #tpu.memory_space<vmem>>
          %dma_start3A_75 = arith.constant 0 : i32
          %dma_start3A_76 = arith.constant 0 : i32
          %dma_start3A_77 = tpu.memref_slice %arg3[%dma_start3A_75, %dma_start3A_76] : memref<10000x128xf32, #tpu.memory_space<hbm>> -> memref<10000x128xf32, #tpu.memory_space<hbm>>
          tpu.enqueue_indirect_dma source(%dma_start3A_77 : memref<10000x128xf32, #tpu.memory_space<hbm>>) target(%arg13 : memref<128x128xf32, #tpu.memory_space<vmem>>) offsets(%dma_start3A_74 : memref<128xi32, #tpu.memory_space<vmem>>) semaphore(%arg16 : memref<!tpu.dma_semaphore, #tpu.memory_space<semaphore_mem>>)
          %add3A_78 = arith.constant 1 : i32
          %add3A_79 = arith.addi %add3A_65, %add3A_78 : i32
          %dma_start3A_80 = arith.constant 0 : i32
          %dma_start3A_81 = tpu.memref_slice %arg11[%add3A_79, %dma_start3A_80] : memref<16x128xi32, #tpu.memory_space<vmem>> -> memref<1x128xi32, #tpu.memory_space<vmem>>
          %dma_start3A_82 = tpu.memref_squeeze %dma_start3A_81 : memref<1x128xi32, #tpu.memory_space<vmem>> -> memref<128xi32, #tpu.memory_space<vmem>>
          %dma_start3A_83 = arith.constant 0 : i32
          %dma_start3A_84 = arith.constant 0 : i32
          %dma_start3A_85 = tpu.memref_slice %arg3[%dma_start3A_83, %dma_start3A_84] : memref<10000x128xf32, #tpu.memory_space<hbm>> -> memref<10000x128xf32, #tpu.memory_space<hbm>>
          tpu.enqueue_indirect_dma source(%dma_start3A_85 : memref<10000x128xf32, #tpu.memory_space<hbm>>) target(%arg14 : memref<128x128xf32, #tpu.memory_space<vmem>>) offsets(%dma_start3A_82 : memref<128xi32, #tpu.memory_space<vmem>>) semaphore(%arg17 : memref<!tpu.dma_semaphore, #tpu.memory_space<semaphore_mem>>)
          %eq3A_86 = arith.constant 2 : i32
          %eq3A_87 = arith.cmpi eq, %add3A_65, %eq3A_86 : i32
          %add3A_88 = arith.constant 1 : i32
          %add3A_89 = arith.addi %add3A_50, %add3A_88 : i32
          %lt3A = arith.constant 10 : i32
          %lt3A_90 = arith.cmpi slt, %add3A_89, %lt3A : i32
          %and3A = arith.andi %eq3A_87, %lt3A_90 : i1
          %convert_element_type3A_91 = arith.extui %and3A : i1 to i32
          %cond3A_92 = arith.constant 0 : i32
          %cond3A_93 = arith.cmpi ne, %convert_element_type3A_91, %cond3A_92 : i32
          scf.if %cond3A_93 {
            %add3A_120 = arith.constant 1 : i32
            %add3A_121 = arith.addi %add3A_50, %add3A_120 : i32
            %mul3A_122 = arith.constant 16 : i32
            %mul3A_123 = arith.muli %add3A_121, %mul3A_122 : i32
            %dma_start3A_124 = arith.constant 0 : i32
            %dma_start3A_125 = arith.constant 0 : i32
            %dma_start3A_126 = tpu.memref_slice %arg4[%arg1, %dma_start3A_124, %dma_start3A_125] : memref<16x160x128xi32, #tpu.memory_space<hbm>> -> memref<1x160x128xi32, #tpu.memory_space<hbm>>
            %dma_start3A_127 = tpu.memref_squeeze %dma_start3A_126 : memref<1x160x128xi32, #tpu.memory_space<hbm>> -> memref<160x128xi32, #tpu.memory_space<hbm>>
            %dma_start3A_128 = arith.constant 0 : i32
            %dma_start3A_129 = tpu.memref_slice %dma_start3A_127[%mul3A_123, %dma_start3A_128] : memref<160x128xi32, #tpu.memory_space<hbm>> -> memref<16x128xi32, #tpu.memory_space<hbm>>
            %dma_start3A_130 = arith.constant 0 : i32
            %dma_start3A_131 = arith.constant 0 : i32
            %dma_start3A_132 = tpu.memref_slice %arg4[%arg1, %dma_start3A_130, %dma_start3A_131] : memref<16x160x128xi32, #tpu.memory_space<hbm>> -> memref<1x160x128xi32, #tpu.memory_space<hbm>>
            %dma_start3A_133 = tpu.memref_squeeze %dma_start3A_132 : memref<1x160x128xi32, #tpu.memory_space<hbm>> -> memref<160x128xi32, #tpu.memory_space<hbm>>
            %dma_start3A_134 = arith.constant 0 : i32
            %dma_start3A_135 = tpu.memref_slice %dma_start3A_133[%mul3A_123, %dma_start3A_134] : memref<160x128xi32, #tpu.memory_space<hbm>> -> memref<16x128xi32, #tpu.memory_space<hbm>>
            tpu.enqueue_dma source(%dma_start3A_135 : memref<16x128xi32, #tpu.memory_space<hbm>>) target(%arg9 : memref<16x128xi32, #tpu.memory_space<vmem>>) target_semaphore(%arg20 : memref<!tpu.dma_semaphore, #tpu.memory_space<semaphore_mem>>)
            %add3A_136 = arith.constant 1 : i32
            %add3A_137 = arith.addi %add3A_50, %add3A_136 : i32
            %mul3A_138 = arith.constant 16 : i32
            %mul3A_139 = arith.muli %add3A_137, %mul3A_138 : i32
            %dma_start3A_140 = arith.constant 0 : i32
            %dma_start3A_141 = arith.constant 0 : i32
            %dma_start3A_142 = tpu.memref_slice %arg5[%arg1, %dma_start3A_140, %dma_start3A_141] : memref<16x160x128xi32, #tpu.memory_space<hbm>> -> memref<1x160x128xi32, #tpu.memory_space<hbm>>
            %dma_start3A_143 = tpu.memref_squeeze %dma_start3A_142 : memref<1x160x128xi32, #tpu.memory_space<hbm>> -> memref<160x128xi32, #tpu.memory_space<hbm>>
            %dma_start3A_144 = arith.constant 0 : i32
            %dma_start3A_145 = tpu.memref_slice %dma_start3A_143[%mul3A_139, %dma_start3A_144] : memref<160x128xi32, #tpu.memory_space<hbm>> -> memref<16x128xi32, #tpu.memory_space<hbm>>
            %dma_start3A_146 = arith.constant 0 : i32
            %dma_start3A_147 = arith.constant 0 : i32
            %dma_start3A_148 = tpu.memref_slice %arg5[%arg1, %dma_start3A_146, %dma_start3A_147] : memref<16x160x128xi32, #tpu.memory_space<hbm>> -> memref<1x160x128xi32, #tpu.memory_space<hbm>>
            %dma_start3A_149 = tpu.memref_squeeze %dma_start3A_148 : memref<1x160x128xi32, #tpu.memory_space<hbm>> -> memref<160x128xi32, #tpu.memory_space<hbm>>
            %dma_start3A_150 = arith.constant 0 : i32
            %dma_start3A_151 = tpu.memref_slice %dma_start3A_149[%mul3A_139, %dma_start3A_150] : memref<160x128xi32, #tpu.memory_space<hbm>> -> memref<16x128xi32, #tpu.memory_space<hbm>>
            tpu.enqueue_dma source(%dma_start3A_151 : memref<16x128xi32, #tpu.memory_space<hbm>>) target(%arg10 : memref<16x128xi32, #tpu.memory_space<vmem>>) target_semaphore(%arg20 : memref<!tpu.dma_semaphore, #tpu.memory_space<semaphore_mem>>)
          } else {
          }
          %dma_wait3A_94 = arith.constant 0 : i32
          %dma_wait3A_95 = tpu.memref_slice %arg11[%add3A_65, %dma_wait3A_94] : memref<16x128xi32, #tpu.memory_space<vmem>> -> memref<1x128xi32, #tpu.memory_space<vmem>>
          %dma_wait3A_96 = tpu.memref_squeeze %dma_wait3A_95 : memref<1x128xi32, #tpu.memory_space<vmem>> -> memref<128xi32, #tpu.memory_space<vmem>>
          %dma_wait3A_97 = arith.constant 0 : i32
          %dma_wait3A_98 = arith.constant 0 : i32
          %dma_wait3A_99 = tpu.memref_slice %arg3[%dma_wait3A_97, %dma_wait3A_98] : memref<10000x128xf32, #tpu.memory_space<hbm>> -> memref<10000x128xf32, #tpu.memory_space<hbm>>
          tpu.wait_indirect_dma semaphore(%arg16 : memref<!tpu.dma_semaphore, #tpu.memory_space<semaphore_mem>>) src(%dma_wait3A_99 : memref<10000x128xf32, #tpu.memory_space<hbm>>) dst(%arg13 : memref<128x128xf32, #tpu.memory_space<vmem>>)
          %dma_start3A_100 = arith.constant 0 : i32
          %dma_start3A_101 = tpu.memref_slice %arg12[%add3A_65, %dma_start3A_100] : memref<16x128xi32, #tpu.memory_space<vmem>> -> memref<1x128xi32, #tpu.memory_space<vmem>>
          %dma_start3A_102 = tpu.memref_squeeze %dma_start3A_101 : memref<1x128xi32, #tpu.memory_space<vmem>> -> memref<128xi32, #tpu.memory_space<vmem>>
          %dma_start3A_103 = arith.constant 0 : i32
          %dma_start3A_104 = arith.constant 0 : i32
          %dma_start3A_105 = tpu.memref_slice %arg15[%dma_start3A_103, %dma_start3A_104] : memref<10240x128xf32, #tpu.memory_space<vmem_shared>> -> memref<10240x128xf32, #tpu.memory_space<vmem_shared>>
          tpu.enqueue_indirect_dma source(%arg13 : memref<128x128xf32, #tpu.memory_space<vmem>>) target(%dma_start3A_105 : memref<10240x128xf32, #tpu.memory_space<vmem_shared>>) offsets(%dma_start3A_102 : memref<128xi32, #tpu.memory_space<vmem>>) semaphore(%arg18 : memref<!tpu.dma_semaphore, #tpu.memory_space<semaphore_mem>>) {add = true}
          %dma_wait3A_106 = arith.constant 0 : i32
          %dma_wait3A_107 = tpu.memref_slice %arg11[%add3A_79, %dma_wait3A_106] : memref<16x128xi32, #tpu.memory_space<vmem>> -> memref<1x128xi32, #tpu.memory_space<vmem>>
          %dma_wait3A_108 = tpu.memref_squeeze %dma_wait3A_107 : memref<1x128xi32, #tpu.memory_space<vmem>> -> memref<128xi32, #tpu.memory_space<vmem>>
          %dma_wait3A_109 = arith.constant 0 : i32
          %dma_wait3A_110 = arith.constant 0 : i32
          %dma_wait3A_111 = tpu.memref_slice %arg3[%dma_wait3A_109, %dma_wait3A_110] : memref<10000x128xf32, #tpu.memory_space<hbm>> -> memref<10000x128xf32, #tpu.memory_space<hbm>>
          tpu.wait_indirect_dma semaphore(%arg17 : memref<!tpu.dma_semaphore, #tpu.memory_space<semaphore_mem>>) src(%dma_wait3A_111 : memref<10000x128xf32, #tpu.memory_space<hbm>>) dst(%arg14 : memref<128x128xf32, #tpu.memory_space<vmem>>)
          %add3A_112 = arith.constant 1 : i32
          %add3A_113 = arith.addi %add3A_65, %add3A_112 : i32
          %dma_start3A_114 = arith.constant 0 : i32
          %dma_start3A_115 = tpu.memref_slice %arg12[%add3A_113, %dma_start3A_114] : memref<16x128xi32, #tpu.memory_space<vmem>> -> memref<1x128xi32, #tpu.memory_space<vmem>>
          %dma_start3A_116 = tpu.memref_squeeze %dma_start3A_115 : memref<1x128xi32, #tpu.memory_space<vmem>> -> memref<128xi32, #tpu.memory_space<vmem>>
          %dma_start3A_117 = arith.constant 0 : i32
          %dma_start3A_118 = arith.constant 0 : i32
          %dma_start3A_119 = tpu.memref_slice %arg15[%dma_start3A_117, %dma_start3A_118] : memref<10240x128xf32, #tpu.memory_space<vmem_shared>> -> memref<10240x128xf32, #tpu.memory_space<vmem_shared>>
          tpu.enqueue_indirect_dma source(%arg14 : memref<128x128xf32, #tpu.memory_space<vmem>>) target(%dma_start3A_119 : memref<10240x128xf32, #tpu.memory_space<vmem_shared>>) offsets(%dma_start3A_116 : memref<128xi32, #tpu.memory_space<vmem>>) semaphore(%arg19 : memref<!tpu.dma_semaphore, #tpu.memory_space<semaphore_mem>>) {add = true}
        }
        %scan3A_60 = arith.constant 8 : i32
      }
      %scan3A_24 = arith.constant 5 : i32
      %dma_wait3A = arith.constant 0 : i32
      %dma_wait3A_25 = arith.constant 0 : i32
      %dma_wait3A_26 = tpu.memref_slice %arg3[%dma_wait3A, %dma_wait3A_25] : memref<10000x128xf32, #tpu.memory_space<hbm>> -> memref<128x128xf32, #tpu.memory_space<hbm>>
      %dma_wait3A_27 = arith.constant 0 : i32
      %dma_wait3A_28 = arith.constant 0 : i32
      %dma_wait3A_29 = tpu.memref_slice %arg3[%dma_wait3A_27, %dma_wait3A_28] : memref<10000x128xf32, #tpu.memory_space<hbm>> -> memref<128x128xf32, #tpu.memory_space<hbm>>
      tpu.wait_dma2 semaphore(%arg18 : memref<!tpu.dma_semaphore, #tpu.memory_space<semaphore_mem>>) src(%dma_wait3A_29 : memref<128x128xf32, #tpu.memory_space<hbm>>) dst(%arg13 : memref<128x128xf32, #tpu.memory_space<vmem>>)
      %dma_wait3A_30 = arith.constant 0 : i32
      %dma_wait3A_31 = arith.constant 0 : i32
      %dma_wait3A_32 = tpu.memref_slice %arg3[%dma_wait3A_30, %dma_wait3A_31] : memref<10000x128xf32, #tpu.memory_space<hbm>> -> memref<128x128xf32, #tpu.memory_space<hbm>>
      %dma_wait3A_33 = arith.constant 0 : i32
      %dma_wait3A_34 = arith.constant 0 : i32
      %dma_wait3A_35 = tpu.memref_slice %arg3[%dma_wait3A_33, %dma_wait3A_34] : memref<10000x128xf32, #tpu.memory_space<hbm>> -> memref<128x128xf32, #tpu.memory_space<hbm>>
      tpu.wait_dma2 semaphore(%arg19 : memref<!tpu.dma_semaphore, #tpu.memory_space<semaphore_mem>>) src(%dma_wait3A_35 : memref<128x128xf32, #tpu.memory_space<hbm>>) dst(%arg14 : memref<128x128xf32, #tpu.memory_space<vmem>>)
    } else {
    }
    %barrier3A_10 = arith.constant 0 : index
    tpu.barrier barrier_id(%barrier3A_10)
    %eq3A_11 = arith.constant 0 : i32
    %eq3A_12 = arith.cmpi eq, %arg0, %eq3A_11 : i32
    %convert_element_type3A_13 = arith.extui %eq3A_12 : i1 to i32
    %cond3A_14 = arith.constant 0 : i32
    %cond3A_15 = arith.cmpi ne, %convert_element_type3A_13, %cond3A_14 : i32
    scf.if %cond3A_15 {
      %mul3A_21 = arith.constant 640 : i32
      %mul3A_22 = arith.muli %arg1, %mul3A_21 : i32
      %mul3A_23 = arith.constant 640 : i32
      %mul3A_24 = arith.muli %arg1, %mul3A_23 : i32
      "tpu.region"() ({
        %run_scoped3A = tpu.sem_alloc : memref<!tpu.dma_semaphore, #tpu.memory_space<semaphore_mem>>
        %dma_start3A = arith.constant 0 : i32
        %dma_start3A_25 = tpu.memref_slice %arg7[%mul3A_24, %dma_start3A] : memref<10240x128xf32, #tpu.memory_space<hbm>> -> memref<640x128xf32, #tpu.memory_space<hbm>>
        %dma_start3A_26 = arith.constant 0 : i32
        %dma_start3A_27 = tpu.memref_slice %arg15[%mul3A_22, %dma_start3A_26] : memref<10240x128xf32, #tpu.memory_space<vmem_shared>> -> memref<640x128xf32, #tpu.memory_space<vmem_shared>>
        tpu.enqueue_dma source(%dma_start3A_27 : memref<640x128xf32, #tpu.memory_space<vmem_shared>>) target(%dma_start3A_25 : memref<640x128xf32, #tpu.memory_space<hbm>>) target_semaphore(%run_scoped3A : memref<!tpu.dma_semaphore, #tpu.memory_space<semaphore_mem>>)
        %dma_wait3A = arith.constant 0 : i32
        %dma_wait3A_28 = tpu.memref_slice %arg7[%mul3A_24, %dma_wait3A] : memref<10240x128xf32, #tpu.memory_space<hbm>> -> memref<640x128xf32, #tpu.memory_space<hbm>>
        %dma_wait3A_29 = arith.constant 0 : i32
        %dma_wait3A_30 = tpu.memref_slice %arg15[%mul3A_22, %dma_wait3A_29] : memref<10240x128xf32, #tpu.memory_space<vmem_shared>> -> memref<640x128xf32, #tpu.memory_space<vmem_shared>>
        tpu.wait_dma2 semaphore(%run_scoped3A : memref<!tpu.dma_semaphore, #tpu.memory_space<semaphore_mem>>) src(%dma_wait3A_30 : memref<640x128xf32, #tpu.memory_space<vmem_shared>>) dst(%dma_wait3A_28 : memref<640x128xf32, #tpu.memory_space<hbm>>)
        tpu.yield
      }) : () -> ()
    } else {
    }
    %eq3A_16 = arith.constant 1 : i32
    %eq3A_17 = arith.cmpi eq, %arg0, %eq3A_16 : i32
    %convert_element_type3A_18 = arith.extui %eq3A_17 : i1 to i32
    %cond3A_19 = arith.constant 0 : i32
    %cond3A_20 = arith.cmpi ne, %convert_element_type3A_18, %cond3A_19 : i32
    scf.if %cond3A_20 {
      %mul3A_21 = arith.constant 640 : i32
      %mul3A_22 = arith.muli %arg1, %mul3A_21 : i32
      %mul3A_23 = arith.constant 640 : i32
      %mul3A_24 = arith.muli %arg1, %mul3A_23 : i32
      "tpu.region"() ({
        %run_scoped3A = tpu.sem_alloc : memref<!tpu.dma_semaphore, #tpu.memory_space<semaphore_mem>>
        %dma_start3A = arith.constant 0 : i32
        %dma_start3A_25 = tpu.memref_slice %arg8[%mul3A_24, %dma_start3A] : memref<10240x128xf32, #tpu.memory_space<hbm>> -> memref<640x128xf32, #tpu.memory_space<hbm>>
        %dma_start3A_26 = arith.constant 0 : i32
        %dma_start3A_27 = tpu.memref_slice %arg15[%mul3A_22, %dma_start3A_26] : memref<10240x128xf32, #tpu.memory_space<vmem_shared>> -> memref<640x128xf32, #tpu.memory_space<vmem_shared>>
        tpu.enqueue_dma source(%dma_start3A_27 : memref<640x128xf32, #tpu.memory_space<vmem_shared>>) target(%dma_start3A_25 : memref<640x128xf32, #tpu.memory_space<hbm>>) target_semaphore(%run_scoped3A : memref<!tpu.dma_semaphore, #tpu.memory_space<semaphore_mem>>)
        %dma_wait3A = arith.constant 0 : i32
        %dma_wait3A_28 = tpu.memref_slice %arg8[%mul3A_24, %dma_wait3A] : memref<10240x128xf32, #tpu.memory_space<hbm>> -> memref<640x128xf32, #tpu.memory_space<hbm>>
        %dma_wait3A_29 = arith.constant 0 : i32
        %dma_wait3A_30 = tpu.memref_slice %arg15[%mul3A_22, %dma_wait3A_29] : memref<10240x128xf32, #tpu.memory_space<vmem_shared>> -> memref<640x128xf32, #tpu.memory_space<vmem_shared>>
        tpu.wait_dma2 semaphore(%run_scoped3A : memref<!tpu.dma_semaphore, #tpu.memory_space<semaphore_mem>>) src(%dma_wait3A_30 : memref<640x128xf32, #tpu.memory_space<vmem_shared>>) dst(%dma_wait3A_28 : memref<640x128xf32, #tpu.memory_space<hbm>>)
        tpu.yield
      }) : () -> ()
    } else {
    }
    return
  }
}

module attributes {stable_mosaic.version = 14 : i64} {
  func.func @_enc_body(%arg0: i32, %arg1: memref<1000x128xf32, #tpu.memory_space<vmem>>, %arg2: memref<128x256xf32, #tpu.memory_space<vmem>>, %arg3: memref<1x256xf32, #tpu.memory_space<vmem>>, %arg4: memref<1000x128xf32, #tpu.memory_space<vmem>>, %arg5: memref<1000x128xf32, #tpu.memory_space<vmem>>) attributes {dimension_semantics = [#tpu.dimension_semantics<arbitrary>], iteration_bounds = array<i64: 10>, scalar_prefetch = 0 : i64, scratch_operands = 0 : i64, tpu.core_type = #tpu.core_type<tc>, window_params = [{transform_indices = @transform_0, window_bounds = array<i64: 1000, 128>}, {pipeline_mode = #tpu.pipeline_mode<synchronous>, transform_indices = @transform_1, window_bounds = array<i64: 128, 256>}, {pipeline_mode = #tpu.pipeline_mode<synchronous>, transform_indices = @transform_2, window_bounds = array<i64: 1, 256>}, {transform_indices = @transform_3, window_bounds = array<i64: 1000, 128>}, {transform_indices = @transform_4, window_bounds = array<i64: 1000, 128>}]} {
    %get3A = arith.constant 0 : index
    %get3A_0 = arith.constant 0 : index
    %get3A_1 = vector.load %arg1[%get3A, %get3A_0] : memref<1000x128xf32, #tpu.memory_space<vmem>>, vector<1000x128xf32>
    %get3A_2 = arith.constant 0 : index
    %get3A_3 = arith.constant 0 : index
    %get3A_4 = vector.load %arg2[%get3A_2, %get3A_3] : memref<128x256xf32, #tpu.memory_space<vmem>>, vector<128x256xf32>
    %dot_general3A = arith.constant dense<0.000000e+00> : vector<1000x256xf32>
    %dot_general3A_5 = tpu.matmul %get3A_1, %get3A_4, %dot_general3A {dimension_numbers = #tpu.dot_dimension_numbers<[1], [0], [0], [1], [0, 0, 1, 1], [], []>, transpose_lhs_hint = false} : vector<1000x128xf32>, vector<128x256xf32>, vector<1000x256xf32> -> vector<1000x256xf32>
    %get3A_6 = arith.constant 0 : index
    %get3A_7 = arith.constant 0 : index
    %get3A_8 = vector.load %arg3[%get3A_6, %get3A_7] : memref<1x256xf32, #tpu.memory_space<vmem>>, vector<1x256xf32>
    %add3A = vector.broadcast %get3A_8 : vector<1x256xf32> to vector<1000x256xf32>
    %add3A_9 = arith.addf %dot_general3A_5, %add3A : vector<1000x256xf32>
    %max3A = arith.constant 0.000000e+00 : f32
    %max3A_10 = vector.broadcast %max3A : f32 to vector<1000x256xf32>
    %max3A_11 = arith.maximumf %add3A_9, %max3A_10 : vector<1000x256xf32>
    %slice3A = vector.extract_strided_slice %max3A_11 {offsets = [0, 0], sizes = [1000, 128], strides = [1, 1]} : vector<1000x256xf32> to vector<1000x128xf32>
    %swap3A = arith.constant 0 : index
    %swap3A_12 = arith.constant 0 : index
    %swap3A_13 = vector.load %arg4[%swap3A, %swap3A_12] : memref<1000x128xf32, #tpu.memory_space<vmem>>, vector<1000x128xf32>
    tpu.vector_store %arg4[%swap3A, %swap3A_12], %slice3A {strides = array<i32>} : memref<1000x128xf32, #tpu.memory_space<vmem>>, vector<1000x128xf32>,
    %slice3A_14 = vector.extract_strided_slice %max3A_11 {offsets = [0, 128], sizes = [1000, 128], strides = [1, 1]} : vector<1000x256xf32> to vector<1000x128xf32>
    %swap3A_15 = arith.constant 0 : index
    %swap3A_16 = arith.constant 0 : index
    %swap3A_17 = vector.load %arg5[%swap3A_15, %swap3A_16] : memref<1000x128xf32, #tpu.memory_space<vmem>>, vector<1000x128xf32>
    tpu.vector_store %arg5[%swap3A_15, %swap3A_16], %slice3A_14 {strides = array<i32>} : memref<1000x128xf32, #tpu.memory_space<vmem>>, vector<1000x128xf32>,
    return
  }
  func.func @transform_0(%arg0: i32) -> (i32, i32) {
    %c0_i32 = arith.constant 0 : i32
    %c0_i32_0 = arith.constant 0 : i32
    return %arg0, %c0_i32 : i32, i32
  }
  func.func @transform_1(%arg0: i32) -> (i32, i32) {
    %c0_i32 = arith.constant 0 : i32
    %c0_i32_0 = arith.constant 0 : i32
    %c0_i32_1 = arith.constant 0 : i32
    return %c0_i32, %c0_i32_0 : i32, i32
  }
  func.func @transform_2(%arg0: i32) -> (i32, i32) {
    %c0_i32 = arith.constant 0 : i32
    %c0_i32_0 = arith.constant 0 : i32
    %c0_i32_1 = arith.constant 0 : i32
    return %c0_i32, %c0_i32_0 : i32, i32
  }
  func.func @transform_3(%arg0: i32) -> (i32, i32) {
    %c0_i32 = arith.constant 0 : i32
    %c0_i32_0 = arith.constant 0 : i32
    return %arg0, %c0_i32 : i32, i32
  }
  func.func @transform_4(%arg0: i32) -> (i32, i32) {
    %c0_i32 = arith.constant 0 : i32
    %c0_i32_0 = arith.constant 0 : i32
    return %arg0, %c0_i32 : i32, i32
  }
}

module attributes {stable_mosaic.version = 14 : i64} {
  func.func @_mlp_body(%arg0: i32, %arg1: memref<1xf32, #tpu.memory_space<smem>>, %arg2: memref<1000x128xf32, #tpu.memory_space<vmem>>, %arg3: memref<1000x128xf32, #tpu.memory_space<vmem>>, %arg4: memref<1000x128xf32, #tpu.memory_space<vmem>>, %arg5: memref<1000x128xf32, #tpu.memory_space<vmem>>, %arg6: memref<256x256xf32, #tpu.memory_space<vmem>>, %arg7: memref<1x256xf32, #tpu.memory_space<vmem>>, %arg8: memref<256x256xf32, #tpu.memory_space<vmem>>, %arg9: memref<1x256xf32, #tpu.memory_space<vmem>>, %arg10: memref<1000x128xf32, #tpu.memory_space<vmem>>, %arg11: memref<1000x128xf32, #tpu.memory_space<vmem>>) attributes {dimension_semantics = [#tpu.dimension_semantics<arbitrary>], iteration_bounds = array<i64: 10>, scalar_prefetch = 0 : i64, scratch_operands = 0 : i64, tpu.core_type = #tpu.core_type<tc>, window_params = [{transform_indices = @transform_0, window_bounds = array<i64: 1>}, {transform_indices = @transform_1, window_bounds = array<i64: 1000, 128>}, {transform_indices = @transform_2, window_bounds = array<i64: 1000, 128>}, {transform_indices = @transform_3, window_bounds = array<i64: 1000, 128>}, {transform_indices = @transform_4, window_bounds = array<i64: 1000, 128>}, {pipeline_mode = #tpu.pipeline_mode<synchronous>, transform_indices = @transform_5, window_bounds = array<i64: 256, 256>}, {pipeline_mode = #tpu.pipeline_mode<synchronous>, transform_indices = @transform_6, window_bounds = array<i64: 1, 256>}, {pipeline_mode = #tpu.pipeline_mode<synchronous>, transform_indices = @transform_7, window_bounds = array<i64: 256, 256>}, {pipeline_mode = #tpu.pipeline_mode<synchronous>, transform_indices = @transform_8, window_bounds = array<i64: 1, 256>}, {transform_indices = @transform_9, window_bounds = array<i64: 1000, 128>}, {transform_indices = @transform_10, window_bounds = array<i64: 1000, 128>}]} {
    %get3A = arith.constant 0 : index
    %get3A_0 = memref.load %arg1[%get3A] : memref<1xf32, #tpu.memory_space<smem>>
    %add3A = arith.constant 1.000000e+00 : f32
    %add3A_1 = arith.addf %add3A, %get3A_0 : f32
    %get3A_2 = arith.constant 0 : index
    %get3A_3 = arith.constant 0 : index
    %get3A_4 = vector.load %arg2[%get3A_2, %get3A_3] : memref<1000x128xf32, #tpu.memory_space<vmem>>, vector<1000x128xf32>
    %mul3A = vector.broadcast %add3A_1 : f32 to vector<1000x128xf32>
    %mul3A_5 = arith.mulf %get3A_4, %mul3A : vector<1000x128xf32>
    %get3A_6 = arith.constant 0 : index
    %get3A_7 = arith.constant 0 : index
    %get3A_8 = vector.load %arg4[%get3A_6, %get3A_7] : memref<1000x128xf32, #tpu.memory_space<vmem>>, vector<1000x128xf32>
    %add3A_9 = arith.addf %mul3A_5, %get3A_8 : vector<1000x128xf32>
    %get3A_10 = arith.constant 0 : index
    %get3A_11 = arith.constant 0 : index
    %get3A_12 = vector.load %arg3[%get3A_10, %get3A_11] : memref<1000x128xf32, #tpu.memory_space<vmem>>, vector<1000x128xf32>
    %mul3A_13 = vector.broadcast %add3A_1 : f32 to vector<1000x128xf32>
    %mul3A_14 = arith.mulf %get3A_12, %mul3A_13 : vector<1000x128xf32>
    %get3A_15 = arith.constant 0 : index
    %get3A_16 = arith.constant 0 : index
    %get3A_17 = vector.load %arg5[%get3A_15, %get3A_16] : memref<1000x128xf32, #tpu.memory_space<vmem>>, vector<1000x128xf32>
    %add3A_18 = arith.addf %mul3A_14, %get3A_17 : vector<1000x128xf32>
    %concatenate3A = tpu.concatenate %add3A_9, %add3A_18 in 1 : vector<1000x128xf32>, vector<1000x128xf32> -> vector<1000x256xf32>
    %get3A_19 = arith.constant 0 : index
    %get3A_20 = arith.constant 0 : index
    %get3A_21 = vector.load %arg6[%get3A_19, %get3A_20] : memref<256x256xf32, #tpu.memory_space<vmem>>, vector<256x256xf32>
    %dot_general3A = arith.constant dense<0.000000e+00> : vector<1000x256xf32>
    %dot_general3A_22 = tpu.matmul %concatenate3A, %get3A_21, %dot_general3A {dimension_numbers = #tpu.dot_dimension_numbers<[1], [0], [0], [1], [0, 0, 1, 1], [], []>, transpose_lhs_hint = false} : vector<1000x256xf32>, vector<256x256xf32>, vector<1000x256xf32> -> vector<1000x256xf32>
    %get3A_23 = arith.constant 0 : index
    %get3A_24 = arith.constant 0 : index
    %get3A_25 = vector.load %arg7[%get3A_23, %get3A_24] : memref<1x256xf32, #tpu.memory_space<vmem>>, vector<1x256xf32>
    %add3A_26 = vector.broadcast %get3A_25 : vector<1x256xf32> to vector<1000x256xf32>
    %add3A_27 = arith.addf %dot_general3A_22, %add3A_26 : vector<1000x256xf32>
    %max3A = arith.constant 0.000000e+00 : f32
    %max3A_28 = vector.broadcast %max3A : f32 to vector<1000x256xf32>
    %max3A_29 = arith.maximumf %add3A_27, %max3A_28 : vector<1000x256xf32>
    %get3A_30 = arith.constant 0 : index
    %get3A_31 = arith.constant 0 : index
    %get3A_32 = vector.load %arg8[%get3A_30, %get3A_31] : memref<256x256xf32, #tpu.memory_space<vmem>>, vector<256x256xf32>
    %dot_general3A_33 = arith.constant dense<0.000000e+00> : vector<1000x256xf32>
    %dot_general3A_34 = tpu.matmul %max3A_29, %get3A_32, %dot_general3A_33 {dimension_numbers = #tpu.dot_dimension_numbers<[1], [0], [0], [1], [0, 0, 1, 1], [], []>, transpose_lhs_hint = false} : vector<1000x256xf32>, vector<256x256xf32>, vector<1000x256xf32> -> vector<1000x256xf32>
    %get3A_35 = arith.constant 0 : index
    %get3A_36 = arith.constant 0 : index
    %get3A_37 = vector.load %arg9[%get3A_35, %get3A_36] : memref<1x256xf32, #tpu.memory_space<vmem>>, vector<1x256xf32>
    %add3A_38 = vector.broadcast %get3A_37 : vector<1x256xf32> to vector<1000x256xf32>
    %add3A_39 = arith.addf %dot_general3A_34, %add3A_38 : vector<1000x256xf32>
    %max3A_40 = arith.constant 0.000000e+00 : f32
    %max3A_41 = vector.broadcast %max3A_40 : f32 to vector<1000x256xf32>
    %max3A_42 = arith.maximumf %add3A_39, %max3A_41 : vector<1000x256xf32>
    %slice3A = vector.extract_strided_slice %max3A_42 {offsets = [0, 0], sizes = [1000, 128], strides = [1, 1]} : vector<1000x256xf32> to vector<1000x128xf32>
    %swap3A = arith.constant 0 : index
    %swap3A_43 = arith.constant 0 : index
    %swap3A_44 = vector.load %arg10[%swap3A, %swap3A_43] : memref<1000x128xf32, #tpu.memory_space<vmem>>, vector<1000x128xf32>
    tpu.vector_store %arg10[%swap3A, %swap3A_43], %slice3A {strides = array<i32>} : memref<1000x128xf32, #tpu.memory_space<vmem>>, vector<1000x128xf32>,
    %slice3A_45 = vector.extract_strided_slice %max3A_42 {offsets = [0, 128], sizes = [1000, 128], strides = [1, 1]} : vector<1000x256xf32> to vector<1000x128xf32>
    %swap3A_46 = arith.constant 0 : index
    %swap3A_47 = arith.constant 0 : index
    %swap3A_48 = vector.load %arg11[%swap3A_46, %swap3A_47] : memref<1000x128xf32, #tpu.memory_space<vmem>>, vector<1000x128xf32>
    tpu.vector_store %arg11[%swap3A_46, %swap3A_47], %slice3A_45 {strides = array<i32>} : memref<1000x128xf32, #tpu.memory_space<vmem>>, vector<1000x128xf32>,
    return
  }
  func.func @transform_0(%arg0: i32) -> i32 {
    %c0_i32 = arith.constant 0 : i32
    %c0_i32_0 = arith.constant 0 : i32
    return %c0_i32 : i32
  }
  func.func @transform_1(%arg0: i32) -> (i32, i32) {
    %c0_i32 = arith.constant 0 : i32
    %c0_i32_0 = arith.constant 0 : i32
    return %arg0, %c0_i32 : i32, i32
  }
  func.func @transform_2(%arg0: i32) -> (i32, i32) {
    %c0_i32 = arith.constant 0 : i32
    %c0_i32_0 = arith.constant 0 : i32
    return %arg0, %c0_i32 : i32, i32
  }
  func.func @transform_3(%arg0: i32) -> (i32, i32) {
    %c0_i32 = arith.constant 0 : i32
    %c0_i32_0 = arith.constant 0 : i32
    return %arg0, %c0_i32 : i32, i32
  }
  func.func @transform_4(%arg0: i32) -> (i32, i32) {
    %c0_i32 = arith.constant 0 : i32
    %c0_i32_0 = arith.constant 0 : i32
    return %arg0, %c0_i32 : i32, i32
  }
  func.func @transform_5(%arg0: i32) -> (i32, i32) {
    %c0_i32 = arith.constant 0 : i32
    %c0_i32_0 = arith.constant 0 : i32
    %c0_i32_1 = arith.constant 0 : i32
    return %c0_i32, %c0_i32_0 : i32, i32
  }
  func.func @transform_6(%arg0: i32) -> (i32, i32) {
    %c0_i32 = arith.constant 0 : i32
    %c0_i32_0 = arith.constant 0 : i32
    %c0_i32_1 = arith.constant 0 : i32
    return %c0_i32, %c0_i32_0 : i32, i32
  }
  func.func @transform_7(%arg0: i32) -> (i32, i32) {
    %c0_i32 = arith.constant 0 : i32
    %c0_i32_0 = arith.constant 0 : i32
    %c0_i32_1 = arith.constant 0 : i32
    return %c0_i32, %c0_i32_0 : i32, i32
  }
  func.func @transform_8(%arg0: i32) -> (i32, i32) {
    %c0_i32 = arith.constant 0 : i32
    %c0_i32_0 = arith.constant 0 : i32
    %c0_i32_1 = arith.constant 0 : i32
    return %c0_i32, %c0_i32_0 : i32, i32
  }
  func.func @transform_9(%arg0: i32) -> (i32, i32) {
    %c0_i32 = arith.constant 0 : i32
    %c0_i32_0 = arith.constant 0 : i32
    return %arg0, %c0_i32 : i32, i32
  }
  func.func @transform_10(%arg0: i32) -> (i32, i32) {
    %c0_i32 = arith.constant 0 : i32
    %c0_i32_0 = arith.constant 0 : i32
    return %arg0, %c0_i32 : i32, i32
  }
}

module attributes {stable_mosaic.version = 14 : i64} {
  func.func @_head_body(%arg0: i32, %arg1: memref<1000x128xf32, #tpu.memory_space<vmem>>, %arg2: memref<1000x128xf32, #tpu.memory_space<vmem>>, %arg3: memref<256x40xf32, #tpu.memory_space<vmem>>, %arg4: memref<1x40xf32, #tpu.memory_space<vmem>>, %arg5: memref<1000x40xf32, #tpu.memory_space<vmem>>) attributes {dimension_semantics = [#tpu.dimension_semantics<arbitrary>], iteration_bounds = array<i64: 10>, scalar_prefetch = 0 : i64, scratch_operands = 0 : i64, tpu.core_type = #tpu.core_type<tc>, window_params = [{transform_indices = @transform_0, window_bounds = array<i64: 1000, 128>}, {transform_indices = @transform_1, window_bounds = array<i64: 1000, 128>}, {pipeline_mode = #tpu.pipeline_mode<synchronous>, transform_indices = @transform_2, window_bounds = array<i64: 256, 40>}, {pipeline_mode = #tpu.pipeline_mode<synchronous>, transform_indices = @transform_3, window_bounds = array<i64: 1, 40>}, {transform_indices = @transform_4, window_bounds = array<i64: 1000, 40>}]} {
    %get3A = arith.constant 0 : index
    %get3A_0 = arith.constant 0 : index
    %get3A_1 = vector.load %arg1[%get3A, %get3A_0] : memref<1000x128xf32, #tpu.memory_space<vmem>>, vector<1000x128xf32>
    %get3A_2 = arith.constant 0 : index
    %get3A_3 = arith.constant 0 : index
    %get3A_4 = vector.load %arg2[%get3A_2, %get3A_3] : memref<1000x128xf32, #tpu.memory_space<vmem>>, vector<1000x128xf32>
    %concatenate3A = tpu.concatenate %get3A_1, %get3A_4 in 1 : vector<1000x128xf32>, vector<1000x128xf32> -> vector<1000x256xf32>
    %get3A_5 = arith.constant 0 : index
    %get3A_6 = arith.constant 0 : index
    %get3A_7 = vector.load %arg3[%get3A_5, %get3A_6] : memref<256x40xf32, #tpu.memory_space<vmem>>, vector<256x40xf32>
    %dot_general3A = arith.constant dense<0.000000e+00> : vector<1000x40xf32>
    %dot_general3A_8 = tpu.matmul %concatenate3A, %get3A_7, %dot_general3A {dimension_numbers = #tpu.dot_dimension_numbers<[1], [0], [0], [1], [0, 0, 1, 1], [], []>, transpose_lhs_hint = false} : vector<1000x256xf32>, vector<256x40xf32>, vector<1000x40xf32> -> vector<1000x40xf32>
    %get3A_9 = arith.constant 0 : index
    %get3A_10 = arith.constant 0 : index
    %get3A_11 = vector.load %arg4[%get3A_9, %get3A_10] : memref<1x40xf32, #tpu.memory_space<vmem>>, vector<1x40xf32>
    %add3A = vector.broadcast %get3A_11 : vector<1x40xf32> to vector<1000x40xf32>
    %add3A_12 = arith.addf %dot_general3A_8, %add3A : vector<1000x40xf32>
    %swap3A = arith.constant 0 : index
    %swap3A_13 = arith.constant 0 : index
    %swap3A_14 = vector.load %arg5[%swap3A, %swap3A_13] : memref<1000x40xf32, #tpu.memory_space<vmem>>, vector<1000x40xf32>
    tpu.vector_store %arg5[%swap3A, %swap3A_13], %add3A_12 {strides = array<i32>} : memref<1000x40xf32, #tpu.memory_space<vmem>>, vector<1000x40xf32>,
    return
  }
  func.func @transform_0(%arg0: i32) -> (i32, i32) {
    %c0_i32 = arith.constant 0 : i32
    %c0_i32_0 = arith.constant 0 : i32
    return %arg0, %c0_i32 : i32, i32
  }
  func.func @transform_1(%arg0: i32) -> (i32, i32) {
    %c0_i32 = arith.constant 0 : i32
    %c0_i32_0 = arith.constant 0 : i32
    return %arg0, %c0_i32 : i32, i32
  }
  func.func @transform_2(%arg0: i32) -> (i32, i32) {
    %c0_i32 = arith.constant 0 : i32
    %c0_i32_0 = arith.constant 0 : i32
    %c0_i32_1 = arith.constant 0 : i32
    return %c0_i32, %c0_i32_0 : i32, i32
  }
  func.func @transform_3(%arg0: i32) -> (i32, i32) {
    %c0_i32 = arith.constant 0 : i32
    %c0_i32_0 = arith.constant 0 : i32
    %c0_i32_1 = arith.constant 0 : i32
    return %c0_i32, %c0_i32_0 : i32, i32
  }
  func.func @transform_4(%arg0: i32) -> (i32, i32) {
    %c0_i32 = arith.constant 0 : i32
    %c0_i32_0 = arith.constant 0 : i32
    return %arg0, %c0_i32 : i32, i32
  }
}

</mosaic_0001>

<sc_bundles>
// kernel: closed_call.13.cloned.1.call-start
scs
__scs_entry_jumppad:
0x0: {  	(pc) =	sbr.rel $0x88, $3  }
0x1: {  	(tag) =	ssettag $0x0;
	lr =	simm.s32 $0x1  }
0x2: {  	[smem:$0x3F8C] =	sst lr;
	_ =	strace $0xD0000000  }
0x3: {  	_ = 	snop  }
0x4: {  	_ = 	snop  }
0x5: {  	_ = 	snop  }
0x6: {  	_ = 	snop  }
0x7: {  	_ = 	snop  }
__scs_overlays_trampoline_lowered:
0x8: {  	[smem:$0x3F9B] =	sst s0  }
0x9: {  	[smem:$0x3F9C] =	sst s1  }
0xa: {  	[smem:$0x3F9D] =	sst s2  }
0xb: {  	[smem:$0x3F9E] =	sst s3  }
0xc: {  	[smem:$0x3F9F] =	sst s4  }
0xd: {  	[smem:$0x3FA0] =	sst s5  }
0xe: {  	[smem:$0x3FA1] =	sst s6  }
0xf: {  	[smem:$0x3FA2] =	sst s7  }
0x10: {  	[smem:$0x3FA3] =	sst s8  }
0x11: {  	[smem:$0x3FA4] =	sst s9;
	s0 =	simm.s32 @!p0 $0x0  }
0x12: {  	s1 =	sld [smem:$0x3F8A];
	s0 =	simm.s32 @p0 $0x1  }
0x13: {  	[smem:$0x3FA5] =	sst s0;
	s0 =	simm.s32 @!p1 $0x0  }
0x14: {  	s2 =	sld [smem:$0x3F89];
	s0 =	simm.s32 @p1 $0x1  }
0x15: {  	[smem:$0x3FA6] =	sst s0;
	s0 =	simm.s32 @!p2 $0x0  }
0x16: {  	s3 =	sld [smem:$0x3FDB];
	s0 =	simm.s32 @p2 $0x1  }
0x17: {  	s4 =	simm.s32 $0x1BF5;
	[smem:$0x3FA8] =	sst s0  }
0x18: {  	s0 =	sld [smem:$0x3F8B];
	_ =	swait.ge [sflag:s4], $0x0  }
0x19: {  	s7 =	sld [smem:$0x3F8C]  }
0x1a: {  	s8 =	sadd.s32 $0xFFFFE003, lr  }
0x1b: {  	s9 =	sadd.s32 $0xFFFFFEF7, lr;
	s5 =	simm.s32 $0xFFFFFFFF;
	p2 =	slt.u32 s8, $0xFFFFF086  }
0x1c: {  	p1 =	slt.u32 s9, $0xF7A;
	s5 =	simm.s32 @!p2 $0x0  }
0x1d: {  	s5 =	simm.s32 @p1 $0x1;
	p0 =	seq.s32 s7, s2  }
0x1e: {  	s7 =	smul.u32 @!p0 $0xF7A, s2;
	p2 =	seq.s32 @!p0 s5, $0x0  }
0x1f: {  	s9 =	smul.u32 $0xF7A, s1;
	s8 =	simm.s32 @!p0 $0x1BF5;
	p2 =	por !p2, p0  }
0x20: {  	[sflag:s8] =	ssyncset.s32 @!p0 $0xFFFFF086;
	s6 =	sadd.s32 @!p0 s3, s7;
	s7 =	simm.s32 @!p0 $0x108  }
0x21: {  	s3 =	sadd.s32 s3, s9;
	s6 =	sadd.s32 @!p0 $0x88, s6;
	s7 =	simm.s32 @p2 $0x1082  }
0x22: {  	[simem:s7], [sflag:s8] =	dma.local @!p0 [hbm:s6], $0xF7A  }
0x23: {  	s9 =	sor.u32 $0xD0000000, s2;
	s6 =	simm.s32 $0x108;
	_ =	swait.ge @!p0 [sflag:s8], $0x0  }
0x24: {  	s3 =	sadd.s32 $0x88, s3;
	s6 =	simm.s32 @!p1 $0x1082;
	[sflag:s4] =	ssyncset.s32 $0xFFFFF086  }
0x25: {  	[simem:s6], [sflag:s4] =	dma.local [hbm:s3], $0xF7A  }
0x26: {  	[smem:$0x3F8C] =	sst s1;
	(tag) =	ssettag s2;
	_ =	strace s9  }
0x27: {  	s1 =	sld [smem:$0x3F9C]  }
0x28: {  	s2 =	sld [smem:$0x3F9D]  }
0x29: {  	s4 =	sld [smem:$0x3F9F]  }
0x2a: {  	p0 =	seq.s32 s5, $0x0;
	s5 =	sld [smem:$0x3FA0]  }
0x2b: {  	s6 =	sld [smem:$0x3FA1]  }
0x2c: {  	s7 =	sld [smem:$0x3FA2]  }
0x2d: {  	s3 =	simm.s32 $0x108;
	s8 =	sld [smem:$0x3FA3]  }
0x2e: {  	s3 =	simm.s32 @!p0 $0x1082;
	s9 =	sld [smem:$0x3FA4]  }
0x2f: {  	lr =	sadd.s32 s0, s3;
	s0 =	sld [smem:$0x3F9B]  }
0x30: {  	s3 =	sld [smem:$0x3F9E]  }
0x31: {  	[smem:$0x3FA7] =	sst s10  }
0x32: {  	s10 =	sld [smem:$0x3FA5];
	_ =	sdelay $0x3  }
0x33: {  	p0 =	seq.s32 s10, $0x1;
	s10 =	sld [smem:$0x3FA7];
	_ =	sdelay $0x3  }
0x34: {  	[smem:$0x3FA7] =	sst s10  }
0x35: {  	s10 =	sld [smem:$0x3FA6];
	_ =	sdelay $0x3  }
0x36: {  	p1 =	seq.s32 s10, $0x1;
	s10 =	sld [smem:$0x3FA7];
	_ =	sdelay $0x3  }
0x37: {  	[smem:$0x3FA7] =	sst s10  }
0x38: {  	s10 =	sld [smem:$0x3FA8]  }
0x39: {  	_ = 	snop;
	(pc) =	sbr.ind lr, $3  }
0x3a: {  	_ = 	snop  }
0x3b: {  	_ = 	snop  }
0x3c: {  	p2 =	seq.s32 s10, $0x1;
	s10 =	sld [smem:$0x3FA7]  }
0x3d: {  	_ =	shalt  }
0x3e: {  	_ =	shalt  }
0x3f: {  	_ =	shalt  }
0x40: {  	_ =	shalt  }
0x41: {  	_ =	shalt  }
0x42: {  	_ =	shalt  }
0x43: {  	_ =	shalt  }
0x44: {  	_ =	shalt  }
0x45: {  	_ =	shalt  }
0x46: {  	_ =	shalt  }
0x47: {  	_ =	shalt  }
0x48: {  	_ =	shalt  }
0x49: {  	_ =	shalt  }
0x4a: {  	_ =	shalt  }
0x4b: {  	_ =	shalt  }
0x4c: {  	_ =	shalt  }
0x4d: {  	_ =	shalt  }
0x4e: {  	_ =	shalt  }
0x4f: {  	_ =	shalt  }
0x50: {  	_ =	shalt  }
0x51: {  	_ =	shalt  }
0x52: {  	_ =	shalt  }
0x53: {  	_ =	shalt  }
0x54: {  	_ =	shalt  }
0x55: {  	_ =	shalt  }
0x56: {  	_ =	shalt  }
0x57: {  	_ =	shalt  }
0x58: {  	_ =	shalt  }
0x59: {  	_ =	shalt  }
0x5a: {  	_ =	shalt  }
0x5b: {  	_ =	shalt  }
0x5c: {  	_ =	shalt  }
0x5d: {  	_ =	shalt  }
0x5e: {  	_ =	shalt  }
0x5f: {  	_ =	shalt  }
0x60: {  	_ =	shalt  }
0x61: {  	_ =	shalt  }
0x62: {  	_ =	shalt  }
0x63: {  	_ =	shalt  }
0x64: {  	_ =	shalt  }
0x65: {  	_ =	shalt  }
0x66: {  	_ =	shalt  }
0x67: {  	_ =	shalt  }
0x68: {  	_ =	shalt  }
0x69: {  	_ =	shalt  }
0x6a: {  	_ =	shalt  }
0x6b: {  	_ =	shalt  }
0x6c: {  	_ =	shalt  }
0x6d: {  	_ =	shalt  }
0x6e: {  	_ =	shalt  }
0x6f: {  	_ =	shalt  }
0x70: {  	_ =	shalt  }
0x71: {  	_ =	shalt  }
0x72: {  	_ =	shalt  }
0x73: {  	_ =	shalt  }
0x74: {  	_ =	shalt  }
0x75: {  	_ =	shalt  }
0x76: {  	_ =	shalt  }
0x77: {  	_ =	shalt  }
0x78: {  	_ =	shalt  }
0x79: {  	_ =	shalt  }
0x7a: {  	_ =	shalt  }
0x7b: {  	_ =	shalt  }
0x7c: {  	_ =	shalt  }
0x7d: {  	_ =	shalt  }
0x7e: {  	_ =	shalt  }
0x7f: {  	_ =	shalt  }
0x80: {  	_ =	shalt  }
0x81: {  	_ =	shalt  }
0x82: {  	_ =	shalt  }
0x83: {  	_ =	shalt  }
0x84: {  	_ =	shalt  }
0x85: {  	_ =	shalt  }
0x86: {  	_ =	shalt  }
0x87: {  	_ =	shalt  }
.Lfunc_end0:
.L_simem_size_0:
called_computation_lowered:
.L_overlay_start_0:
0x88: {  	s2 =	sld [smem:$0x3FD9]  }
0x89: {  	s3 =	sld [smem:$0x3FFE];
	_ =	sdelay $0x1  }
0x8a: {  	s1 =	srdreg.scid  }
0x8b: {  	s0 =	sand.u32 $0x1, s1  }
0x8c: {  	s17 =	sshll.u32 s0, $0xA;
	s2 =	sadd.s32 s3, s2  }
0x8d: {  	s2 =	sadd.s32 s2, s17  }
0x8e: {  	[smem:$0x3FB3] =	sst s2  }
0x8f: {  	_ = 	snop  }
0x90: {  	s2 =	sld [smem:$0x3FD0];
	(tm) =	ssettm $0x1  }
0x91: {  	s18 =	sld [smem:$0x3FFB];
	_ =	sdelay $0x3  }
0x92: {  	_ =	strace s18  }
0x93: {  	s3 =	sld [smem:$0x3FFC];
	_ =	sdelay $0x3  }
0x94: {  	_ =	strace s3  }
0x95: {  	s3 =	sld [smem:$0x3FFD];
	_ =	sdelay $0x3  }
0x96: {  	_ =	strace s3  }
0x97: {  	_ =	strace $0x8FFFFFFF  }
0x98: {  	s19 =	sld [smem:$0x3FDB];
	_ =	sdelay $0x1  }
0x99: {  	s4 =	simm.s32 $_scs_section_size  }
0x9a: {  	s5 =	simm.s32 $_size__tile_overlayer_lowered;
	s6 =	simm.s32 $_tile_overlayer_lowered  }
0x9b: {  	s22 =	simm.s32 $0x1BFF;
	s21 =	sshll.u32 s6, $0x1;
	s3 =	sadd.s32 s4, s19  }
0x9c: {  	s7 =	simm.s32 $0x0;
	s20 =	sshll.u32 s5, $0x1;
	s5 =	sadd.s32 s21, s3  }
0x9d: {  	[timem:s7], [sflag:s22] =	dma.local [hbm:s5], s20  }
0x9e: {  	_ =	swait.ge [sflag:s22], s20  }
0x9f: {  	s4 =	ssub.s32 $0x0, s20;
	[sflag:s22] =	ssyncset.done $0x0  }
0xa0: {  	[sflag:s22] =	ssyncadd.s32 s4;
	_ =	sdelay $0x1  }
0xa1: {  	s23 =	simm.s32 $0x1B8B  }
0xa2: {  	_ =	swait.ge [sflag:s23], $0x1  }
0xa3: {  	[sflag:s23] =	ssyncset.done $0x0  }
0xa4: {  	s25 =	simm.s32 $0x1B8E;
	s24 =	sld [smem:$0x3FFE];
	[sflag:s23] =	ssyncadd.s32 $0xFFFFFFFF  }
0xa5: {  	s26 =	simm.s32 $execute0_lowered;
	[smem:$0x3FD2] =	sst s25  }
0xa6: {  	s5 =	sshll.u32 s26, $0x1;
	_ =	strace $0x80000046;
	[dreg:$0x1] =	wrdreg $0xFFFFFFFF  }
0xa7: {  	s28 =	simm.s32 $_size_execute0_lowered;
	s3 =	sadd.s32 s3, s5;
	[dreg:$0x0] =	wrdreg $0x0  }
0xa8: {  	s5 =	sshll.u32 s28, $0x1;
	[dreg:$0x2] =	wrdreg s3  }
0xa9: {  	[dreg:$0x3] =	wrdreg s5  }
0xaa: {  	[dreg:$0x4] =	wrdreg $0xC0  }
0xab: {  	_ =	task [dreg:s7], $0x5FFFF  }
0xac: {  	[dreg:$0x1] =	wrdreg $0xFFFFFFFF  }
0xad: {  	[dreg:$0x0] =	wrdreg $0x60  }
0xae: {  	[dreg:$0x2] =	wrdreg s24  }
0xaf: {  	[dreg:$0x3] =	wrdreg s2  }
0xb0: {  	[dreg:$0x4] =	wrdreg $0xA0000  }
0xb1: {  	[dreg:$0x5] =	wrdreg $0x9  }
0xb2: {  	_ =	task.clear_ibuf [dreg:s7], $0x6FFFF;
	_ =	strace $0x90000046  }
0xb3: {  	s29 =	simm.s32 $0x9;
	_ =	strace $0x80000048  }
0xb4: {  	_ =	swait.ge [sflag:s29], $0x1  }
0xb5: {  	[sflag:s29] =	ssyncadd.s32 $0xFFFFFFFF  }
0xb6: {  	_ =	strace $0x90000048  }
0xb7: {  	_ =	sfence  }
0xb8: {  	s30 =	sld [smem:$0x0];
	_ =	sdelay $0x2  }
0xb9: {  	s31 =	sshll.u32 s1, $0xD;
	s1 =	sshrl.u32 s1, $0x2  }
0xba: {  	s3 =	sand.u32 $0x4000, s31;
	s1 =	sadd.s32 s1, s30  }
0xbb: {  	s0 =	sor.u32 s3, s0;
	s1 =	sshll.u32 s1, $0x11  }
0xbc: {  	s0 =	sor.u32 s1, s0  }
0xbd: {  	s0 =	sadd.s32 $0x8F2B, s0  }
0xbe: {  	[sflag:s0] =	ssyncadd.remote.s32 $0x1  }
0xbf: {  	_ =	sfence.sel $0xFFFF  }
0xc0: {  	[dreg:$0x0] =	wrdreg $0xFFFFFFFF;
	(pc) =	sbr.abs _section_cstart, $3  }
0xc1: {  	[dreg:$0x1] =	wrdreg $0xFFFFFFFF  }
0xc2: {  	_ =	task.clear_ibuf [dreg:s7], $0x2FFFF;
	_ =	strace $0x9FFFFFFF  }
0xc3: {  	(tm) =	ssettm $0x7FFFFFFF  }
tec
execute0_lowered:
.L_overlay_start_1:
0x0: {  	(tag) =	ssettag $0x1  }
0x1: {  	s0 =	rddreg [dreg:$0x0]  }
0x2: {  	s1 =	rddreg [dreg:$0x1]  }
0x3: {  	s2 =	rddreg [dreg:$0x2];
	s3 =	simm.s32 $0x0  }
0x4: {  	s12 =	stileid.u32;
	s7 =	srdreg.scid;
	s19 =	simm.s32 $0x80  }
0x5: {  	s20 =	simm.s32 $0x2000;
	s21 =	simm.s32 $0x6000;
	s22 =	simm.s32 $0x1  }
0x6: {  	s23 =	simm.s32 $0x2;
	s13 =	simm.s32 $0x880;
	s30 =	simm.s32 $0x1000  }
0x7: {  	s31 =	simm.s32 $0x1800;
	s14 =	simm.s32 $0x980;
	s15 =	simm.s32 $0x200  }
0x8: {  	s16 =	simm.s32 $0x280;
	s28 =	simm.s32 $0x6;
	s29 =	simm.s32 $0x0  }
0x9: {  	[smem:$0x7FF] =	sst s3;
	s4 =	sadd.s32 $0x35A00, s0;
	s6 =	smul.u32 $0xA00, s12  }
0xa: {  	s5 =	sadd.s32 $0x5CC00, s0;
	s10 =	smul.u32 $0x2800, s12;
	s7 =	sand.u32 $0x1, s7  }
0xb: {  	s9 =	smul.u32 $0x50000, s12;
	s11 =	sadd.s32 $0xABE00, s0;
	s26 =	sshll.u32 s12, $0x6  }
0xc: {  	_ =	strace $0x80000047;
	[dreg:$0x5] =	wrdreg s11;
	s24 =	ssub.s32 $0x2, s7  }
0xd: {  	p0 =	seq.s32 s7, $0x0;
	s7 =	simm.s32 $0x900;
	s8 =	sadd.s32 s6, s0  }
0xe: {  	[dreg:$0x4] =	wrdreg s10;
	s10 =	sadd.s32 s10, s0;
	s0 =	sadd.s32 $0xD3E00, s0  }
0xf: {  	s25 =	sshrl.u32 s24, $0x1;
	s9 =	sshrl.u32 s9, $0x2;
	s11 =	sadd.s32 s1, s6  }
0x10: {  	s1 =	simm.s32 $0x180;
	[dreg:$0x6] =	wrdreg s0;
	s0 =	ssub.s32 s24, s25  }
0x11: {  	s9 =	sadd.s32 s9, s2;
	s10 =	sadd.s32 $0x83E00, s10;
	s12 =	sadd.s32 $0x2BA00, s8  }
.Ltmp0:
0x12: {  	s24 =	simm.s32 $0x800;
	s17 =	sadd.s32 $0x100, s11;
	(pc) =	sbr.rel .LBB2_1-.Ltmp0, $4  }
0x13: {  	s25 =	simm.s32 $0x3;
	[dreg:$0x7] =	wrdreg s10;
	s0 =	smax.u32 s0, $0x1  }
0x14: {  	s10 =	sor.u32 $0x1C07, s26;
	s8 =	sshrl.u32 s9, $0x3;
	[dreg:$0x9] =	wrdreg s0  }
0x15: {  	s9 =	simm.s32 $0x7;
	s18 =	sadd.s32 $0x100, s12;
	[dreg:$0x8] =	wrdreg s10  }
0x16: {  	s26 =	simm.s32 $0x4;
	s0 =	simm.s32 $0x100;
	[dreg:$0xa] =	wrdreg s8  }
.LBB2_7:
0x17: {  	[sflag:s23] =	ssyncadd.s32 $0xFFFFC000;
	s7 =	simm.s32 $0x1F80  }
0x18: {  	[spmem:s2] =	stream.indirect.scatter.add.f32 [tilespmem:s21], [sflag:$0x4], $0x80, s7, s19, $0xb8;
	[tilespmem:$0x1E000] =	vst v63  }
0x19: {  	_ =	swait.ge @!p1 [sflag:s16], $0x800  }
0x1a: {  	[sflag:s16] =	ssyncset.done @!p1 $0x0  }
0x1b: {  	[sflag:s16] =	ssyncadd.s32 @!p1 $0xFFFFF800  }
0x1c: {  	_ =	swait.ge @!p1 [sflag:s16], $0x800  }
0x1d: {  	[sflag:s16] =	ssyncset.done @!p1 $0x0  }
0x1e: {  	s6 =	simm.s32 @!p1 $0x3;
	[sflag:s16] =	ssyncadd.s32 @!p1 $0xFFFFF800  }
0x1f: {  	_ =	swait.ge @!p1 [sflag:s6], $0x4000  }
0x20: {  	[sflag:s6] =	ssyncset.done @!p1 $0x0  }
0x21: {  	[sflag:s6] =	ssyncadd.s32 @!p1 $0xFFFFC000;
	s6 =	simm.s32 @!p1 $0x4  }
0x22: {  	_ =	swait.ge @!p1 [sflag:s6], $0x4000  }
0x23: {  	[sflag:s6] =	ssyncset.done @!p1 $0x0  }
0x24: {  	[sflag:s6] =	ssyncadd.s32 @!p1 $0xFFFFC000  }
0x25: {  	[tilespmem:s20], [sflag:$0x1] =	stream.indirect.gather [hbm4b:s4+s19], $0x80, s3, s19, $0xb8;
	[tilespmem:$0x1E000] =	vst v63  }
0x26: {  	_ = 	snop  }
0x27: {  	[tilespmem:s21], [sflag:$0x2] =	stream.indirect.gather [hbm4b:s4+s19], $0x80, s19, s19, $0xb8;
	[tilespmem:$0x1E000] =	vst v63  }
0x28: {  	_ =	swait.ge [sflag:s22], $0x4000  }
0x29: {  	[sflag:s22] =	ssyncset.done $0x0  }
0x2a: {  	[sflag:s22] =	ssyncadd.s32 $0xFFFFC000  }
0x2b: {  	[spmem:s2] =	stream.indirect.scatter.add.f32 [tilespmem:s20], [sflag:$0x3], $0x80, s24, s19, $0xb8;
	[tilespmem:$0x1E000] =	vst v63  }
0x2c: {  	_ =	swait.ge [sflag:s23], $0x4000  }
0x2d: {  	[sflag:s23] =	ssyncset.done $0x0  }
0x2e: {  	[sflag:s23] =	ssyncadd.s32 $0xFFFFC000  }
0x2f: {  	[spmem:s2] =	stream.indirect.scatter.add.f32 [tilespmem:s21], [sflag:$0x4], $0x80, s29, s19, $0xb8;
	[tilespmem:$0x1E000] =	vst v63  }
0x30: {  	_ =	swait.ge [sflag:s25], $0x4000  }
0x31: {  	[sflag:s25] =	ssyncset.done $0x0  }
0x32: {  	[sflag:s25] =	ssyncadd.s32 $0xFFFFC000  }
0x33: {  	_ =	swait.ge [sflag:s26], $0x4000  }
0x34: {  	[sflag:s26] =	ssyncset.done $0x0  }
0x35: {  	[sflag:s26] =	ssyncadd.s32 $0xFFFFC000  }
0x36: {  	[tilespmem:s20], [sflag:$0x1] =	stream.indirect.gather [hbm4b:s4+s19], $0x80, s0, s19, $0xb8;
	[tilespmem:$0x1E000] =	vst v63  }
0x37: {  	_ = 	snop  }
0x38: {  	[tilespmem:s21], [sflag:$0x2] =	stream.indirect.gather [hbm4b:s4+s19], $0x80, s1, s19, $0xb8;
	[tilespmem:$0x1E000] =	vst v63  }
0x39: {  	_ = 	snop  }
0x3a: {  	[tilespmem:s30], [sflag:$0x6] =	stream.linear.gather [hbm4b:s9+s3], $0x800, $0x38;
	[tilespmem:$0x1E000] =	vst v63  }
0x3b: {  	_ = 	snop  }
0x3c: {  	[tilespmem:s31], [sflag:$0x6] =	stream.linear.gather [hbm4b:s13+s3], $0x800, $0x38;
	[tilespmem:$0x1E000] =	vst v63  }
0x3d: {  	_ =	swait.ge [sflag:s22], $0x4000  }
0x3e: {  	[sflag:s22] =	ssyncset.done $0x0  }
0x3f: {  	s13 =	simm.s32 $0x900;
	[sflag:s22] =	ssyncadd.s32 $0xFFFFC000  }
0x40: {  	[spmem:s2] =	stream.indirect.scatter.add.f32 [tilespmem:s20], [sflag:$0x3], $0x80, s13, s19, $0xb8;
	[tilespmem:$0x1E000] =	vst v63  }
0x41: {  	_ =	swait.ge [sflag:s23], $0x4000  }
0x42: {  	[sflag:s23] =	ssyncset.done $0x0  }
0x43: {  	s16 =	simm.s32 $0x980;
	[sflag:s23] =	ssyncadd.s32 $0xFFFFC000  }
0x44: {  	[spmem:s2] =	stream.indirect.scatter.add.f32 [tilespmem:s21], [sflag:$0x4], $0x80, s16, s19, $0xb8;
	[tilespmem:$0x1E000] =	vst v63  }
0x45: {  	_ =	swait.ge [sflag:s25], $0x4000  }
0x46: {  	[sflag:s25] =	ssyncset.done $0x0  }
0x47: {  	[sflag:s25] =	ssyncadd.s32 $0xFFFFC000  }
0x48: {  	_ =	swait.ge [sflag:s26], $0x4000  }
0x49: {  	[sflag:s26] =	ssyncset.done $0x0  }
0x4a: {  	s1 =	simm.s32 $0x200;
	[sflag:s26] =	ssyncadd.s32 $0xFFFFC000  }
0x4b: {  	[tilespmem:s20], [sflag:$0x1] =	stream.indirect.gather [hbm4b:s4+s19], $0x80, s1, s19, $0xb8;
	[tilespmem:$0x1E000] =	vst v63  }
0x4c: {  	s6 =	simm.s32 $0x280  }
0x4d: {  	[tilespmem:s21], [sflag:$0x2] =	stream.indirect.gather [hbm4b:s4+s19], $0x80, s6, s19, $0xb8;
	[tilespmem:$0x1E000] =	vst v63  }
0x4e: {  	_ =	swait.ge [sflag:s22], $0x4000  }
0x4f: {  	[sflag:s22] =	ssyncset.done $0x0  }
0x50: {  	s9 =	simm.s32 $0xA00;
	[sflag:s22] =	ssyncadd.s32 $0xFFFFC000  }
0x51: {  	[spmem:s2] =	stream.indirect.scatter.add.f32 [tilespmem:s20], [sflag:$0x3], $0x80, s9, s19, $0xb8;
	[tilespmem:$0x1E000] =	vst v63  }
0x52: {  	_ =	swait.ge [sflag:s23], $0x4000  }
0x53: {  	[sflag:s23] =	ssyncset.done $0x0  }
0x54: {  	s13 =	simm.s32 $0xA80;
	[sflag:s23] =	ssyncadd.s32 $0xFFFFC000  }
0x55: {  	[spmem:s2] =	stream.indirect.scatter.add.f32 [tilespmem:s21], [sflag:$0x4], $0x80, s13, s19, $0xb8;
	[tilespmem:$0x1E000] =	vst v63  }
0x56: {  	_ =	swait.ge [sflag:s25], $0x4000  }
0x57: {  	[sflag:s25] =	ssyncset.done $0x0  }
0x58: {  	[sflag:s25] =	ssyncadd.s32 $0xFFFFC000  }
0x59: {  	_ =	swait.ge [sflag:s26], $0x4000  }
0x5a: {  	[sflag:s26] =	ssyncset.done $0x0  }
0x5b: {  	s16 =	simm.s32 $0x300;
	[sflag:s26] =	ssyncadd.s32 $0xFFFFC000  }
0x5c: {  	[tilespmem:s20], [sflag:$0x1] =	stream.indirect.gather [hbm4b:s4+s19], $0x80, s16, s19, $0xb8;
	[tilespmem:$0x1E000] =	vst v63  }
0x5d: {  	s1 =	simm.s32 $0x380  }
0x5e: {  	[tilespmem:s21], [sflag:$0x2] =	stream.indirect.gather [hbm4b:s4+s19], $0x80, s1, s19, $0xb8;
	[tilespmem:$0x1E000] =	vst v63  }
0x5f: {  	_ =	swait.ge [sflag:s22], $0x4000  }
0x60: {  	[sflag:s22] =	ssyncset.done $0x0  }
0x61: {  	s6 =	simm.s32 $0xB00;
	[sflag:s22] =	ssyncadd.s32 $0xFFFFC000  }
0x62: {  	[spmem:s2] =	stream.indirect.scatter.add.f32 [tilespmem:s20], [sflag:$0x3], $0x80, s6, s19, $0xb8;
	[tilespmem:$0x1E000] =	vst v63  }
0x63: {  	_ =	swait.ge [sflag:s23], $0x4000  }
0x64: {  	[sflag:s23] =	ssyncset.done $0x0  }
0x65: {  	s9 =	simm.s32 $0xB80;
	[sflag:s23] =	ssyncadd.s32 $0xFFFFC000  }
0x66: {  	[spmem:s2] =	stream.indirect.scatter.add.f32 [tilespmem:s21], [sflag:$0x4], $0x80, s9, s19, $0xb8;
	[tilespmem:$0x1E000] =	vst v63  }
0x67: {  	_ =	swait.ge [sflag:s25], $0x4000  }
0x68: {  	[sflag:s25] =	ssyncset.done $0x0  }
0x69: {  	[sflag:s25] =	ssyncadd.s32 $0xFFFFC000  }
0x6a: {  	_ =	swait.ge [sflag:s26], $0x4000  }
0x6b: {  	[sflag:s26] =	ssyncset.done $0x0  }
0x6c: {  	s13 =	simm.s32 $0x400;
	[sflag:s26] =	ssyncadd.s32 $0xFFFFC000  }
0x6d: {  	[tilespmem:s20], [sflag:$0x1] =	stream.indirect.gather [hbm4b:s4+s19], $0x80, s13, s19, $0xb8;
	[tilespmem:$0x1E000] =	vst v63  }
0x6e: {  	s16 =	simm.s32 $0x480  }
0x6f: {  	[tilespmem:s21], [sflag:$0x2] =	stream.indirect.gather [hbm4b:s4+s19], $0x80, s16, s19, $0xb8;
	[tilespmem:$0x1E000] =	vst v63  }
0x70: {  	_ =	swait.ge [sflag:s22], $0x4000  }
0x71: {  	[sflag:s22] =	ssyncset.done $0x0  }
0x72: {  	s1 =	simm.s32 $0xC00;
	[sflag:s22] =	ssyncadd.s32 $0xFFFFC000  }
0x73: {  	[spmem:s2] =	stream.indirect.scatter.add.f32 [tilespmem:s20], [sflag:$0x3], $0x80, s1, s19, $0xb8;
	[tilespmem:$0x1E000] =	vst v63  }
0x74: {  	_ =	swait.ge [sflag:s23], $0x4000  }
0x75: {  	[sflag:s23] =	ssyncset.done $0x0  }
0x76: {  	s6 =	simm.s32 $0xC80;
	[sflag:s23] =	ssyncadd.s32 $0xFFFFC000  }
0x77: {  	[spmem:s2] =	stream.indirect.scatter.add.f32 [tilespmem:s21], [sflag:$0x4], $0x80, s6, s19, $0xb8;
	[tilespmem:$0x1E000] =	vst v63  }
0x78: {  	_ =	swait.ge [sflag:s25], $0x4000  }
0x79: {  	[sflag:s25] =	ssyncset.done $0x0  }
0x7a: {  	[sflag:s25] =	ssyncadd.s32 $0xFFFFC000  }
0x7b: {  	_ =	swait.ge [sflag:s26], $0x4000  }
0x7c: {  	[sflag:s26] =	ssyncset.done $0x0  }
0x7d: {  	s9 =	simm.s32 $0x500;
	[sflag:s26] =	ssyncadd.s32 $0xFFFFC000  }
0x7e: {  	[tilespmem:s20], [sflag:$0x1] =	stream.indirect.gather [hbm4b:s4+s19], $0x80, s9, s19, $0xb8;
	[tilespmem:$0x1E000] =	vst v63  }
0x7f: {  	s13 =	simm.s32 $0x580  }
0x80: {  	[tilespmem:s21], [sflag:$0x2] =	stream.indirect.gather [hbm4b:s4+s19], $0x80, s13, s19, $0xb8;
	[tilespmem:$0x1E000] =	vst v63  }
0x81: {  	_ =	swait.ge [sflag:s22], $0x4000  }
0x82: {  	[sflag:s22] =	ssyncset.done $0x0  }
0x83: {  	s16 =	simm.s32 $0xD00;
	[sflag:s22] =	ssyncadd.s32 $0xFFFFC000  }
0x84: {  	[spmem:s2] =	stream.indirect.scatter.add.f32 [tilespmem:s20], [sflag:$0x3], $0x80, s16, s19, $0xb8;
	[tilespmem:$0x1E000] =	vst v63  }
0x85: {  	_ =	swait.ge [sflag:s23], $0x4000  }
0x86: {  	[sflag:s23] =	ssyncset.done $0x0  }
0x87: {  	s1 =	simm.s32 $0xD80;
	[sflag:s23] =	ssyncadd.s32 $0xFFFFC000  }
0x88: {  	[spmem:s2] =	stream.indirect.scatter.add.f32 [tilespmem:s21], [sflag:$0x4], $0x80, s1, s19, $0xb8;
	[tilespmem:$0x1E000] =	vst v63  }
0x89: {  	_ =	swait.ge [sflag:s25], $0x4000  }
0x8a: {  	[sflag:s25] =	ssyncset.done $0x0  }
0x8b: {  	[sflag:s25] =	ssyncadd.s32 $0xFFFFC000  }
0x8c: {  	_ =	swait.ge [sflag:s26], $0x4000  }
0x8d: {  	[sflag:s26] =	ssyncset.done $0x0  }
0x8e: {  	s6 =	simm.s32 $0x600;
	[sflag:s26] =	ssyncadd.s32 $0xFFFFC000  }
0x8f: {  	[tilespmem:s20], [sflag:$0x1] =	stream.indirect.gather [hbm4b:s4+s19], $0x80, s6, s19, $0xb8;
	[tilespmem:$0x1E000] =	vst v63  }
0x90: {  	s9 =	simm.s32 $0x680  }
0x91: {  	[tilespmem:s21], [sflag:$0x2] =	stream.indirect.gather [hbm4b:s4+s19], $0x80, s9, s19, $0xb8;
	[tilespmem:$0x1E000] =	vst v63  }
0x92: {  	_ =	swait.ge [sflag:s22], $0x4000  }
0x93: {  	[sflag:s22] =	ssyncset.done $0x0  }
0x94: {  	s13 =	simm.s32 $0xE00;
	[sflag:s22] =	ssyncadd.s32 $0xFFFFC000  }
0x95: {  	[spmem:s2] =	stream.indirect.scatter.add.f32 [tilespmem:s20], [sflag:$0x3], $0x80, s13, s19, $0xb8;
	[tilespmem:$0x1E000] =	vst v63  }
0x96: {  	_ =	swait.ge [sflag:s23], $0x4000  }
0x97: {  	[sflag:s23] =	ssyncset.done $0x0  }
0x98: {  	s16 =	simm.s32 $0xE80;
	[sflag:s23] =	ssyncadd.s32 $0xFFFFC000  }
0x99: {  	[spmem:s2] =	stream.indirect.scatter.add.f32 [tilespmem:s21], [sflag:$0x4], $0x80, s16, s19, $0xb8;
	[tilespmem:$0x1E000] =	vst v63  }
0x9a: {  	_ =	swait.ge [sflag:s25], $0x4000  }
0x9b: {  	[sflag:s25] =	ssyncset.done $0x0  }
0x9c: {  	[sflag:s25] =	ssyncadd.s32 $0xFFFFC000  }
0x9d: {  	_ =	swait.ge [sflag:s26], $0x4000  }
0x9e: {  	[sflag:s26] =	ssyncset.done $0x0  }
0x9f: {  	s1 =	simm.s32 $0x700;
	[sflag:s26] =	ssyncadd.s32 $0xFFFFC000  }
0xa0: {  	[tilespmem:s20], [sflag:$0x1] =	stream.indirect.gather [hbm4b:s4+s19], $0x80, s1, s19, $0xb8;
	[tilespmem:$0x1E000] =	vst v63  }
0xa1: {  	s6 =	simm.s32 $0x780  }
0xa2: {  	[tilespmem:s21], [sflag:$0x2] =	stream.indirect.gather [hbm4b:s4+s19], $0x80, s6, s19, $0xb8;
	[tilespmem:$0x1E000] =	vst v63  }
0xa3: {  	_ =	swait.ge [sflag:s22], $0x4000  }
0xa4: {  	[sflag:s22] =	ssyncset.done $0x0  }
0xa5: {  	s9 =	simm.s32 $0xF00;
	[sflag:s22] =	ssyncadd.s32 $0xFFFFC000  }
0xa6: {  	[spmem:s2] =	stream.indirect.scatter.add.f32 [tilespmem:s20], [sflag:$0x3], $0x80, s9, s19, $0xb8;
	[tilespmem:$0x1E000] =	vst v63  }
0xa7: {  	_ =	swait.ge [sflag:s23], $0x4000  }
0xa8: {  	[sflag:s23] =	ssyncset.done $0x0  }
0xa9: {  	s13 =	simm.s32 $0xF80;
	[sflag:s23] =	ssyncadd.s32 $0xFFFFC000  }
0xaa: {  	[spmem:s2] =	stream.indirect.scatter.add.f32 [tilespmem:s21], [sflag:$0x4], $0x80, s13, s19, $0xb8;
	[tilespmem:$0x1E000] =	vst v63  }
0xab: {  	_ =	swait.ge [sflag:s28], $0x800  }
0xac: {  	[sflag:s28] =	ssyncset.done $0x0  }
0xad: {  	[sflag:s28] =	ssyncadd.s32 $0xFFFFF800  }
0xae: {  	_ =	swait.ge [sflag:s28], $0x800  }
0xaf: {  	[sflag:s28] =	ssyncset.done $0x0  }
0xb0: {  	[sflag:s28] =	ssyncadd.s32 $0xFFFFF800  }
0xb1: {  	_ =	swait.ge [sflag:s25], $0x4000  }
0xb2: {  	[sflag:s25] =	ssyncset.done $0x0  }
0xb3: {  	[sflag:s25] =	ssyncadd.s32 $0xFFFFC000  }
0xb4: {  	_ =	swait.ge [sflag:s26], $0x4000  }
0xb5: {  	[sflag:s26] =	ssyncset.done $0x0  }
0xb6: {  	[sflag:s26] =	ssyncadd.s32 $0xFFFFC000  }
0xb7: {  	[tilespmem:s20], [sflag:$0x1] =	stream.indirect.gather [hbm4b:s4+s19], $0x80, s30, s19, $0xb8;
	[tilespmem:$0x1E000] =	vst v63  }
0xb8: {  	s16 =	simm.s32 $0x1080  }
0xb9: {  	[tilespmem:s21], [sflag:$0x2] =	stream.indirect.gather [hbm4b:s4+s19], $0x80, s16, s19, $0xb8;
	[tilespmem:$0x1E000] =	vst v63  }
0xba: {  	_ =	swait.ge [sflag:s22], $0x4000  }
0xbb: {  	[sflag:s22] =	ssyncset.done $0x0  }
0xbc: {  	[sflag:s22] =	ssyncadd.s32 $0xFFFFC000  }
0xbd: {  	[spmem:s2] =	stream.indirect.scatter.add.f32 [tilespmem:s20], [sflag:$0x3], $0x80, s31, s19, $0xb8;
	[tilespmem:$0x1E000] =	vst v63  }
0xbe: {  	_ =	swait.ge [sflag:s23], $0x4000  }
0xbf: {  	[sflag:s23] =	ssyncset.done $0x0  }
0xc0: {  	s1 =	simm.s32 $0x1880;
	[sflag:s23] =	ssyncadd.s32 $0xFFFFC000  }
0xc1: {  	[spmem:s2] =	stream.indirect.scatter.add.f32 [tilespmem:s21], [sflag:$0x4], $0x80, s1, s19, $0xb8;
	[tilespmem:$0x1E000] =	vst v63  }
0xc2: {  	_ =	swait.ge [sflag:s25], $0x4000  }
0xc3: {  	[sflag:s25] =	ssyncset.done $0x0  }
0xc4: {  	[sflag:s25] =	ssyncadd.s32 $0xFFFFC000  }
0xc5: {  	_ =	swait.ge [sflag:s26], $0x4000  }
0xc6: {  	[sflag:s26] =	ssyncset.done $0x0  }
0xc7: {  	p1 =	seq.s32 s8, $0x800;
	s6 =	simm.s32 $0x1100;
	[sflag:s26] =	ssyncadd.s32 $0xFFFFC000  }
0xc8: {  	[tilespmem:s20], [sflag:$0x1] =	stream.indirect.gather [hbm4b:s4+s19], $0x80, s6, s19, $0xb8;
	[tilespmem:$0x1E000] =	vst v63  }
0xc9: {  	s9 =	simm.s32 $0x1180;
	s6 =	sadd.s32 @!p1 s8, s11  }
0xca: {  	[tilespmem:s21], [sflag:$0x2] =	stream.indirect.gather [hbm4b:s4+s19], $0x80, s9, s19, $0xb8;
	[tilespmem:$0x1E000] =	vst v63  }
0xcb: {  	s8 =	sadd.s32 @!p1 s8, s12;
	s6 =	sadd.s32 @!p1 $0x200, s6;
	s9 =	simm.s32 @!p1 $0x0  }
0xcc: {  	[tilespmem:s9], [sflag:$0x5] =	stream.linear.gather @!p1 [hbm4b:s6+s9], $0x800, $0x38;
	[tilespmem:$0x1E000] =	vst v63  }
0xcd: {  	s6 =	sadd.s32 @!p1 $0x200, s8;
	s8 =	simm.s32 @!p1 $0x800  }
0xce: {  	[tilespmem:s8], [sflag:$0x5] =	stream.linear.gather @!p1 [hbm4b:s6+s9], $0x800, $0x38;
	[tilespmem:$0x1E000] =	vst v63  }
0xcf: {  	_ =	swait.ge [sflag:s22], $0x4000  }
0xd0: {  	[sflag:s22] =	ssyncset.done $0x0  }
0xd1: {  	[sflag:s22] =	ssyncadd.s32 $0xFFFFC000  }
0xd2: {  	[spmem:s2] =	stream.indirect.scatter.add.f32 [tilespmem:s20], [sflag:$0x3], $0x80, s10, s19, $0xb8;
	[tilespmem:$0x1E000] =	vst v63  }
0xd3: {  	_ =	swait.ge [sflag:s23], $0x4000  }
0xd4: {  	[sflag:s23] =	ssyncset.done $0x0  }
0xd5: {  	[sflag:s23] =	ssyncadd.s32 $0xFFFFC000  }
0xd6: {  	[spmem:s2] =	stream.indirect.scatter.add.f32 [tilespmem:s21], [sflag:$0x4], $0x80, s14, s19, $0xb8;
	[tilespmem:$0x1E000] =	vst v63  }
0xd7: {  	_ =	swait.ge [sflag:s25], $0x4000  }
0xd8: {  	[sflag:s25] =	ssyncset.done $0x0  }
0xd9: {  	[sflag:s25] =	ssyncadd.s32 $0xFFFFC000  }
0xda: {  	_ =	swait.ge [sflag:s26], $0x4000  }
0xdb: {  	[sflag:s26] =	ssyncset.done $0x0  }
0xdc: {  	[sflag:s26] =	ssyncadd.s32 $0xFFFFC000  }
0xdd: {  	[tilespmem:s20], [sflag:$0x1] =	stream.indirect.gather [hbm4b:s4+s19], $0x80, s15, s19, $0xb8;
	[tilespmem:$0x1E000] =	vst v63  }
0xde: {  	s13 =	simm.s32 $0x1280  }
0xdf: {  	[tilespmem:s21], [sflag:$0x2] =	stream.indirect.gather [hbm4b:s4+s19], $0x80, s13, s19, $0xb8;
	[tilespmem:$0x1E000] =	vst v63  }
0xe0: {  	_ =	swait.ge [sflag:s22], $0x4000  }
0xe1: {  	[sflag:s22] =	ssyncset.done $0x0  }
0xe2: {  	s14 =	simm.s32 $0x1A00;
	[sflag:s22] =	ssyncadd.s32 $0xFFFFC000  }
0xe3: {  	[spmem:s2] =	stream.indirect.scatter.add.f32 [tilespmem:s20], [sflag:$0x3], $0x80, s14, s19, $0xb8;
	[tilespmem:$0x1E000] =	vst v63  }
0xe4: {  	_ =	swait.ge [sflag:s23], $0x4000  }
0xe5: {  	[sflag:s23] =	ssyncset.done $0x0  }
0xe6: {  	s15 =	simm.s32 $0x1A80;
	[sflag:s23] =	ssyncadd.s32 $0xFFFFC000  }
0xe7: {  	[spmem:s2] =	stream.indirect.scatter.add.f32 [tilespmem:s21], [sflag:$0x4], $0x80, s15, s19, $0xb8;
	[tilespmem:$0x1E000] =	vst v63  }
0xe8: {  	_ =	swait.ge [sflag:s25], $0x4000  }
0xe9: {  	[sflag:s25] =	ssyncset.done $0x0  }
0xea: {  	[sflag:s25] =	ssyncadd.s32 $0xFFFFC000  }
0xeb: {  	_ =	swait.ge [sflag:s26], $0x4000  }
0xec: {  	[sflag:s26] =	ssyncset.done $0x0  }
0xed: {  	s16 =	simm.s32 $0x1300;
	[sflag:s26] =	ssyncadd.s32 $0xFFFFC000  }
0xee: {  	[tilespmem:s20], [sflag:$0x1] =	stream.indirect.gather [hbm4b:s4+s19], $0x80, s16, s19, $0xb8;
	[tilespmem:$0x1E000] =	vst v63  }
0xef: {  	s1 =	simm.s32 $0x1380  }
0xf0: {  	[tilespmem:s21], [sflag:$0x2] =	stream.indirect.gather [hbm4b:s4+s19], $0x80, s1, s19, $0xb8;
	[tilespmem:$0x1E000] =	vst v63  }
0xf1: {  	_ =	swait.ge [sflag:s22], $0x4000  }
0xf2: {  	[sflag:s22] =	ssyncset.done $0x0  }
0xf3: {  	s6 =	simm.s32 $0x1B00;
	[sflag:s22] =	ssyncadd.s32 $0xFFFFC000  }
0xf4: {  	[spmem:s2] =	stream.indirect.scatter.add.f32 [tilespmem:s20], [sflag:$0x3], $0x80, s6, s19, $0xb8;
	[tilespmem:$0x1E000] =	vst v63  }
0xf5: {  	_ =	swait.ge [sflag:s23], $0x4000  }
0xf6: {  	[sflag:s23] =	ssyncset.done $0x0  }
0xf7: {  	s8 =	simm.s32 $0x1B80;
	[sflag:s23] =	ssyncadd.s32 $0xFFFFC000  }
0xf8: {  	[spmem:s2] =	stream.indirect.scatter.add.f32 [tilespmem:s21], [sflag:$0x4], $0x80, s8, s19, $0xb8;
	[tilespmem:$0x1E000] =	vst v63  }
0xf9: {  	_ =	swait.ge [sflag:s25], $0x4000  }
0xfa: {  	[sflag:s25] =	ssyncset.done $0x0  }
0xfb: {  	[sflag:s25] =	ssyncadd.s32 $0xFFFFC000  }
0xfc: {  	_ =	swait.ge [sflag:s26], $0x4000  }
0xfd: {  	[sflag:s26] =	ssyncset.done $0x0  }
0xfe: {  	s9 =	simm.s32 $0x1400;
	[sflag:s26] =	ssyncadd.s32 $0xFFFFC000  }
0xff: {  	[tilespmem:s20], [sflag:$0x1] =	stream.indirect.gather [hbm4b:s4+s19], $0x80, s9, s19, $0xb8;
	[tilespmem:$0x1E000] =	vst v63  }
0x100: {  	s10 =	simm.s32 $0x1480  }
0x101: {  	[tilespmem:s21], [sflag:$0x2] =	stream.indirect.gather [hbm4b:s4+s19], $0x80, s10, s19, $0xb8;
	[tilespmem:$0x1E000] =	vst v63  }
0x102: {  	_ =	swait.ge [sflag:s22], $0x4000  }
0x103: {  	[sflag:s22] =	ssyncset.done $0x0  }
0x104: {  	s13 =	simm.s32 $0x1C00;
	[sflag:s22] =	ssyncadd.s32 $0xFFFFC000  }
0x105: {  	[spmem:s2] =	stream.indirect.scatter.add.f32 [tilespmem:s20], [sflag:$0x3], $0x80, s13, s19, $0xb8;
	[tilespmem:$0x1E000] =	vst v63  }
0x106: {  	_ =	swait.ge [sflag:s23], $0x4000  }
0x107: {  	[sflag:s23] =	ssyncset.done $0x0  }
0x108: {  	s14 =	simm.s32 $0x1C80;
	[sflag:s23] =	ssyncadd.s32 $0xFFFFC000  }
0x109: {  	[spmem:s2] =	stream.indirect.scatter.add.f32 [tilespmem:s21], [sflag:$0x4], $0x80, s14, s19, $0xb8;
	[tilespmem:$0x1E000] =	vst v63  }
0x10a: {  	_ =	swait.ge [sflag:s25], $0x4000  }
0x10b: {  	[sflag:s25] =	ssyncset.done $0x0  }
0x10c: {  	[sflag:s25] =	ssyncadd.s32 $0xFFFFC000  }
0x10d: {  	_ =	swait.ge [sflag:s26], $0x4000  }
0x10e: {  	[sflag:s26] =	ssyncset.done $0x0  }
0x10f: {  	s15 =	simm.s32 $0x1500;
	[sflag:s26] =	ssyncadd.s32 $0xFFFFC000  }
0x110: {  	[tilespmem:s20], [sflag:$0x1] =	stream.indirect.gather [hbm4b:s4+s19], $0x80, s15, s19, $0xb8;
	[tilespmem:$0x1E000] =	vst v63  }
0x111: {  	s16 =	simm.s32 $0x1580  }
0x112: {  	[tilespmem:s21], [sflag:$0x2] =	stream.indirect.gather [hbm4b:s4+s19], $0x80, s16, s19, $0xb8;
	[tilespmem:$0x1E000] =	vst v63  }
0x113: {  	_ =	swait.ge [sflag:s22], $0x4000  }
0x114: {  	[sflag:s22] =	ssyncset.done $0x0  }
0x115: {  	s1 =	simm.s32 $0x1D00;
	[sflag:s22] =	ssyncadd.s32 $0xFFFFC000  }
0x116: {  	[spmem:s2] =	stream.indirect.scatter.add.f32 [tilespmem:s20], [sflag:$0x3], $0x80, s1, s19, $0xb8;
	[tilespmem:$0x1E000] =	vst v63  }
0x117: {  	_ =	swait.ge [sflag:s23], $0x4000  }
0x118: {  	[sflag:s23] =	ssyncset.done $0x0  }
0x119: {  	s6 =	simm.s32 $0x1D80;
	[sflag:s23] =	ssyncadd.s32 $0xFFFFC000  }
0x11a: {  	[spmem:s2] =	stream.indirect.scatter.add.f32 [tilespmem:s21], [sflag:$0x4], $0x80, s6, s19, $0xb8;
	[tilespmem:$0x1E000] =	vst v63  }
0x11b: {  	_ =	swait.ge [sflag:s25], $0x4000  }
0x11c: {  	[sflag:s25] =	ssyncset.done $0x0  }
0x11d: {  	[sflag:s25] =	ssyncadd.s32 $0xFFFFC000  }
0x11e: {  	_ =	swait.ge [sflag:s26], $0x4000  }
0x11f: {  	[sflag:s26] =	ssyncset.done $0x0  }
0x120: {  	s8 =	simm.s32 $0x1600;
	[sflag:s26] =	ssyncadd.s32 $0xFFFFC000  }
0x121: {  	[tilespmem:s20], [sflag:$0x1] =	stream.indirect.gather [hbm4b:s4+s19], $0x80, s8, s19, $0xb8;
	[tilespmem:$0x1E000] =	vst v63  }
0x122: {  	s9 =	simm.s32 $0x1680  }
0x123: {  	[tilespmem:s21], [sflag:$0x2] =	stream.indirect.gather [hbm4b:s4+s19], $0x80, s9, s19, $0xb8;
	[tilespmem:$0x1E000] =	vst v63  }
0x124: {  	_ =	swait.ge [sflag:s22], $0x4000  }
0x125: {  	[sflag:s22] =	ssyncset.done $0x0  }
0x126: {  	s10 =	simm.s32 $0x1E00;
	[sflag:s22] =	ssyncadd.s32 $0xFFFFC000  }
0x127: {  	[spmem:s2] =	stream.indirect.scatter.add.f32 [tilespmem:s20], [sflag:$0x3], $0x80, s10, s19, $0xb8;
	[tilespmem:$0x1E000] =	vst v63  }
0x128: {  	_ =	swait.ge [sflag:s23], $0x4000  }
0x129: {  	[sflag:s23] =	ssyncset.done $0x0  }
0x12a: {  	s13 =	simm.s32 $0x1E80;
	[sflag:s23] =	ssyncadd.s32 $0xFFFFC000  }
0x12b: {  	[spmem:s2] =	stream.indirect.scatter.add.f32 [tilespmem:s21], [sflag:$0x4], $0x80, s13, s19, $0xb8;
	[tilespmem:$0x1E000] =	vst v63  }
0x12c: {  	_ =	swait.ge [sflag:s25], $0x4000  }
0x12d: {  	[sflag:s25] =	ssyncset.done $0x0  }
0x12e: {  	[sflag:s25] =	ssyncadd.s32 $0xFFFFC000  }
0x12f: {  	_ =	swait.ge [sflag:s26], $0x4000  }
0x130: {  	[sflag:s26] =	ssyncset.done $0x0  }
0x131: {  	s14 =	simm.s32 $0x1700;
	[sflag:s26] =	ssyncadd.s32 $0xFFFFC000  }
0x132: {  	[tilespmem:s20], [sflag:$0x1] =	stream.indirect.gather [hbm4b:s4+s19], $0x80, s14, s19, $0xb8;
	[tilespmem:$0x1E000] =	vst v63  }
0x133: {  	s15 =	simm.s32 $0x1780  }
0x134: {  	[tilespmem:s21], [sflag:$0x2] =	stream.indirect.gather [hbm4b:s4+s19], $0x80, s15, s19, $0xb8;
	[tilespmem:$0x1E000] =	vst v63  }
0x135: {  	_ =	swait.ge [sflag:s22], $0x4000  }
0x136: {  	[sflag:s22] =	ssyncset.done $0x0  }
0x137: {  	s0 =	simm.s32 $0x100;
	s16 =	simm.s32 $0x1F00;
	[sflag:s22] =	ssyncadd.s32 $0xFFFFC000  }
0x138: {  	[spmem:s2] =	stream.indirect.scatter.add.f32 [tilespmem:s20], [sflag:$0x3], $0x80, s16, s19, $0xb8;
	[tilespmem:$0x1E000] =	vst v63  }
0x139: {  	s1 =	simm.s32 $0x180;
	s13 =	simm.s32 $0x880;
	_ =	swait.ge [sflag:s23], $0x4000  }
0x13a: {  	s14 =	simm.s32 $0x980;
	[sflag:s23] =	ssyncset.done $0x0;
	s6 =	rddreg [dreg:$0x5]  }
0x13b: {  	s15 =	simm.s32 $0x200;
	s10 =	rddreg [dreg:$0x8];
	[sflag:s23] =	ssyncadd.s32 $0xFFFFC000  }
0x13c: {  	[spmem:s2] =	stream.indirect.scatter.add.f32 [tilespmem:s21], [sflag:$0x4], $0x80, s7, s19, $0xb8;
	[tilespmem:$0x1E000] =	vst v63  }
0x13d: {  	s16 =	simm.s32 $0x280;
	s29 =	rddreg [dreg:$0xb];
	s7 =	simm.s32 $0x900  }
.LBB2_8:
0x13e: {  	_ =	swait.ge [sflag:s25], $0x4000  }
0x13f: {  	[sflag:s25] =	ssyncset.done $0x0  }
0x140: {  	[sflag:s25] =	ssyncadd.s32 $0xFFFFC000  }
0x141: {  	_ =	swait.ge [sflag:s26], $0x4000  }
0x142: {  	[sflag:s26] =	ssyncset.done $0x0  }
0x143: {  	[sflag:s26] =	ssyncadd.s32 $0xFFFFC000  }
0x144: {  	s8 =	rddreg [dreg:$0x4];
	[bflag:$0x0] =	sbarrier.arrive $0xFFFF  }
0x145: {  	s9 =	simm.s32 $0x7;
	s6 =	sadd.s32 s6, s8;
	s8 =	rddreg [dreg:$0xa]  }
0x146: {  	[hbm:s6], [sflag:s10] =	dma.local [spmem:s8], $0x2800  }
0x147: {  	_ =	swait.ge [sflag:s9], $0x2800  }
0x148: {  	s29 =	sadd.s32 $0x1, s29;
	s6 =	rddreg [dreg:$0x9]  }
0x149: {  	p1 =	sne.s32 s29, s6  }
.Ltmp1:
0x14a: {  	_ = 	snop;
	(pc) =	sbr.rel @!p1 .LBB2_9-.Ltmp1, $3  }
0x14b: {  	_ =	sdelay $0x1  }
0x14c: {  	[sflag:s9] =	ssyncset.done $0x0  }
0x14d: {  	[sflag:s9] =	ssyncadd.s32 $0xFFFFD800  }
.LBB2_1:
0x14e: {  	[dreg:$0xb] =	wrdreg s29  }
0x14f: {  	s6 =	rddreg [dreg:$0x7]  }
0x150: {  	[spmem:s8], [sflag:s10] =	dma.local [hbm:s6], $0x2800  }
0x151: {  	_ =	swait.ge [sflag:s9], $0x2800  }
0x152: {  	[sflag:s9] =	ssyncset.done $0x0  }
0x153: {  	[sflag:s9] =	ssyncadd.s32 $0xFFFFD800  }
0x154: {  	[bflag:$0x0] =	sbarrier.arrive $0xFFFF  }
0x155: {  	[tilespmem:s3], [sflag:$0x7] =	stream.linear.gather [hbm4b:s11+s3], $0x800, $0x38;
	[tilespmem:$0x1E000] =	vst v63  }
0x156: {  	_ =	swait.ge [sflag:s9], $0x800  }
0x157: {  	[sflag:s9] =	ssyncset.done $0x0  }
.Ltmp2:
0x158: {  	[sflag:s9] =	ssyncadd.s32 $0xFFFFF800;
	(pc) =	sbr.rel @!p0 .LBB2_2-.Ltmp2, $4  }
0x159: {  	[tilespmem:s24], [sflag:$0x7] =	stream.linear.gather [hbm4b:s12+s3], $0x800, $0x38;
	[tilespmem:$0x1E000] =	vst v63  }
0x15a: {  	_ =	swait.ge [sflag:s9], $0x800  }
0x15b: {  	[sflag:s9] =	ssyncset.done $0x0  }
0x15c: {  	[sflag:s9] =	ssyncadd.s32 $0xFFFFF800  }
0x15d: {  	p1 =	por $0x1, $0x1  }
0x15e: {  	p2 =	por p1, p1  }
0x15f: {  	s6 =	simm.s32 @!p2 $0x5  }
0x160: {  	_ =	swait.ge @!p2 [sflag:s6], $0x800  }
0x161: {  	[sflag:s6] =	ssyncset.done @!p2 $0x0  }
0x162: {  	[sflag:s6] =	ssyncadd.s32 @!p2 $0xFFFFF800  }
0x163: {  	_ =	swait.ge @!p2 [sflag:s6], $0x800  }
0x164: {  	[sflag:s6] =	ssyncset.done @!p2 $0x0  }
0x165: {  	[sflag:s6] =	ssyncadd.s32 @!p2 $0xFFFFF800;
	s6 =	simm.s32 @!p2 $0x3  }
0x166: {  	_ =	swait.ge @!p2 [sflag:s6], $0x4000  }
0x167: {  	[sflag:s6] =	ssyncset.done @!p2 $0x0  }
0x168: {  	[sflag:s6] =	ssyncadd.s32 @!p2 $0xFFFFC000;
	s6 =	simm.s32 @!p2 $0x4  }
0x169: {  	_ =	swait.ge @!p2 [sflag:s6], $0x4000  }
0x16a: {  	[sflag:s6] =	ssyncset.done @!p2 $0x0  }
0x16b: {  	[sflag:s6] =	ssyncadd.s32 @!p2 $0xFFFFC000  }
0x16c: {  	[tilespmem:s20], [sflag:$0x1] =	stream.indirect.gather [hbm4b:s4+s19], $0x80, s3, s19, $0xb8;
	[tilespmem:$0x1E000] =	vst v63  }
0x16d: {  	_ = 	snop  }
0x16e: {  	[tilespmem:s21], [sflag:$0x2] =	stream.indirect.gather [hbm4b:s4+s19], $0x80, s19, s19, $0xb8;
	[tilespmem:$0x1E000] =	vst v63  }
0x16f: {  	_ =	swait.ge [sflag:s22], $0x4000  }
0x170: {  	[sflag:s22] =	ssyncset.done $0x0  }
0x171: {  	[sflag:s22] =	ssyncadd.s32 $0xFFFFC000  }
0x172: {  	[spmem:s2] =	stream.indirect.scatter.add.f32 [tilespmem:s20], [sflag:$0x3], $0x80, s24, s19, $0xb8;
	[tilespmem:$0x1E000] =	vst v63  }
0x173: {  	_ =	swait.ge [sflag:s23], $0x4000  }
0x174: {  	[sflag:s23] =	ssyncset.done $0x0  }
0x175: {  	[sflag:s23] =	ssyncadd.s32 $0xFFFFC000  }
0x176: {  	[spmem:s2] =	stream.indirect.scatter.add.f32 [tilespmem:s21], [sflag:$0x4], $0x80, s13, s19, $0xb8;
	[tilespmem:$0x1E000] =	vst v63  }
0x177: {  	_ =	swait.ge [sflag:s25], $0x4000  }
0x178: {  	[sflag:s25] =	ssyncset.done $0x0  }
0x179: {  	[sflag:s25] =	ssyncadd.s32 $0xFFFFC000  }
0x17a: {  	_ =	swait.ge [sflag:s26], $0x4000  }
0x17b: {  	[sflag:s26] =	ssyncset.done $0x0  }
0x17c: {  	s6 =	sadd.s32 @!p1 $0x0, s11;
	[sflag:s26] =	ssyncadd.s32 $0xFFFFC000  }
0x17d: {  	[tilespmem:s20], [sflag:$0x1] =	stream.indirect.gather [hbm4b:s4+s19], $0x80, s0, s19, $0xb8;
	[tilespmem:$0x1E000] =	vst v63  }
0x17e: {  	s8 =	sadd.s32 @!p1 $0x0, s12;
	s6 =	sadd.s32 @!p1 $0x100, s6  }
0x17f: {  	[tilespmem:s21], [sflag:$0x2] =	stream.indirect.gather [hbm4b:s4+s19], $0x80, s1, s19, $0xb8;
	[tilespmem:$0x1E000] =	vst v63  }
0x180: {  	s8 =	sadd.s32 @!p1 $0x100, s8;
	s6 =	smov.u32 @p1 s17  }
0x181: {  	[tilespmem:s30], [sflag:$0x6] =	stream.linear.gather [hbm4b:s6+s3], $0x800, $0x38;
	[tilespmem:$0x1E000] =	vst v63  }
0x182: {  	s8 =	smov.u32 @p1 s18  }
0x183: {  	[tilespmem:s31], [sflag:$0x6] =	stream.linear.gather [hbm4b:s8+s3], $0x800, $0x38;
	[tilespmem:$0x1E000] =	vst v63  }
0x184: {  	_ =	swait.ge [sflag:s22], $0x4000  }
0x185: {  	[sflag:s22] =	ssyncset.done $0x0  }
0x186: {  	[sflag:s22] =	ssyncadd.s32 $0xFFFFC000  }
0x187: {  	[spmem:s2] =	stream.indirect.scatter.add.f32 [tilespmem:s20], [sflag:$0x3], $0x80, s7, s19, $0xb8;
	[tilespmem:$0x1E000] =	vst v63  }
0x188: {  	_ =	swait.ge [sflag:s23], $0x4000  }
0x189: {  	[sflag:s23] =	ssyncset.done $0x0  }
0x18a: {  	[sflag:s23] =	ssyncadd.s32 $0xFFFFC000  }
0x18b: {  	[spmem:s2] =	stream.indirect.scatter.add.f32 [tilespmem:s21], [sflag:$0x4], $0x80, s14, s19, $0xb8;
	[tilespmem:$0x1E000] =	vst v63  }
0x18c: {  	_ =	swait.ge [sflag:s25], $0x4000  }
0x18d: {  	[sflag:s25] =	ssyncset.done $0x0  }
0x18e: {  	[sflag:s25] =	ssyncadd.s32 $0xFFFFC000  }
0x18f: {  	_ =	swait.ge [sflag:s26], $0x4000  }
0x190: {  	[sflag:s26] =	ssyncset.done $0x0  }
0x191: {  	[sflag:s26] =	ssyncadd.s32 $0xFFFFC000  }
0x192: {  	[tilespmem:s20], [sflag:$0x1] =	stream.indirect.gather [hbm4b:s4+s19], $0x80, s15, s19, $0xb8;
	[tilespmem:$0x1E000] =	vst v63  }
0x193: {  	_ = 	snop  }
0x194: {  	[tilespmem:s21], [sflag:$0x2] =	stream.indirect.gather [hbm4b:s4+s19], $0x80, s16, s19, $0xb8;
	[tilespmem:$0x1E000] =	vst v63  }
0x195: {  	_ =	swait.ge [sflag:s22], $0x4000  }
0x196: {  	[sflag:s22] =	ssyncset.done $0x0  }
0x197: {  	s9 =	simm.s32 $0xA00;
	[sflag:s22] =	ssyncadd.s32 $0xFFFFC000  }
0x198: {  	[spmem:s2] =	stream.indirect.scatter.add.f32 [tilespmem:s20], [sflag:$0x3], $0x80, s9, s19, $0xb8;
	[tilespmem:$0x1E000] =	vst v63  }
0x199: {  	_ =	swait.ge [sflag:s23], $0x4000  }
0x19a: {  	[sflag:s23] =	ssyncset.done $0x0  }
0x19b: {  	s10 =	simm.s32 $0xA80;
	[sflag:s23] =	ssyncadd.s32 $0xFFFFC000  }
0x19c: {  	[spmem:s2] =	stream.indirect.scatter.add.f32 [tilespmem:s21], [sflag:$0x4], $0x80, s10, s19, $0xb8;
	[tilespmem:$0x1E000] =	vst v63  }
0x19d: {  	_ =	swait.ge [sflag:s25], $0x4000  }
0x19e: {  	[sflag:s25] =	ssyncset.done $0x0  }
0x19f: {  	[sflag:s25] =	ssyncadd.s32 $0xFFFFC000  }
0x1a0: {  	_ =	swait.ge [sflag:s26], $0x4000  }
0x1a1: {  	[sflag:s26] =	ssyncset.done $0x0  }
0x1a2: {  	s13 =	simm.s32 $0x300;
	[sflag:s26] =	ssyncadd.s32 $0xFFFFC000  }
0x1a3: {  	[tilespmem:s20], [sflag:$0x1] =	stream.indirect.gather [hbm4b:s4+s19], $0x80, s13, s19, $0xb8;
	[tilespmem:$0x1E000] =	vst v63  }
0x1a4: {  	s14 =	simm.s32 $0x380  }
0x1a5: {  	[tilespmem:s21], [sflag:$0x2] =	stream.indirect.gather [hbm4b:s4+s19], $0x80, s14, s19, $0xb8;
	[tilespmem:$0x1E000] =	vst v63  }
0x1a6: {  	_ =	swait.ge [sflag:s22], $0x4000  }
0x1a7: {  	[sflag:s22] =	ssyncset.done $0x0  }
0x1a8: {  	s15 =	simm.s32 $0xB00;
	[sflag:s22] =	ssyncadd.s32 $0xFFFFC000  }
0x1a9: {  	[spmem:s2] =	stream.indirect.scatter.add.f32 [tilespmem:s20], [sflag:$0x3], $0x80, s15, s19, $0xb8;
	[tilespmem:$0x1E000] =	vst v63  }
0x1aa: {  	_ =	swait.ge [sflag:s23], $0x4000  }
0x1ab: {  	[sflag:s23] =	ssyncset.done $0x0  }
0x1ac: {  	s16 =	simm.s32 $0xB80;
	[sflag:s23] =	ssyncadd.s32 $0xFFFFC000  }
0x1ad: {  	[spmem:s2] =	stream.indirect.scatter.add.f32 [tilespmem:s21], [sflag:$0x4], $0x80, s16, s19, $0xb8;
	[tilespmem:$0x1E000] =	vst v63  }
0x1ae: {  	_ =	swait.ge [sflag:s25], $0x4000  }
0x1af: {  	[sflag:s25] =	ssyncset.done $0x0  }
0x1b0: {  	[sflag:s25] =	ssyncadd.s32 $0xFFFFC000  }
0x1b1: {  	_ =	swait.ge [sflag:s26], $0x4000  }
0x1b2: {  	[sflag:s26] =	ssyncset.done $0x0  }
0x1b3: {  	s24 =	simm.s32 $0x400;
	[sflag:s26] =	ssyncadd.s32 $0xFFFFC000  }
0x1b4: {  	[tilespmem:s20], [sflag:$0x1] =	stream.indirect.gather [hbm4b:s4+s19], $0x80, s24, s19, $0xb8;
	[tilespmem:$0x1E000] =	vst v63  }
0x1b5: {  	s1 =	simm.s32 $0x480  }
0x1b6: {  	[tilespmem:s21], [sflag:$0x2] =	stream.indirect.gather [hbm4b:s4+s19], $0x80, s1, s19, $0xb8;
	[tilespmem:$0x1E000] =	vst v63  }
0x1b7: {  	_ =	swait.ge [sflag:s22], $0x4000  }
0x1b8: {  	[sflag:s22] =	ssyncset.done $0x0  }
0x1b9: {  	s6 =	simm.s32 $0xC00;
	[sflag:s22] =	ssyncadd.s32 $0xFFFFC000  }
0x1ba: {  	[spmem:s2] =	stream.indirect.scatter.add.f32 [tilespmem:s20], [sflag:$0x3], $0x80, s6, s19, $0xb8;
	[tilespmem:$0x1E000] =	vst v63  }
0x1bb: {  	_ =	swait.ge [sflag:s23], $0x4000  }
0x1bc: {  	[sflag:s23] =	ssyncset.done $0x0  }
0x1bd: {  	s7 =	simm.s32 $0xC80;
	[sflag:s23] =	ssyncadd.s32 $0xFFFFC000  }
0x1be: {  	[spmem:s2] =	stream.indirect.scatter.add.f32 [tilespmem:s21], [sflag:$0x4], $0x80, s7, s19, $0xb8;
	[tilespmem:$0x1E000] =	vst v63  }
0x1bf: {  	_ =	swait.ge [sflag:s25], $0x4000  }
0x1c0: {  	[sflag:s25] =	ssyncset.done $0x0  }
0x1c1: {  	[sflag:s25] =	ssyncadd.s32 $0xFFFFC000  }
0x1c2: {  	_ =	swait.ge [sflag:s26], $0x4000  }
0x1c3: {  	[sflag:s26] =	ssyncset.done $0x0  }
0x1c4: {  	s8 =	simm.s32 $0x500;
	[sflag:s26] =	ssyncadd.s32 $0xFFFFC000  }
0x1c5: {  	[tilespmem:s20], [sflag:$0x1] =	stream.indirect.gather [hbm4b:s4+s19], $0x80, s8, s19, $0xb8;
	[tilespmem:$0x1E000] =	vst v63  }
0x1c6: {  	s9 =	simm.s32 $0x580  }
0x1c7: {  	[tilespmem:s21], [sflag:$0x2] =	stream.indirect.gather [hbm4b:s4+s19], $0x80, s9, s19, $0xb8;
	[tilespmem:$0x1E000] =	vst v63  }
0x1c8: {  	_ =	swait.ge [sflag:s22], $0x4000  }
0x1c9: {  	[sflag:s22] =	ssyncset.done $0x0  }
0x1ca: {  	s10 =	simm.s32 $0xD00;
	[sflag:s22] =	ssyncadd.s32 $0xFFFFC000  }
0x1cb: {  	[spmem:s2] =	stream.indirect.scatter.add.f32 [tilespmem:s20], [sflag:$0x3], $0x80, s10, s19, $0xb8;
	[tilespmem:$0x1E000] =	vst v63  }
0x1cc: {  	_ =	swait.ge [sflag:s23], $0x4000  }
0x1cd: {  	[sflag:s23] =	ssyncset.done $0x0  }
0x1ce: {  	s13 =	simm.s32 $0xD80;
	[sflag:s23] =	ssyncadd.s32 $0xFFFFC000  }
0x1cf: {  	[spmem:s2] =	stream.indirect.scatter.add.f32 [tilespmem:s21], [sflag:$0x4], $0x80, s13, s19, $0xb8;
	[tilespmem:$0x1E000] =	vst v63  }
0x1d0: {  	_ =	swait.ge [sflag:s25], $0x4000  }
0x1d1: {  	[sflag:s25] =	ssyncset.done $0x0  }
0x1d2: {  	[sflag:s25] =	ssyncadd.s32 $0xFFFFC000  }
0x1d3: {  	_ =	swait.ge [sflag:s26], $0x4000  }
0x1d4: {  	[sflag:s26] =	ssyncset.done $0x0  }
0x1d5: {  	s14 =	simm.s32 $0x600;
	[sflag:s26] =	ssyncadd.s32 $0xFFFFC000  }
0x1d6: {  	[tilespmem:s20], [sflag:$0x1] =	stream.indirect.gather [hbm4b:s4+s19], $0x80, s14, s19, $0xb8;
	[tilespmem:$0x1E000] =	vst v63  }
0x1d7: {  	s15 =	simm.s32 $0x680  }
0x1d8: {  	[tilespmem:s21], [sflag:$0x2] =	stream.indirect.gather [hbm4b:s4+s19], $0x80, s15, s19, $0xb8;
	[tilespmem:$0x1E000] =	vst v63  }
0x1d9: {  	_ =	swait.ge [sflag:s22], $0x4000  }
0x1da: {  	[sflag:s22] =	ssyncset.done $0x0  }
0x1db: {  	s16 =	simm.s32 $0xE00;
	[sflag:s22] =	ssyncadd.s32 $0xFFFFC000  }
0x1dc: {  	[spmem:s2] =	stream.indirect.scatter.add.f32 [tilespmem:s20], [sflag:$0x3], $0x80, s16, s19, $0xb8;
	[tilespmem:$0x1E000] =	vst v63  }
0x1dd: {  	_ =	swait.ge [sflag:s23], $0x4000  }
0x1de: {  	[sflag:s23] =	ssyncset.done $0x0  }
0x1df: {  	s24 =	simm.s32 $0xE80;
	[sflag:s23] =	ssyncadd.s32 $0xFFFFC000  }
0x1e0: {  	[spmem:s2] =	stream.indirect.scatter.add.f32 [tilespmem:s21], [sflag:$0x4], $0x80, s24, s19, $0xb8;
	[tilespmem:$0x1E000] =	vst v63  }
0x1e1: {  	_ =	swait.ge [sflag:s25], $0x4000  }
0x1e2: {  	[sflag:s25] =	ssyncset.done $0x0  }
0x1e3: {  	[sflag:s25] =	ssyncadd.s32 $0xFFFFC000  }
0x1e4: {  	_ =	swait.ge [sflag:s26], $0x4000  }
0x1e5: {  	[sflag:s26] =	ssyncset.done $0x0  }
0x1e6: {  	s1 =	simm.s32 $0x700;
	[sflag:s26] =	ssyncadd.s32 $0xFFFFC000  }
0x1e7: {  	[tilespmem:s20], [sflag:$0x1] =	stream.indirect.gather [hbm4b:s4+s19], $0x80, s1, s19, $0xb8;
	[tilespmem:$0x1E000] =	vst v63  }
0x1e8: {  	s6 =	simm.s32 $0x780  }
0x1e9: {  	[tilespmem:s21], [sflag:$0x2] =	stream.indirect.gather [hbm4b:s4+s19], $0x80, s6, s19, $0xb8;
	[tilespmem:$0x1E000] =	vst v63  }
0x1ea: {  	_ =	swait.ge [sflag:s22], $0x4000  }
0x1eb: {  	[sflag:s22] =	ssyncset.done $0x0  }
0x1ec: {  	s7 =	simm.s32 $0xF00;
	[sflag:s22] =	ssyncadd.s32 $0xFFFFC000  }
0x1ed: {  	[spmem:s2] =	stream.indirect.scatter.add.f32 [tilespmem:s20], [sflag:$0x3], $0x80, s7, s19, $0xb8;
	[tilespmem:$0x1E000] =	vst v63  }
0x1ee: {  	_ =	swait.ge [sflag:s23], $0x4000  }
0x1ef: {  	[sflag:s23] =	ssyncset.done $0x0  }
0x1f0: {  	s8 =	simm.s32 $0xF80;
	[sflag:s23] =	ssyncadd.s32 $0xFFFFC000  }
0x1f1: {  	[spmem:s2] =	stream.indirect.scatter.add.f32 [tilespmem:s21], [sflag:$0x4], $0x80, s8, s19, $0xb8;
	[tilespmem:$0x1E000] =	vst v63  }
0x1f2: {  	_ =	swait.ge [sflag:s28], $0x800  }
0x1f3: {  	[sflag:s28] =	ssyncset.done $0x0  }
0x1f4: {  	[sflag:s28] =	ssyncadd.s32 $0xFFFFF800  }
0x1f5: {  	_ =	swait.ge [sflag:s28], $0x800  }
0x1f6: {  	[sflag:s28] =	ssyncset.done $0x0  }
0x1f7: {  	[sflag:s28] =	ssyncadd.s32 $0xFFFFF800  }
0x1f8: {  	_ =	swait.ge [sflag:s25], $0x4000  }
0x1f9: {  	[sflag:s25] =	ssyncset.done $0x0  }
0x1fa: {  	[sflag:s25] =	ssyncadd.s32 $0xFFFFC000  }
0x1fb: {  	_ =	swait.ge [sflag:s26], $0x4000  }
0x1fc: {  	[sflag:s26] =	ssyncset.done $0x0  }
0x1fd: {  	[sflag:s26] =	ssyncadd.s32 $0xFFFFC000  }
0x1fe: {  	[tilespmem:s20], [sflag:$0x1] =	stream.indirect.gather [hbm4b:s4+s19], $0x80, s30, s19, $0xb8;
	[tilespmem:$0x1E000] =	vst v63  }
0x1ff: {  	s9 =	simm.s32 $0x1080  }
0x200: {  	[tilespmem:s21], [sflag:$0x2] =	stream.indirect.gather [hbm4b:s4+s19], $0x80, s9, s19, $0xb8;
	[tilespmem:$0x1E000] =	vst v63  }
0x201: {  	_ =	swait.ge [sflag:s22], $0x4000  }
0x202: {  	[sflag:s22] =	ssyncset.done $0x0  }
0x203: {  	[sflag:s22] =	ssyncadd.s32 $0xFFFFC000  }
0x204: {  	[spmem:s2] =	stream.indirect.scatter.add.f32 [tilespmem:s20], [sflag:$0x3], $0x80, s31, s19, $0xb8;
	[tilespmem:$0x1E000] =	vst v63  }
0x205: {  	_ =	swait.ge [sflag:s23], $0x4000  }
0x206: {  	[sflag:s23] =	ssyncset.done $0x0  }
0x207: {  	s10 =	simm.s32 $0x1880;
	[sflag:s23] =	ssyncadd.s32 $0xFFFFC000  }
0x208: {  	[spmem:s2] =	stream.indirect.scatter.add.f32 [tilespmem:s21], [sflag:$0x4], $0x80, s10, s19, $0xb8;
	[tilespmem:$0x1E000] =	vst v63  }
0x209: {  	_ =	swait.ge [sflag:s25], $0x4000  }
0x20a: {  	[sflag:s25] =	ssyncset.done $0x0  }
0x20b: {  	[sflag:s25] =	ssyncadd.s32 $0xFFFFC000  }
0x20c: {  	_ =	swait.ge [sflag:s26], $0x4000  }
0x20d: {  	[sflag:s26] =	ssyncset.done $0x0  }
0x20e: {  	p1 =	por $0x0, $0x0;
	s13 =	simm.s32 $0x1100;
	[sflag:s26] =	ssyncadd.s32 $0xFFFFC000  }
0x20f: {  	[tilespmem:s20], [sflag:$0x1] =	stream.indirect.gather [hbm4b:s4+s19], $0x80, s13, s19, $0xb8;
	[tilespmem:$0x1E000] =	vst v63  }
0x210: {  	s14 =	simm.s32 $0x1180;
	s6 =	sadd.s32 @!p1 $0x0, s11  }
0x211: {  	[tilespmem:s21], [sflag:$0x2] =	stream.indirect.gather [hbm4b:s4+s19], $0x80, s14, s19, $0xb8;
	[tilespmem:$0x1E000] =	vst v63  }
0x212: {  	s6 =	sadd.s32 @!p1 $0x200, s6;
	s8 =	sadd.s32 @!p1 $0x0, s12;
	s9 =	simm.s32 @!p1 $0x0  }
0x213: {  	[tilespmem:s9], [sflag:$0x5] =	stream.linear.gather @!p1 [hbm4b:s6+s9], $0x800, $0x38;
	[tilespmem:$0x1E000] =	vst v63  }
0x214: {  	s6 =	sadd.s32 @!p1 $0x200, s8;
	s8 =	simm.s32 @!p1 $0x800  }
0x215: {  	[tilespmem:s8], [sflag:$0x5] =	stream.linear.gather @!p1 [hbm4b:s6+s9], $0x800, $0x38;
	[tilespmem:$0x1E000] =	vst v63  }
0x216: {  	_ =	swait.ge [sflag:s22], $0x4000  }
0x217: {  	[sflag:s22] =	ssyncset.done $0x0  }
0x218: {  	s15 =	simm.s32 $0x1900;
	[sflag:s22] =	ssyncadd.s32 $0xFFFFC000  }
0x219: {  	[spmem:s2] =	stream.indirect.scatter.add.f32 [tilespmem:s20], [sflag:$0x3], $0x80, s15, s19, $0xb8;
	[tilespmem:$0x1E000] =	vst v63  }
0x21a: {  	_ =	swait.ge [sflag:s23], $0x4000  }
0x21b: {  	[sflag:s23] =	ssyncset.done $0x0  }
0x21c: {  	s16 =	simm.s32 $0x1980;
	[sflag:s23] =	ssyncadd.s32 $0xFFFFC000  }
0x21d: {  	[spmem:s2] =	stream.indirect.scatter.add.f32 [tilespmem:s21], [sflag:$0x4], $0x80, s16, s19, $0xb8;
	[tilespmem:$0x1E000] =	vst v63  }
0x21e: {  	_ =	swait.ge [sflag:s25], $0x4000  }
0x21f: {  	[sflag:s25] =	ssyncset.done $0x0  }
0x220: {  	[sflag:s25] =	ssyncadd.s32 $0xFFFFC000  }
0x221: {  	_ =	swait.ge [sflag:s26], $0x4000  }
0x222: {  	[sflag:s26] =	ssyncset.done $0x0  }
0x223: {  	s24 =	simm.s32 $0x1200;
	[sflag:s26] =	ssyncadd.s32 $0xFFFFC000  }
0x224: {  	[tilespmem:s20], [sflag:$0x1] =	stream.indirect.gather [hbm4b:s4+s19], $0x80, s24, s19, $0xb8;
	[tilespmem:$0x1E000] =	vst v63  }
0x225: {  	s1 =	simm.s32 $0x1280  }
0x226: {  	[tilespmem:s21], [sflag:$0x2] =	stream.indirect.gather [hbm4b:s4+s19], $0x80, s1, s19, $0xb8;
	[tilespmem:$0x1E000] =	vst v63  }
0x227: {  	_ =	swait.ge [sflag:s22], $0x4000  }
0x228: {  	[sflag:s22] =	ssyncset.done $0x0  }
0x229: {  	s6 =	simm.s32 $0x1A00;
	[sflag:s22] =	ssyncadd.s32 $0xFFFFC000  }
0x22a: {  	[spmem:s2] =	stream.indirect.scatter.add.f32 [tilespmem:s20], [sflag:$0x3], $0x80, s6, s19, $0xb8;
	[tilespmem:$0x1E000] =	vst v63  }
0x22b: {  	_ =	swait.ge [sflag:s23], $0x4000  }
0x22c: {  	[sflag:s23] =	ssyncset.done $0x0  }
0x22d: {  	s7 =	simm.s32 $0x1A80;
	[sflag:s23] =	ssyncadd.s32 $0xFFFFC000  }
0x22e: {  	[spmem:s2] =	stream.indirect.scatter.add.f32 [tilespmem:s21], [sflag:$0x4], $0x80, s7, s19, $0xb8;
	[tilespmem:$0x1E000] =	vst v63  }
0x22f: {  	_ =	swait.ge [sflag:s25], $0x4000  }
0x230: {  	[sflag:s25] =	ssyncset.done $0x0  }
0x231: {  	[sflag:s25] =	ssyncadd.s32 $0xFFFFC000  }
0x232: {  	_ =	swait.ge [sflag:s26], $0x4000  }
0x233: {  	[sflag:s26] =	ssyncset.done $0x0  }
0x234: {  	s8 =	simm.s32 $0x1300;
	[sflag:s26] =	ssyncadd.s32 $0xFFFFC000  }
0x235: {  	[tilespmem:s20], [sflag:$0x1] =	stream.indirect.gather [hbm4b:s4+s19], $0x80, s8, s19, $0xb8;
	[tilespmem:$0x1E000] =	vst v63  }
0x236: {  	s9 =	simm.s32 $0x1380  }
0x237: {  	[tilespmem:s21], [sflag:$0x2] =	stream.indirect.gather [hbm4b:s4+s19], $0x80, s9, s19, $0xb8;
	[tilespmem:$0x1E000] =	vst v63  }
0x238: {  	_ =	swait.ge [sflag:s22], $0x4000  }
0x239: {  	[sflag:s22] =	ssyncset.done $0x0  }
0x23a: {  	s10 =	simm.s32 $0x1B00;
	[sflag:s22] =	ssyncadd.s32 $0xFFFFC000  }
0x23b: {  	[spmem:s2] =	stream.indirect.scatter.add.f32 [tilespmem:s20], [sflag:$0x3], $0x80, s10, s19, $0xb8;
	[tilespmem:$0x1E000] =	vst v63  }
0x23c: {  	_ =	swait.ge [sflag:s23], $0x4000  }
0x23d: {  	[sflag:s23] =	ssyncset.done $0x0  }
0x23e: {  	s13 =	simm.s32 $0x1B80;
	[sflag:s23] =	ssyncadd.s32 $0xFFFFC000  }
0x23f: {  	[spmem:s2] =	stream.indirect.scatter.add.f32 [tilespmem:s21], [sflag:$0x4], $0x80, s13, s19, $0xb8;
	[tilespmem:$0x1E000] =	vst v63  }
0x240: {  	_ =	swait.ge [sflag:s25], $0x4000  }
0x241: {  	[sflag:s25] =	ssyncset.done $0x0  }
0x242: {  	[sflag:s25] =	ssyncadd.s32 $0xFFFFC000  }
0x243: {  	_ =	swait.ge [sflag:s26], $0x4000  }
0x244: {  	[sflag:s26] =	ssyncset.done $0x0  }
0x245: {  	s14 =	simm.s32 $0x1400;
	[sflag:s26] =	ssyncadd.s32 $0xFFFFC000  }
0x246: {  	[tilespmem:s20], [sflag:$0x1] =	stream.indirect.gather [hbm4b:s4+s19], $0x80, s14, s19, $0xb8;
	[tilespmem:$0x1E000] =	vst v63  }
0x247: {  	s15 =	simm.s32 $0x1480  }
0x248: {  	[tilespmem:s21], [sflag:$0x2] =	stream.indirect.gather [hbm4b:s4+s19], $0x80, s15, s19, $0xb8;
	[tilespmem:$0x1E000] =	vst v63  }
0x249: {  	_ =	swait.ge [sflag:s22], $0x4000  }
0x24a: {  	[sflag:s22] =	ssyncset.done $0x0  }
0x24b: {  	s16 =	simm.s32 $0x1C00;
	[sflag:s22] =	ssyncadd.s32 $0xFFFFC000  }
0x24c: {  	[spmem:s2] =	stream.indirect.scatter.add.f32 [tilespmem:s20], [sflag:$0x3], $0x80, s16, s19, $0xb8;
	[tilespmem:$0x1E000] =	vst v63  }
0x24d: {  	_ =	swait.ge [sflag:s23], $0x4000  }
0x24e: {  	[sflag:s23] =	ssyncset.done $0x0  }
0x24f: {  	s24 =	simm.s32 $0x1C80;
	[sflag:s23] =	ssyncadd.s32 $0xFFFFC000  }
0x250: {  	[spmem:s2] =	stream.indirect.scatter.add.f32 [tilespmem:s21], [sflag:$0x4], $0x80, s24, s19, $0xb8;
	[tilespmem:$0x1E000] =	vst v63  }
0x251: {  	_ =	swait.ge [sflag:s25], $0x4000  }
0x252: {  	[sflag:s25] =	ssyncset.done $0x0  }
0x253: {  	[sflag:s25] =	ssyncadd.s32 $0xFFFFC000  }
0x254: {  	_ =	swait.ge [sflag:s26], $0x4000  }
0x255: {  	[sflag:s26] =	ssyncset.done $0x0  }
0x256: {  	s1 =	simm.s32 $0x1500;
	[sflag:s26] =	ssyncadd.s32 $0xFFFFC000  }
0x257: {  	[tilespmem:s20], [sflag:$0x1] =	stream.indirect.gather [hbm4b:s4+s19], $0x80, s1, s19, $0xb8;
	[tilespmem:$0x1E000] =	vst v63  }
0x258: {  	s6 =	simm.s32 $0x1580  }
0x259: {  	[tilespmem:s21], [sflag:$0x2] =	stream.indirect.gather [hbm4b:s4+s19], $0x80, s6, s19, $0xb8;
	[tilespmem:$0x1E000] =	vst v63  }
0x25a: {  	_ =	swait.ge [sflag:s22], $0x4000  }
0x25b: {  	[sflag:s22] =	ssyncset.done $0x0  }
0x25c: {  	s7 =	simm.s32 $0x1D00;
	[sflag:s22] =	ssyncadd.s32 $0xFFFFC000  }
0x25d: {  	[spmem:s2] =	stream.indirect.scatter.add.f32 [tilespmem:s20], [sflag:$0x3], $0x80, s7, s19, $0xb8;
	[tilespmem:$0x1E000] =	vst v63  }
0x25e: {  	_ =	swait.ge [sflag:s23], $0x4000  }
0x25f: {  	[sflag:s23] =	ssyncset.done $0x0  }
0x260: {  	s8 =	simm.s32 $0x1D80;
	[sflag:s23] =	ssyncadd.s32 $0xFFFFC000  }
0x261: {  	[spmem:s2] =	stream.indirect.scatter.add.f32 [tilespmem:s21], [sflag:$0x4], $0x80, s8, s19, $0xb8;
	[tilespmem:$0x1E000] =	vst v63  }
0x262: {  	_ =	swait.ge [sflag:s25], $0x4000  }
0x263: {  	[sflag:s25] =	ssyncset.done $0x0  }
0x264: {  	[sflag:s25] =	ssyncadd.s32 $0xFFFFC000  }
0x265: {  	_ =	swait.ge [sflag:s26], $0x4000  }
0x266: {  	[sflag:s26] =	ssyncset.done $0x0  }
0x267: {  	s9 =	simm.s32 $0x1600;
	[sflag:s26] =	ssyncadd.s32 $0xFFFFC000  }
0x268: {  	[tilespmem:s20], [sflag:$0x1] =	stream.indirect.gather [hbm4b:s4+s19], $0x80, s9, s19, $0xb8;
	[tilespmem:$0x1E000] =	vst v63  }
0x269: {  	s10 =	simm.s32 $0x1680  }
0x26a: {  	[tilespmem:s21], [sflag:$0x2] =	stream.indirect.gather [hbm4b:s4+s19], $0x80, s10, s19, $0xb8;
	[tilespmem:$0x1E000] =	vst v63  }
0x26b: {  	_ =	swait.ge [sflag:s22], $0x4000  }
0x26c: {  	[sflag:s22] =	ssyncset.done $0x0  }
0x26d: {  	s13 =	simm.s32 $0x1E00;
	[sflag:s22] =	ssyncadd.s32 $0xFFFFC000  }
0x26e: {  	[spmem:s2] =	stream.indirect.scatter.add.f32 [tilespmem:s20], [sflag:$0x3], $0x80, s13, s19, $0xb8;
	[tilespmem:$0x1E000] =	vst v63  }
0x26f: {  	_ =	swait.ge [sflag:s23], $0x4000  }
0x270: {  	[sflag:s23] =	ssyncset.done $0x0  }
0x271: {  	s14 =	simm.s32 $0x1E80;
	[sflag:s23] =	ssyncadd.s32 $0xFFFFC000  }
0x272: {  	[spmem:s2] =	stream.indirect.scatter.add.f32 [tilespmem:s21], [sflag:$0x4], $0x80, s14, s19, $0xb8;
	[tilespmem:$0x1E000] =	vst v63  }
0x273: {  	_ =	swait.ge [sflag:s25], $0x4000  }
0x274: {  	[sflag:s25] =	ssyncset.done $0x0  }
0x275: {  	[sflag:s25] =	ssyncadd.s32 $0xFFFFC000  }
0x276: {  	s29 =	simm.s32 $0x880;
	_ =	swait.ge [sflag:s26], $0x4000  }
0x277: {  	p2 =	por $0x0, $0x0;
	s0 =	simm.s32 $0x100;
	[sflag:s26] =	ssyncset.done $0x0  }
0x278: {  	p1 =	por p2, p2;
	s15 =	simm.s32 $0x1700;
	[sflag:s26] =	ssyncadd.s32 $0xFFFFC000  }
0x279: {  	[tilespmem:s20], [sflag:$0x1] =	stream.indirect.gather [hbm4b:s4+s19], $0x80, s15, s19, $0xb8;
	[tilespmem:$0x1E000] =	vst v63  }
0x27a: {  	s16 =	simm.s32 $0x1780;
	s24 =	simm.s32 $0x1F00;
	s1 =	simm.s32 $0x180  }
0x27b: {  	[tilespmem:s21], [sflag:$0x2] =	stream.indirect.gather [hbm4b:s4+s19], $0x80, s16, s19, $0xb8;
	[tilespmem:$0x1E000] =	vst v63  }
0x27c: {  	s6 =	simm.s32 $0x400;
	s7 =	simm.s32 $0x1F80;
	_ =	swait.ge [sflag:s22], $0x4000  }
0x27d: {  	s8 =	simm.s32 $0x200;
	s9 =	sadd.s32 @!p2 $0x200, s11;
	[sflag:s22] =	ssyncset.done $0x0  }
0x27e: {  	s9 =	sadd.s32 @!p2 $0x100, s9;
	s10 =	sadd.s32 @!p2 $0x200, s12;
	[sflag:s22] =	ssyncadd.s32 $0xFFFFC000  }
0x27f: {  	[spmem:s2] =	stream.indirect.scatter.add.f32 [tilespmem:s20], [sflag:$0x3], $0x80, s24, s19, $0xb8;
	[tilespmem:$0x1E000] =	vst v63  }
0x280: {  	s9 =	smov.u32 @p2 s17;
	s13 =	sadd.s32 @!p2 $0x100, s10;
	_ =	swait.ge [sflag:s23], $0x4000  }
0x281: {  	s13 =	smov.u32 @p2 s18;
	s16 =	simm.s32 @!p1 $0x5;
	[sflag:s23] =	ssyncset.done $0x0  }
.LBB2_6:
0x282: {  	p3 =	seq.s32 s6, $0x0  }
0x283: {  	[sflag:s23] =	ssyncadd.s32 $0xFFFFC000;
	s10 =	smov.u32 s6;
	s6 =	sadd.s32 $0x200, s6  }
0x284: {  	[spmem:s2] =	stream.indirect.scatter.add.f32 [tilespmem:s21], [sflag:$0x4], $0x80, s7, s19, $0xb8;
	[tilespmem:$0x1E000] =	vst v63  }
0x285: {  	s14 =	sadd.s32 @!p3 s10, s11  }
0x286: {  	s24 =	sadd.s32 @!p3 s10, s12;
	_ =	swait.ge @!p1 [sflag:s16], $0x800;
	s15 =	sadd.s32 @!p3 $0x100, s14  }
0x287: {  	s14 =	sadd.s32 @!p3 $0x100, s24;
	s24 =	simm.s32 $0x800;
	[sflag:s16] =	ssyncset.done @!p1 $0x0  }
0x288: {  	p2 =	seq.s32 s6, $0xA00;
	s15 =	smov.u32 @p3 s17;
	[sflag:s16] =	ssyncadd.s32 @!p1 $0xFFFFF800  }
0x289: {  	s14 =	smov.u32 @p3 s18;
	_ =	swait.ge @!p1 [sflag:s16], $0x800  }
0x28a: {  	[sflag:s16] =	ssyncset.done @!p1 $0x0  }
0x28b: {  	[sflag:s16] =	ssyncadd.s32 @!p1 $0xFFFFF800;
	s16 =	simm.s32 @!p1 $0x3  }
0x28c: {  	_ =	swait.ge @!p1 [sflag:s16], $0x4000  }
0x28d: {  	[sflag:s16] =	ssyncset.done @!p1 $0x0  }
0x28e: {  	[sflag:s16] =	ssyncadd.s32 @!p1 $0xFFFFC000;
	s16 =	simm.s32 @!p1 $0x4  }
0x28f: {  	_ =	swait.ge @!p1 [sflag:s16], $0x4000  }
0x290: {  	[sflag:s16] =	ssyncset.done @!p1 $0x0  }
0x291: {  	[sflag:s16] =	ssyncadd.s32 @!p1 $0xFFFFC000;
	p1 =	por p3, p3  }
0x292: {  	[tilespmem:s20], [sflag:$0x1] =	stream.indirect.gather [hbm4b:s4+s19], $0x80, s3, s19, $0xb8;
	[tilespmem:$0x1E000] =	vst v63  }
0x293: {  	_ = 	snop  }
0x294: {  	[tilespmem:s21], [sflag:$0x2] =	stream.indirect.gather [hbm4b:s4+s19], $0x80, s19, s19, $0xb8;
	[tilespmem:$0x1E000] =	vst v63  }
0x295: {  	_ =	swait.ge [sflag:s22], $0x4000  }
0x296: {  	[sflag:s22] =	ssyncset.done $0x0  }
0x297: {  	[sflag:s22] =	ssyncadd.s32 $0xFFFFC000  }
0x298: {  	[spmem:s2] =	stream.indirect.scatter.add.f32 [tilespmem:s20], [sflag:$0x3], $0x80, s24, s19, $0xb8;
	[tilespmem:$0x1E000] =	vst v63  }
0x299: {  	_ =	swait.ge [sflag:s23], $0x4000  }
0x29a: {  	[sflag:s23] =	ssyncset.done $0x0  }
0x29b: {  	[sflag:s23] =	ssyncadd.s32 $0xFFFFC000  }
0x29c: {  	[spmem:s2] =	stream.indirect.scatter.add.f32 [tilespmem:s21], [sflag:$0x4], $0x80, s29, s19, $0xb8;
	[tilespmem:$0x1E000] =	vst v63  }
0x29d: {  	_ =	swait.ge [sflag:s25], $0x4000  }
0x29e: {  	[sflag:s25] =	ssyncset.done $0x0  }
0x29f: {  	[sflag:s25] =	ssyncadd.s32 $0xFFFFC000  }
0x2a0: {  	_ =	swait.ge [sflag:s26], $0x4000  }
0x2a1: {  	[sflag:s26] =	ssyncset.done $0x0  }
0x2a2: {  	[sflag:s26] =	ssyncadd.s32 $0xFFFFC000  }
0x2a3: {  	[tilespmem:s20], [sflag:$0x1] =	stream.indirect.gather [hbm4b:s4+s19], $0x80, s0, s19, $0xb8;
	[tilespmem:$0x1E000] =	vst v63  }
0x2a4: {  	_ = 	snop  }
0x2a5: {  	[tilespmem:s21], [sflag:$0x2] =	stream.indirect.gather [hbm4b:s4+s19], $0x80, s1, s19, $0xb8;
	[tilespmem:$0x1E000] =	vst v63  }
0x2a6: {  	_ = 	snop  }
0x2a7: {  	[tilespmem:s30], [sflag:$0x6] =	stream.linear.gather [hbm4b:s9+s3], $0x800, $0x38;
	[tilespmem:$0x1E000] =	vst v63  }
0x2a8: {  	s9 =	smov.u32 s15  }
0x2a9: {  	[tilespmem:s31], [sflag:$0x6] =	stream.linear.gather [hbm4b:s13+s3], $0x800, $0x38;
	[tilespmem:$0x1E000] =	vst v63  }
0x2aa: {  	s13 =	smov.u32 s14;
	_ =	swait.ge [sflag:s22], $0x4000  }
0x2ab: {  	[sflag:s22] =	ssyncset.done $0x0  }
0x2ac: {  	s14 =	simm.s32 $0x900;
	[sflag:s22] =	ssyncadd.s32 $0xFFFFC000  }
0x2ad: {  	[spmem:s2] =	stream.indirect.scatter.add.f32 [tilespmem:s20], [sflag:$0x3], $0x80, s14, s19, $0xb8;
	[tilespmem:$0x1E000] =	vst v63  }
0x2ae: {  	_ =	swait.ge [sflag:s23], $0x4000  }
0x2af: {  	[sflag:s23] =	ssyncset.done $0x0  }
0x2b0: {  	s14 =	simm.s32 $0x980;
	[sflag:s23] =	ssyncadd.s32 $0xFFFFC000  }
0x2b1: {  	[spmem:s2] =	stream.indirect.scatter.add.f32 [tilespmem:s21], [sflag:$0x4], $0x80, s14, s19, $0xb8;
	[tilespmem:$0x1E000] =	vst v63  }
0x2b2: {  	_ =	swait.ge [sflag:s25], $0x4000  }
0x2b3: {  	[sflag:s25] =	ssyncset.done $0x0  }
0x2b4: {  	[sflag:s25] =	ssyncadd.s32 $0xFFFFC000  }
0x2b5: {  	_ =	swait.ge [sflag:s26], $0x4000  }
0x2b6: {  	[sflag:s26] =	ssyncset.done $0x0  }
0x2b7: {  	s14 =	simm.s32 $0x200;
	[sflag:s26] =	ssyncadd.s32 $0xFFFFC000  }
0x2b8: {  	[tilespmem:s20], [sflag:$0x1] =	stream.indirect.gather [hbm4b:s4+s19], $0x80, s14, s19, $0xb8;
	[tilespmem:$0x1E000] =	vst v63  }
0x2b9: {  	s14 =	simm.s32 $0x280  }
0x2ba: {  	[tilespmem:s21], [sflag:$0x2] =	stream.indirect.gather [hbm4b:s4+s19], $0x80, s14, s19, $0xb8;
	[tilespmem:$0x1E000] =	vst v63  }
0x2bb: {  	_ =	swait.ge [sflag:s22], $0x4000  }
0x2bc: {  	[sflag:s22] =	ssyncset.done $0x0  }
0x2bd: {  	s14 =	simm.s32 $0xA00;
	[sflag:s22] =	ssyncadd.s32 $0xFFFFC000  }
0x2be: {  	[spmem:s2] =	stream.indirect.scatter.add.f32 [tilespmem:s20], [sflag:$0x3], $0x80, s14, s19, $0xb8;
	[tilespmem:$0x1E000] =	vst v63  }
0x2bf: {  	_ =	swait.ge [sflag:s23], $0x4000  }
0x2c0: {  	[sflag:s23] =	ssyncset.done $0x0  }
0x2c1: {  	s14 =	simm.s32 $0xA80;
	[sflag:s23] =	ssyncadd.s32 $0xFFFFC000  }
0x2c2: {  	[spmem:s2] =	stream.indirect.scatter.add.f32 [tilespmem:s21], [sflag:$0x4], $0x80, s14, s19, $0xb8;
	[tilespmem:$0x1E000] =	vst v63  }
0x2c3: {  	_ =	swait.ge [sflag:s25], $0x4000  }
0x2c4: {  	[sflag:s25] =	ssyncset.done $0x0  }
0x2c5: {  	[sflag:s25] =	ssyncadd.s32 $0xFFFFC000  }
0x2c6: {  	_ =	swait.ge [sflag:s26], $0x4000  }
0x2c7: {  	[sflag:s26] =	ssyncset.done $0x0  }
0x2c8: {  	s14 =	simm.s32 $0x300;
	[sflag:s26] =	ssyncadd.s32 $0xFFFFC000  }
0x2c9: {  	[tilespmem:s20], [sflag:$0x1] =	stream.indirect.gather [hbm4b:s4+s19], $0x80, s14, s19, $0xb8;
	[tilespmem:$0x1E000] =	vst v63  }
0x2ca: {  	s14 =	simm.s32 $0x380  }
0x2cb: {  	[tilespmem:s21], [sflag:$0x2] =	stream.indirect.gather [hbm4b:s4+s19], $0x80, s14, s19, $0xb8;
	[tilespmem:$0x1E000] =	vst v63  }
0x2cc: {  	_ =	swait.ge [sflag:s22], $0x4000  }
0x2cd: {  	[sflag:s22] =	ssyncset.done $0x0  }
0x2ce: {  	s14 =	simm.s32 $0xB00;
	[sflag:s22] =	ssyncadd.s32 $0xFFFFC000  }
0x2cf: {  	[spmem:s2] =	stream.indirect.scatter.add.f32 [tilespmem:s20], [sflag:$0x3], $0x80, s14, s19, $0xb8;
	[tilespmem:$0x1E000] =	vst v63  }
0x2d0: {  	_ =	swait.ge [sflag:s23], $0x4000  }
0x2d1: {  	[sflag:s23] =	ssyncset.done $0x0  }
0x2d2: {  	s14 =	simm.s32 $0xB80;
	[sflag:s23] =	ssyncadd.s32 $0xFFFFC000  }
0x2d3: {  	[spmem:s2] =	stream.indirect.scatter.add.f32 [tilespmem:s21], [sflag:$0x4], $0x80, s14, s19, $0xb8;
	[tilespmem:$0x1E000] =	vst v63  }
0x2d4: {  	_ =	swait.ge [sflag:s25], $0x4000  }
0x2d5: {  	[sflag:s25] =	ssyncset.done $0x0  }
0x2d6: {  	[sflag:s25] =	ssyncadd.s32 $0xFFFFC000  }
0x2d7: {  	_ =	swait.ge [sflag:s26], $0x4000  }
0x2d8: {  	[sflag:s26] =	ssyncset.done $0x0  }
0x2d9: {  	s14 =	simm.s32 $0x400;
	[sflag:s26] =	ssyncadd.s32 $0xFFFFC000  }
0x2da: {  	[tilespmem:s20], [sflag:$0x1] =	stream.indirect.gather [hbm4b:s4+s19], $0x80, s14, s19, $0xb8;
	[tilespmem:$0x1E000] =	vst v63  }
0x2db: {  	s14 =	simm.s32 $0x480  }
0x2dc: {  	[tilespmem:s21], [sflag:$0x2] =	stream.indirect.gather [hbm4b:s4+s19], $0x80, s14, s19, $0xb8;
	[tilespmem:$0x1E000] =	vst v63  }
0x2dd: {  	_ =	swait.ge [sflag:s22], $0x4000  }
0x2de: {  	[sflag:s22] =	ssyncset.done $0x0  }
0x2df: {  	s14 =	simm.s32 $0xC00;
	[sflag:s22] =	ssyncadd.s32 $0xFFFFC000  }
0x2e0: {  	[spmem:s2] =	stream.indirect.scatter.add.f32 [tilespmem:s20], [sflag:$0x3], $0x80, s14, s19, $0xb8;
	[tilespmem:$0x1E000] =	vst v63  }
0x2e1: {  	_ =	swait.ge [sflag:s23], $0x4000  }
0x2e2: {  	[sflag:s23] =	ssyncset.done $0x0  }
0x2e3: {  	s14 =	simm.s32 $0xC80;
	[sflag:s23] =	ssyncadd.s32 $0xFFFFC000  }
0x2e4: {  	[spmem:s2] =	stream.indirect.scatter.add.f32 [tilespmem:s21], [sflag:$0x4], $0x80, s14, s19, $0xb8;
	[tilespmem:$0x1E000] =	vst v63  }
0x2e5: {  	_ =	swait.ge [sflag:s25], $0x4000  }
0x2e6: {  	[sflag:s25] =	ssyncset.done $0x0  }
0x2e7: {  	[sflag:s25] =	ssyncadd.s32 $0xFFFFC000  }
0x2e8: {  	_ =	swait.ge [sflag:s26], $0x4000  }
0x2e9: {  	[sflag:s26] =	ssyncset.done $0x0  }
0x2ea: {  	s14 =	simm.s32 $0x500;
	[sflag:s26] =	ssyncadd.s32 $0xFFFFC000  }
0x2eb: {  	[tilespmem:s20], [sflag:$0x1] =	stream.indirect.gather [hbm4b:s4+s19], $0x80, s14, s19, $0xb8;
	[tilespmem:$0x1E000] =	vst v63  }
0x2ec: {  	s14 =	simm.s32 $0x580  }
0x2ed: {  	[tilespmem:s21], [sflag:$0x2] =	stream.indirect.gather [hbm4b:s4+s19], $0x80, s14, s19, $0xb8;
	[tilespmem:$0x1E000] =	vst v63  }
0x2ee: {  	_ =	swait.ge [sflag:s22], $0x4000  }
0x2ef: {  	[sflag:s22] =	ssyncset.done $0x0  }
0x2f0: {  	s14 =	simm.s32 $0xD00;
	[sflag:s22] =	ssyncadd.s32 $0xFFFFC000  }
0x2f1: {  	[spmem:s2] =	stream.indirect.scatter.add.f32 [tilespmem:s20], [sflag:$0x3], $0x80, s14, s19, $0xb8;
	[tilespmem:$0x1E000] =	vst v63  }
0x2f2: {  	_ =	swait.ge [sflag:s23], $0x4000  }
0x2f3: {  	[sflag:s23] =	ssyncset.done $0x0  }
0x2f4: {  	s14 =	simm.s32 $0xD80;
	[sflag:s23] =	ssyncadd.s32 $0xFFFFC000  }
0x2f5: {  	[spmem:s2] =	stream.indirect.scatter.add.f32 [tilespmem:s21], [sflag:$0x4], $0x80, s14, s19, $0xb8;
	[tilespmem:$0x1E000] =	vst v63  }
0x2f6: {  	_ =	swait.ge [sflag:s25], $0x4000  }
0x2f7: {  	[sflag:s25] =	ssyncset.done $0x0  }
0x2f8: {  	[sflag:s25] =	ssyncadd.s32 $0xFFFFC000  }
0x2f9: {  	_ =	swait.ge [sflag:s26], $0x4000  }
0x2fa: {  	[sflag:s26] =	ssyncset.done $0x0  }
0x2fb: {  	s14 =	simm.s32 $0x600;
	[sflag:s26] =	ssyncadd.s32 $0xFFFFC000  }
0x2fc: {  	[tilespmem:s20], [sflag:$0x1] =	stream.indirect.gather [hbm4b:s4+s19], $0x80, s14, s19, $0xb8;
	[tilespmem:$0x1E000] =	vst v63  }
0x2fd: {  	s14 =	simm.s32 $0x680  }
0x2fe: {  	[tilespmem:s21], [sflag:$0x2] =	stream.indirect.gather [hbm4b:s4+s19], $0x80, s14, s19, $0xb8;
	[tilespmem:$0x1E000] =	vst v63  }
0x2ff: {  	_ =	swait.ge [sflag:s22], $0x4000  }
0x300: {  	[sflag:s22] =	ssyncset.done $0x0  }
0x301: {  	s14 =	simm.s32 $0xE00;
	[sflag:s22] =	ssyncadd.s32 $0xFFFFC000  }
0x302: {  	[spmem:s2] =	stream.indirect.scatter.add.f32 [tilespmem:s20], [sflag:$0x3], $0x80, s14, s19, $0xb8;
	[tilespmem:$0x1E000] =	vst v63  }
0x303: {  	_ =	swait.ge [sflag:s23], $0x4000  }
0x304: {  	[sflag:s23] =	ssyncset.done $0x0  }
0x305: {  	s14 =	simm.s32 $0xE80;
	[sflag:s23] =	ssyncadd.s32 $0xFFFFC000  }
0x306: {  	[spmem:s2] =	stream.indirect.scatter.add.f32 [tilespmem:s21], [sflag:$0x4], $0x80, s14, s19, $0xb8;
	[tilespmem:$0x1E000] =	vst v63  }
0x307: {  	_ =	swait.ge [sflag:s25], $0x4000  }
0x308: {  	[sflag:s25] =	ssyncset.done $0x0  }
0x309: {  	[sflag:s25] =	ssyncadd.s32 $0xFFFFC000  }
0x30a: {  	_ =	swait.ge [sflag:s26], $0x4000  }
0x30b: {  	[sflag:s26] =	ssyncset.done $0x0  }
0x30c: {  	s14 =	simm.s32 $0x700;
	[sflag:s26] =	ssyncadd.s32 $0xFFFFC000  }
0x30d: {  	[tilespmem:s20], [sflag:$0x1] =	stream.indirect.gather [hbm4b:s4+s19], $0x80, s14, s19, $0xb8;
	[tilespmem:$0x1E000] =	vst v63  }
0x30e: {  	s14 =	simm.s32 $0x780  }
0x30f: {  	[tilespmem:s21], [sflag:$0x2] =	stream.indirect.gather [hbm4b:s4+s19], $0x80, s14, s19, $0xb8;
	[tilespmem:$0x1E000] =	vst v63  }
0x310: {  	_ =	swait.ge [sflag:s22], $0x4000  }
0x311: {  	[sflag:s22] =	ssyncset.done $0x0  }
0x312: {  	s14 =	simm.s32 $0xF00;
	[sflag:s22] =	ssyncadd.s32 $0xFFFFC000  }
0x313: {  	[spmem:s2] =	stream.indirect.scatter.add.f32 [tilespmem:s20], [sflag:$0x3], $0x80, s14, s19, $0xb8;
	[tilespmem:$0x1E000] =	vst v63  }
0x314: {  	_ =	swait.ge [sflag:s23], $0x4000  }
0x315: {  	[sflag:s23] =	ssyncset.done $0x0  }
0x316: {  	s14 =	simm.s32 $0xF80;
	[sflag:s23] =	ssyncadd.s32 $0xFFFFC000  }
0x317: {  	[spmem:s2] =	stream.indirect.scatter.add.f32 [tilespmem:s21], [sflag:$0x4], $0x80, s14, s19, $0xb8;
	[tilespmem:$0x1E000] =	vst v63  }
0x318: {  	_ =	swait.ge [sflag:s28], $0x800  }
0x319: {  	[sflag:s28] =	ssyncset.done $0x0  }
0x31a: {  	[sflag:s28] =	ssyncadd.s32 $0xFFFFF800  }
0x31b: {  	_ =	swait.ge [sflag:s28], $0x800  }
0x31c: {  	[sflag:s28] =	ssyncset.done $0x0  }
0x31d: {  	[sflag:s28] =	ssyncadd.s32 $0xFFFFF800  }
0x31e: {  	_ =	swait.ge [sflag:s25], $0x4000  }
0x31f: {  	[sflag:s25] =	ssyncset.done $0x0  }
0x320: {  	[sflag:s25] =	ssyncadd.s32 $0xFFFFC000  }
0x321: {  	_ =	swait.ge [sflag:s26], $0x4000  }
0x322: {  	[sflag:s26] =	ssyncset.done $0x0  }
0x323: {  	[sflag:s26] =	ssyncadd.s32 $0xFFFFC000  }
0x324: {  	[tilespmem:s20], [sflag:$0x1] =	stream.indirect.gather [hbm4b:s4+s19], $0x80, s30, s19, $0xb8;
	[tilespmem:$0x1E000] =	vst v63  }
0x325: {  	s14 =	simm.s32 $0x1080  }
0x326: {  	[tilespmem:s21], [sflag:$0x2] =	stream.indirect.gather [hbm4b:s4+s19], $0x80, s14, s19, $0xb8;
	[tilespmem:$0x1E000] =	vst v63  }
0x327: {  	_ =	swait.ge [sflag:s22], $0x4000  }
0x328: {  	[sflag:s22] =	ssyncset.done $0x0  }
0x329: {  	[sflag:s22] =	ssyncadd.s32 $0xFFFFC000  }
0x32a: {  	[spmem:s2] =	stream.indirect.scatter.add.f32 [tilespmem:s20], [sflag:$0x3], $0x80, s31, s19, $0xb8;
	[tilespmem:$0x1E000] =	vst v63  }
0x32b: {  	_ =	swait.ge [sflag:s23], $0x4000  }
0x32c: {  	[sflag:s23] =	ssyncset.done $0x0  }
0x32d: {  	s14 =	simm.s32 $0x1880;
	[sflag:s23] =	ssyncadd.s32 $0xFFFFC000  }
0x32e: {  	[spmem:s2] =	stream.indirect.scatter.add.f32 [tilespmem:s21], [sflag:$0x4], $0x80, s14, s19, $0xb8;
	[tilespmem:$0x1E000] =	vst v63  }
0x32f: {  	_ =	swait.ge [sflag:s25], $0x4000  }
0x330: {  	[sflag:s25] =	ssyncset.done $0x0  }
0x331: {  	[sflag:s25] =	ssyncadd.s32 $0xFFFFC000  }
0x332: {  	_ =	swait.ge [sflag:s26], $0x4000  }
0x333: {  	[sflag:s26] =	ssyncset.done $0x0  }
0x334: {  	s14 =	simm.s32 $0x1100;
	[sflag:s26] =	ssyncadd.s32 $0xFFFFC000  }
0x335: {  	[tilespmem:s20], [sflag:$0x1] =	stream.indirect.gather [hbm4b:s4+s19], $0x80, s14, s19, $0xb8;
	[tilespmem:$0x1E000] =	vst v63  }
0x336: {  	p3 =	seq.s32 s8, $0x800;
	s14 =	simm.s32 $0x1180  }
0x337: {  	[tilespmem:s21], [sflag:$0x2] =	stream.indirect.gather [hbm4b:s4+s19], $0x80, s14, s19, $0xb8;
	[tilespmem:$0x1E000] =	vst v63  }
0x338: {  	s15 =	simm.s32 @!p3 $0x0;
	s14 =	sadd.s32 @!p3 s8, s12;
	s8 =	sadd.s32 @!p3 s8, s11  }
0x339: {  	s16 =	simm.s32 @!p3 $0x800;
	s14 =	sadd.s32 @!p3 $0x200, s14;
	s8 =	sadd.s32 @!p3 $0x200, s8  }
0x33a: {  	[tilespmem:s15], [sflag:$0x5] =	stream.linear.gather @!p3 [hbm4b:s8+s15], $0x800, $0x38;
	[tilespmem:$0x1E000] =	vst v63  }
0x33b: {  	s8 =	smov.u32 s10  }
0x33c: {  	[tilespmem:s16], [sflag:$0x5] =	stream.linear.gather @!p3 [hbm4b:s14+s15], $0x800, $0x38;
	[tilespmem:$0x1E000] =	vst v63  }
0x33d: {  	s10 =	simm.s32 $0x1900;
	s15 =	simm.s32 $0x1200;
	s14 =	simm.s32 $0x1980  }
0x33e: {  	_ =	swait.ge [sflag:s22], $0x4000  }
0x33f: {  	[sflag:s22] =	ssyncset.done $0x0  }
0x340: {  	[sflag:s22] =	ssyncadd.s32 $0xFFFFC000  }
0x341: {  	[spmem:s2] =	stream.indirect.scatter.add.f32 [tilespmem:s20], [sflag:$0x3], $0x80, s10, s19, $0xb8;
	[tilespmem:$0x1E000] =	vst v63  }
0x342: {  	_ =	swait.ge [sflag:s23], $0x4000  }
0x343: {  	[sflag:s23] =	ssyncset.done $0x0  }
0x344: {  	[sflag:s23] =	ssyncadd.s32 $0xFFFFC000  }
0x345: {  	[spmem:s2] =	stream.indirect.scatter.add.f32 [tilespmem:s21], [sflag:$0x4], $0x80, s14, s19, $0xb8;
	[tilespmem:$0x1E000] =	vst v63  }
0x346: {  	_ =	swait.ge [sflag:s25], $0x4000  }
0x347: {  	[sflag:s25] =	ssyncset.done $0x0  }
0x348: {  	[sflag:s25] =	ssyncadd.s32 $0xFFFFC000  }
0x349: {  	_ =	swait.ge [sflag:s26], $0x4000  }
0x34a: {  	[sflag:s26] =	ssyncset.done $0x0  }
0x34b: {  	[sflag:s26] =	ssyncadd.s32 $0xFFFFC000  }
0x34c: {  	[tilespmem:s20], [sflag:$0x1] =	stream.indirect.gather [hbm4b:s4+s19], $0x80, s15, s19, $0xb8;
	[tilespmem:$0x1E000] =	vst v63  }
0x34d: {  	s16 =	simm.s32 $0x1280  }
0x34e: {  	[tilespmem:s21], [sflag:$0x2] =	stream.indirect.gather [hbm4b:s4+s19], $0x80, s16, s19, $0xb8;
	[tilespmem:$0x1E000] =	vst v63  }
0x34f: {  	_ =	swait.ge [sflag:s22], $0x4000  }
0x350: {  	[sflag:s22] =	ssyncset.done $0x0  }
0x351: {  	s16 =	simm.s32 $0x1A00;
	[sflag:s22] =	ssyncadd.s32 $0xFFFFC000  }
0x352: {  	[spmem:s2] =	stream.indirect.scatter.add.f32 [tilespmem:s20], [sflag:$0x3], $0x80, s16, s19, $0xb8;
	[tilespmem:$0x1E000] =	vst v63  }
0x353: {  	_ =	swait.ge [sflag:s23], $0x4000  }
0x354: {  	[sflag:s23] =	ssyncset.done $0x0  }
0x355: {  	s16 =	simm.s32 $0x1A80;
	[sflag:s23] =	ssyncadd.s32 $0xFFFFC000  }
0x356: {  	[spmem:s2] =	stream.indirect.scatter.add.f32 [tilespmem:s21], [sflag:$0x4], $0x80, s16, s19, $0xb8;
	[tilespmem:$0x1E000] =	vst v63  }
0x357: {  	_ =	swait.ge [sflag:s25], $0x4000  }
0x358: {  	[sflag:s25] =	ssyncset.done $0x0  }
0x359: {  	[sflag:s25] =	ssyncadd.s32 $0xFFFFC000  }
0x35a: {  	_ =	swait.ge [sflag:s26], $0x4000  }
0x35b: {  	[sflag:s26] =	ssyncset.done $0x0  }
0x35c: {  	s16 =	simm.s32 $0x1300;
	[sflag:s26] =	ssyncadd.s32 $0xFFFFC000  }
0x35d: {  	[tilespmem:s20], [sflag:$0x1] =	stream.indirect.gather [hbm4b:s4+s19], $0x80, s16, s19, $0xb8;
	[tilespmem:$0x1E000] =	vst v63  }
0x35e: {  	s16 =	simm.s32 $0x1380  }
0x35f: {  	[tilespmem:s21], [sflag:$0x2] =	stream.indirect.gather [hbm4b:s4+s19], $0x80, s16, s19, $0xb8;
	[tilespmem:$0x1E000] =	vst v63  }
0x360: {  	_ =	swait.ge [sflag:s22], $0x4000  }
0x361: {  	[sflag:s22] =	ssyncset.done $0x0  }
0x362: {  	s16 =	simm.s32 $0x1B00;
	[sflag:s22] =	ssyncadd.s32 $0xFFFFC000  }
0x363: {  	[spmem:s2] =	stream.indirect.scatter.add.f32 [tilespmem:s20], [sflag:$0x3], $0x80, s16, s19, $0xb8;
	[tilespmem:$0x1E000] =	vst v63  }
0x364: {  	_ =	swait.ge [sflag:s23], $0x4000  }
0x365: {  	[sflag:s23] =	ssyncset.done $0x0  }
0x366: {  	s16 =	simm.s32 $0x1B80;
	[sflag:s23] =	ssyncadd.s32 $0xFFFFC000  }
0x367: {  	[spmem:s2] =	stream.indirect.scatter.add.f32 [tilespmem:s21], [sflag:$0x4], $0x80, s16, s19, $0xb8;
	[tilespmem:$0x1E000] =	vst v63  }
0x368: {  	_ =	swait.ge [sflag:s25], $0x4000  }
0x369: {  	[sflag:s25] =	ssyncset.done $0x0  }
0x36a: {  	[sflag:s25] =	ssyncadd.s32 $0xFFFFC000  }
0x36b: {  	_ =	swait.ge [sflag:s26], $0x4000  }
0x36c: {  	[sflag:s26] =	ssyncset.done $0x0  }
0x36d: {  	s16 =	simm.s32 $0x1400;
	[sflag:s26] =	ssyncadd.s32 $0xFFFFC000  }
0x36e: {  	[tilespmem:s20], [sflag:$0x1] =	stream.indirect.gather [hbm4b:s4+s19], $0x80, s16, s19, $0xb8;
	[tilespmem:$0x1E000] =	vst v63  }
0x36f: {  	s16 =	simm.s32 $0x1480  }
0x370: {  	[tilespmem:s21], [sflag:$0x2] =	stream.indirect.gather [hbm4b:s4+s19], $0x80, s16, s19, $0xb8;
	[tilespmem:$0x1E000] =	vst v63  }
0x371: {  	_ =	swait.ge [sflag:s22], $0x4000  }
0x372: {  	[sflag:s22] =	ssyncset.done $0x0  }
0x373: {  	s16 =	simm.s32 $0x1C00;
	[sflag:s22] =	ssyncadd.s32 $0xFFFFC000  }
0x374: {  	[spmem:s2] =	stream.indirect.scatter.add.f32 [tilespmem:s20], [sflag:$0x3], $0x80, s16, s19, $0xb8;
	[tilespmem:$0x1E000] =	vst v63  }
0x375: {  	_ =	swait.ge [sflag:s23], $0x4000  }
0x376: {  	[sflag:s23] =	ssyncset.done $0x0  }
0x377: {  	s16 =	simm.s32 $0x1C80;
	[sflag:s23] =	ssyncadd.s32 $0xFFFFC000  }
0x378: {  	[spmem:s2] =	stream.indirect.scatter.add.f32 [tilespmem:s21], [sflag:$0x4], $0x80, s16, s19, $0xb8;
	[tilespmem:$0x1E000] =	vst v63  }
0x379: {  	_ =	swait.ge [sflag:s25], $0x4000  }
0x37a: {  	[sflag:s25] =	ssyncset.done $0x0  }
0x37b: {  	[sflag:s25] =	ssyncadd.s32 $0xFFFFC000  }
0x37c: {  	_ =	swait.ge [sflag:s26], $0x4000  }
0x37d: {  	[sflag:s26] =	ssyncset.done $0x0  }
0x37e: {  	s16 =	simm.s32 $0x1500;
	[sflag:s26] =	ssyncadd.s32 $0xFFFFC000  }
0x37f: {  	[tilespmem:s20], [sflag:$0x1] =	stream.indirect.gather [hbm4b:s4+s19], $0x80, s16, s19, $0xb8;
	[tilespmem:$0x1E000] =	vst v63  }
0x380: {  	s16 =	simm.s32 $0x1580  }
0x381: {  	[tilespmem:s21], [sflag:$0x2] =	stream.indirect.gather [hbm4b:s4+s19], $0x80, s16, s19, $0xb8;
	[tilespmem:$0x1E000] =	vst v63  }
0x382: {  	_ =	swait.ge [sflag:s22], $0x4000  }
0x383: {  	[sflag:s22] =	ssyncset.done $0x0  }
0x384: {  	s16 =	simm.s32 $0x1D00;
	[sflag:s22] =	ssyncadd.s32 $0xFFFFC000  }
0x385: {  	[spmem:s2] =	stream.indirect.scatter.add.f32 [tilespmem:s20], [sflag:$0x3], $0x80, s16, s19, $0xb8;
	[tilespmem:$0x1E000] =	vst v63  }
0x386: {  	_ =	swait.ge [sflag:s23], $0x4000  }
0x387: {  	[sflag:s23] =	ssyncset.done $0x0  }
0x388: {  	s16 =	simm.s32 $0x1D80;
	[sflag:s23] =	ssyncadd.s32 $0xFFFFC000  }
0x389: {  	[spmem:s2] =	stream.indirect.scatter.add.f32 [tilespmem:s21], [sflag:$0x4], $0x80, s16, s19, $0xb8;
	[tilespmem:$0x1E000] =	vst v63  }
0x38a: {  	_ =	swait.ge [sflag:s25], $0x4000  }
0x38b: {  	[sflag:s25] =	ssyncset.done $0x0  }
0x38c: {  	[sflag:s25] =	ssyncadd.s32 $0xFFFFC000  }
0x38d: {  	_ =	swait.ge [sflag:s26], $0x4000  }
0x38e: {  	[sflag:s26] =	ssyncset.done $0x0  }
0x38f: {  	s16 =	simm.s32 $0x1600;
	[sflag:s26] =	ssyncadd.s32 $0xFFFFC000  }
0x390: {  	[tilespmem:s20], [sflag:$0x1] =	stream.indirect.gather [hbm4b:s4+s19], $0x80, s16, s19, $0xb8;
	[tilespmem:$0x1E000] =	vst v63  }
0x391: {  	s16 =	simm.s32 $0x1680  }
0x392: {  	[tilespmem:s21], [sflag:$0x2] =	stream.indirect.gather [hbm4b:s4+s19], $0x80, s16, s19, $0xb8;
	[tilespmem:$0x1E000] =	vst v63  }
0x393: {  	_ =	swait.ge [sflag:s22], $0x4000  }
0x394: {  	[sflag:s22] =	ssyncset.done $0x0  }
0x395: {  	s16 =	simm.s32 $0x1E00;
	[sflag:s22] =	ssyncadd.s32 $0xFFFFC000  }
0x396: {  	[spmem:s2] =	stream.indirect.scatter.add.f32 [tilespmem:s20], [sflag:$0x3], $0x80, s16, s19, $0xb8;
	[tilespmem:$0x1E000] =	vst v63  }
0x397: {  	_ =	swait.ge [sflag:s23], $0x4000  }
0x398: {  	[sflag:s23] =	ssyncset.done $0x0  }
0x399: {  	s16 =	simm.s32 $0x1E80;
	[sflag:s23] =	ssyncadd.s32 $0xFFFFC000  }
0x39a: {  	[spmem:s2] =	stream.indirect.scatter.add.f32 [tilespmem:s21], [sflag:$0x4], $0x80, s16, s19, $0xb8;
	[tilespmem:$0x1E000] =	vst v63  }
0x39b: {  	_ =	swait.ge [sflag:s25], $0x4000  }
0x39c: {  	[sflag:s25] =	ssyncset.done $0x0  }
0x39d: {  	[sflag:s25] =	ssyncadd.s32 $0xFFFFC000  }
0x39e: {  	_ =	swait.ge [sflag:s26], $0x4000  }
0x39f: {  	[sflag:s26] =	ssyncset.done $0x0  }
0x3a0: {  	s16 =	simm.s32 $0x1700;
	[sflag:s26] =	ssyncadd.s32 $0xFFFFC000  }
0x3a1: {  	[tilespmem:s20], [sflag:$0x1] =	stream.indirect.gather [hbm4b:s4+s19], $0x80, s16, s19, $0xb8;
	[tilespmem:$0x1E000] =	vst v63  }
0x3a2: {  	s16 =	simm.s32 $0x1780  }
0x3a3: {  	[tilespmem:s21], [sflag:$0x2] =	stream.indirect.gather [hbm4b:s4+s19], $0x80, s16, s19, $0xb8;
	[tilespmem:$0x1E000] =	vst v63  }
0x3a4: {  	_ =	swait.ge [sflag:s22], $0x4000  }
.Ltmp3:
0x3a5: {  	[sflag:s22] =	ssyncset.done $0x0;
	(pc) =	sbr.rel @!p2 .LBB2_6-.Ltmp3, $4  }
0x3a6: {  	s16 =	simm.s32 $0x1F00;
	[sflag:s22] =	ssyncadd.s32 $0xFFFFC000  }
0x3a7: {  	[spmem:s2] =	stream.indirect.scatter.add.f32 [tilespmem:s20], [sflag:$0x3], $0x80, s16, s19, $0xb8;
	[tilespmem:$0x1E000] =	vst v63  }
0x3a8: {  	_ =	swait.ge [sflag:s23], $0x4000  }
0x3a9: {  	s16 =	simm.s32 @!p1 $0x5;
	[sflag:s23] =	ssyncset.done $0x0  }
.Ltmp4:
0x3aa: {  	_ = 	snop;
	(pc) =	sbr.rel .LBB2_7-.Ltmp4, $1  }
0x3ab: {  	_ =	sdelay $0x3  }
.LBB2_2:
0x3ac: {  	p1 =	por $0x1, $0x1  }
0x3ad: {  	p2 =	por p1, p1  }
0x3ae: {  	s6 =	simm.s32 @!p2 $0x5  }
0x3af: {  	_ =	swait.ge @!p2 [sflag:s6], $0x800  }
0x3b0: {  	[sflag:s6] =	ssyncset.done @!p2 $0x0  }
0x3b1: {  	[sflag:s6] =	ssyncadd.s32 @!p2 $0xFFFFF800  }
0x3b2: {  	_ =	swait.ge @!p2 [sflag:s6], $0x800  }
0x3b3: {  	[sflag:s6] =	ssyncset.done @!p2 $0x0  }
0x3b4: {  	[sflag:s6] =	ssyncadd.s32 @!p2 $0xFFFFF800;
	s6 =	simm.s32 @!p2 $0x3  }
0x3b5: {  	_ =	swait.ge @!p2 [sflag:s6], $0x4000  }
0x3b6: {  	[sflag:s6] =	ssyncset.done @!p2 $0x0  }
0x3b7: {  	[sflag:s6] =	ssyncadd.s32 @!p2 $0xFFFFC000;
	s6 =	simm.s32 @!p2 $0x4  }
0x3b8: {  	_ =	swait.ge @!p2 [sflag:s6], $0x4000  }
0x3b9: {  	[sflag:s6] =	ssyncset.done @!p2 $0x0  }
0x3ba: {  	[sflag:s6] =	ssyncadd.s32 @!p2 $0xFFFFC000  }
0x3bb: {  	[tilespmem:s20], [sflag:$0x1] =	stream.indirect.gather [hbm4b:s5+s19], $0x80, s3, s19, $0xb8;
	[tilespmem:$0x1E000] =	vst v63  }
0x3bc: {  	_ = 	snop  }
0x3bd: {  	[tilespmem:s21], [sflag:$0x2] =	stream.indirect.gather [hbm4b:s5+s19], $0x80, s19, s19, $0xb8;
	[tilespmem:$0x1E000] =	vst v63  }
0x3be: {  	_ =	swait.ge [sflag:s22], $0x4000  }
0x3bf: {  	[sflag:s22] =	ssyncset.done $0x0  }
0x3c0: {  	[sflag:s22] =	ssyncadd.s32 $0xFFFFC000  }
0x3c1: {  	[spmem:s2] =	stream.indirect.scatter.add.f32 [tilespmem:s20], [sflag:$0x3], $0x80, s24, s19, $0xb8;
	[tilespmem:$0x1E000] =	vst v63  }
0x3c2: {  	_ =	swait.ge [sflag:s23], $0x4000  }
0x3c3: {  	[sflag:s23] =	ssyncset.done $0x0  }
0x3c4: {  	[sflag:s23] =	ssyncadd.s32 $0xFFFFC000  }
0x3c5: {  	[spmem:s2] =	stream.indirect.scatter.add.f32 [tilespmem:s21], [sflag:$0x4], $0x80, s13, s19, $0xb8;
	[tilespmem:$0x1E000] =	vst v63  }
0x3c6: {  	_ =	swait.ge [sflag:s25], $0x4000  }
0x3c7: {  	[sflag:s25] =	ssyncset.done $0x0  }
0x3c8: {  	[sflag:s25] =	ssyncadd.s32 $0xFFFFC000  }
0x3c9: {  	_ =	swait.ge [sflag:s26], $0x4000  }
0x3ca: {  	[sflag:s26] =	ssyncset.done $0x0  }
0x3cb: {  	s6 =	sadd.s32 @!p1 $0x0, s11;
	[sflag:s26] =	ssyncadd.s32 $0xFFFFC000  }
0x3cc: {  	[tilespmem:s20], [sflag:$0x1] =	stream.indirect.gather [hbm4b:s5+s19], $0x80, s0, s19, $0xb8;
	[tilespmem:$0x1E000] =	vst v63  }
0x3cd: {  	s8 =	sadd.s32 @!p1 $0x0, s12;
	s6 =	sadd.s32 @!p1 $0x100, s6  }
0x3ce: {  	[tilespmem:s21], [sflag:$0x2] =	stream.indirect.gather [hbm4b:s5+s19], $0x80, s1, s19, $0xb8;
	[tilespmem:$0x1E000] =	vst v63  }
0x3cf: {  	s8 =	sadd.s32 @!p1 $0x100, s8;
	s6 =	smov.u32 @p1 s17  }
0x3d0: {  	[tilespmem:s30], [sflag:$0x6] =	stream.linear.gather [hbm4b:s6+s3], $0x800, $0x38;
	[tilespmem:$0x1E000] =	vst v63  }
0x3d1: {  	s8 =	smov.u32 @p1 s18  }
0x3d2: {  	[tilespmem:s31], [sflag:$0x6] =	stream.linear.gather [hbm4b:s8+s3], $0x800, $0x38;
	[tilespmem:$0x1E000] =	vst v63  }
0x3d3: {  	_ =	swait.ge [sflag:s22], $0x4000  }
0x3d4: {  	[sflag:s22] =	ssyncset.done $0x0  }
0x3d5: {  	[sflag:s22] =	ssyncadd.s32 $0xFFFFC000  }
0x3d6: {  	[spmem:s2] =	stream.indirect.scatter.add.f32 [tilespmem:s20], [sflag:$0x3], $0x80, s7, s19, $0xb8;
	[tilespmem:$0x1E000] =	vst v63  }
0x3d7: {  	_ =	swait.ge [sflag:s23], $0x4000  }
0x3d8: {  	[sflag:s23] =	ssyncset.done $0x0  }
0x3d9: {  	[sflag:s23] =	ssyncadd.s32 $0xFFFFC000  }
0x3da: {  	[spmem:s2] =	stream.indirect.scatter.add.f32 [tilespmem:s21], [sflag:$0x4], $0x80, s14, s19, $0xb8;
	[tilespmem:$0x1E000] =	vst v63  }
0x3db: {  	_ =	swait.ge [sflag:s25], $0x4000  }
0x3dc: {  	[sflag:s25] =	ssyncset.done $0x0  }
0x3dd: {  	[sflag:s25] =	ssyncadd.s32 $0xFFFFC000  }
0x3de: {  	_ =	swait.ge [sflag:s26], $0x4000  }
0x3df: {  	[sflag:s26] =	ssyncset.done $0x0  }
0x3e0: {  	[sflag:s26] =	ssyncadd.s32 $0xFFFFC000  }
0x3e1: {  	[tilespmem:s20], [sflag:$0x1] =	stream.indirect.gather [hbm4b:s5+s19], $0x80, s15, s19, $0xb8;
	[tilespmem:$0x1E000] =	vst v63  }
0x3e2: {  	_ = 	snop  }
0x3e3: {  	[tilespmem:s21], [sflag:$0x2] =	stream.indirect.gather [hbm4b:s5+s19], $0x80, s16, s19, $0xb8;
	[tilespmem:$0x1E000] =	vst v63  }
0x3e4: {  	_ =	swait.ge [sflag:s22], $0x4000  }
0x3e5: {  	[sflag:s22] =	ssyncset.done $0x0  }
0x3e6: {  	s13 =	simm.s32 $0xA00;
	[sflag:s22] =	ssyncadd.s32 $0xFFFFC000  }
0x3e7: {  	[spmem:s2] =	stream.indirect.scatter.add.f32 [tilespmem:s20], [sflag:$0x3], $0x80, s13, s19, $0xb8;
	[tilespmem:$0x1E000] =	vst v63  }
0x3e8: {  	_ =	swait.ge [sflag:s23], $0x4000  }
0x3e9: {  	[sflag:s23] =	ssyncset.done $0x0  }
0x3ea: {  	s9 =	simm.s32 $0xA80;
	[sflag:s23] =	ssyncadd.s32 $0xFFFFC000  }
0x3eb: {  	[spmem:s2] =	stream.indirect.scatter.add.f32 [tilespmem:s21], [sflag:$0x4], $0x80, s9, s19, $0xb8;
	[tilespmem:$0x1E000] =	vst v63  }
0x3ec: {  	_ =	swait.ge [sflag:s25], $0x4000  }
0x3ed: {  	[sflag:s25] =	ssyncset.done $0x0  }
0x3ee: {  	[sflag:s25] =	ssyncadd.s32 $0xFFFFC000  }
0x3ef: {  	_ =	swait.ge [sflag:s26], $0x4000  }
0x3f0: {  	[sflag:s26] =	ssyncset.done $0x0  }
0x3f1: {  	s10 =	simm.s32 $0x300;
	[sflag:s26] =	ssyncadd.s32 $0xFFFFC000  }
0x3f2: {  	[tilespmem:s20], [sflag:$0x1] =	stream.indirect.gather [hbm4b:s5+s19], $0x80, s10, s19, $0xb8;
	[tilespmem:$0x1E000] =	vst v63  }
0x3f3: {  	s14 =	simm.s32 $0x380  }
0x3f4: {  	[tilespmem:s21], [sflag:$0x2] =	stream.indirect.gather [hbm4b:s5+s19], $0x80, s14, s19, $0xb8;
	[tilespmem:$0x1E000] =	vst v63  }
0x3f5: {  	_ =	swait.ge [sflag:s22], $0x4000  }
0x3f6: {  	[sflag:s22] =	ssyncset.done $0x0  }
0x3f7: {  	s15 =	simm.s32 $0xB00;
	[sflag:s22] =	ssyncadd.s32 $0xFFFFC000  }
0x3f8: {  	[spmem:s2] =	stream.indirect.scatter.add.f32 [tilespmem:s20], [sflag:$0x3], $0x80, s15, s19, $0xb8;
	[tilespmem:$0x1E000] =	vst v63  }
0x3f9: {  	_ =	swait.ge [sflag:s23], $0x4000  }
0x3fa: {  	[sflag:s23] =	ssyncset.done $0x0  }
0x3fb: {  	s16 =	simm.s32 $0xB80;
	[sflag:s23] =	ssyncadd.s32 $0xFFFFC000  }
0x3fc: {  	[spmem:s2] =	stream.indirect.scatter.add.f32 [tilespmem:s21], [sflag:$0x4], $0x80, s16, s19, $0xb8;
	[tilespmem:$0x1E000] =	vst v63  }
0x3fd: {  	_ =	swait.ge [sflag:s25], $0x4000  }
0x3fe: {  	[sflag:s25] =	ssyncset.done $0x0  }
0x3ff: {  	[sflag:s25] =	ssyncadd.s32 $0xFFFFC000  }
0x400: {  	_ =	swait.ge [sflag:s26], $0x4000  }
0x401: {  	[sflag:s26] =	ssyncset.done $0x0  }
0x402: {  	s24 =	simm.s32 $0x400;
	[sflag:s26] =	ssyncadd.s32 $0xFFFFC000  }
0x403: {  	[tilespmem:s20], [sflag:$0x1] =	stream.indirect.gather [hbm4b:s5+s19], $0x80, s24, s19, $0xb8;
	[tilespmem:$0x1E000] =	vst v63  }
0x404: {  	s1 =	simm.s32 $0x480  }
0x405: {  	[tilespmem:s21], [sflag:$0x2] =	stream.indirect.gather [hbm4b:s5+s19], $0x80, s1, s19, $0xb8;
	[tilespmem:$0x1E000] =	vst v63  }
0x406: {  	_ =	swait.ge [sflag:s22], $0x4000  }
0x407: {  	[sflag:s22] =	ssyncset.done $0x0  }
0x408: {  	s6 =	simm.s32 $0xC00;
	[sflag:s22] =	ssyncadd.s32 $0xFFFFC000  }
0x409: {  	[spmem:s2] =	stream.indirect.scatter.add.f32 [tilespmem:s20], [sflag:$0x3], $0x80, s6, s19, $0xb8;
	[tilespmem:$0x1E000] =	vst v63  }
0x40a: {  	_ =	swait.ge [sflag:s23], $0x4000  }
0x40b: {  	[sflag:s23] =	ssyncset.done $0x0  }
0x40c: {  	s7 =	simm.s32 $0xC80;
	[sflag:s23] =	ssyncadd.s32 $0xFFFFC000  }
0x40d: {  	[spmem:s2] =	stream.indirect.scatter.add.f32 [tilespmem:s21], [sflag:$0x4], $0x80, s7, s19, $0xb8;
	[tilespmem:$0x1E000] =	vst v63  }
0x40e: {  	_ =	swait.ge [sflag:s25], $0x4000  }
0x40f: {  	[sflag:s25] =	ssyncset.done $0x0  }
0x410: {  	[sflag:s25] =	ssyncadd.s32 $0xFFFFC000  }
0x411: {  	_ =	swait.ge [sflag:s26], $0x4000  }
0x412: {  	[sflag:s26] =	ssyncset.done $0x0  }
0x413: {  	s8 =	simm.s32 $0x500;
	[sflag:s26] =	ssyncadd.s32 $0xFFFFC000  }
0x414: {  	[tilespmem:s20], [sflag:$0x1] =	stream.indirect.gather [hbm4b:s5+s19], $0x80, s8, s19, $0xb8;
	[tilespmem:$0x1E000] =	vst v63  }
0x415: {  	s9 =	simm.s32 $0x580  }
0x416: {  	[tilespmem:s21], [sflag:$0x2] =	stream.indirect.gather [hbm4b:s5+s19], $0x80, s9, s19, $0xb8;
	[tilespmem:$0x1E000] =	vst v63  }
0x417: {  	_ =	swait.ge [sflag:s22], $0x4000  }
0x418: {  	[sflag:s22] =	ssyncset.done $0x0  }
0x419: {  	s10 =	simm.s32 $0xD00;
	[sflag:s22] =	ssyncadd.s32 $0xFFFFC000  }
0x41a: {  	[spmem:s2] =	stream.indirect.scatter.add.f32 [tilespmem:s20], [sflag:$0x3], $0x80, s10, s19, $0xb8;
	[tilespmem:$0x1E000] =	vst v63  }
0x41b: {  	_ =	swait.ge [sflag:s23], $0x4000  }
0x41c: {  	[sflag:s23] =	ssyncset.done $0x0  }
0x41d: {  	s13 =	simm.s32 $0xD80;
	[sflag:s23] =	ssyncadd.s32 $0xFFFFC000  }
0x41e: {  	[spmem:s2] =	stream.indirect.scatter.add.f32 [tilespmem:s21], [sflag:$0x4], $0x80, s13, s19, $0xb8;
	[tilespmem:$0x1E000] =	vst v63  }
0x41f: {  	_ =	swait.ge [sflag:s25], $0x4000  }
0x420: {  	[sflag:s25] =	ssyncset.done $0x0  }
0x421: {  	[sflag:s25] =	ssyncadd.s32 $0xFFFFC000  }
0x422: {  	_ =	swait.ge [sflag:s26], $0x4000  }
0x423: {  	[sflag:s26] =	ssyncset.done $0x0  }
0x424: {  	s14 =	simm.s32 $0x600;
	[sflag:s26] =	ssyncadd.s32 $0xFFFFC000  }
0x425: {  	[tilespmem:s20], [sflag:$0x1] =	stream.indirect.gather [hbm4b:s5+s19], $0x80, s14, s19, $0xb8;
	[tilespmem:$0x1E000] =	vst v63  }
0x426: {  	s15 =	simm.s32 $0x680  }
0x427: {  	[tilespmem:s21], [sflag:$0x2] =	stream.indirect.gather [hbm4b:s5+s19], $0x80, s15, s19, $0xb8;
	[tilespmem:$0x1E000] =	vst v63  }
0x428: {  	_ =	swait.ge [sflag:s22], $0x4000  }
0x429: {  	[sflag:s22] =	ssyncset.done $0x0  }
0x42a: {  	s16 =	simm.s32 $0xE00;
	[sflag:s22] =	ssyncadd.s32 $0xFFFFC000  }
0x42b: {  	[spmem:s2] =	stream.indirect.scatter.add.f32 [tilespmem:s20], [sflag:$0x3], $0x80, s16, s19, $0xb8;
	[tilespmem:$0x1E000] =	vst v63  }
0x42c: {  	_ =	swait.ge [sflag:s23], $0x4000  }
0x42d: {  	[sflag:s23] =	ssyncset.done $0x0  }
0x42e: {  	s24 =	simm.s32 $0xE80;
	[sflag:s23] =	ssyncadd.s32 $0xFFFFC000  }
0x42f: {  	[spmem:s2] =	stream.indirect.scatter.add.f32 [tilespmem:s21], [sflag:$0x4], $0x80, s24, s19, $0xb8;
	[tilespmem:$0x1E000] =	vst v63  }
0x430: {  	_ =	swait.ge [sflag:s25], $0x4000  }
0x431: {  	[sflag:s25] =	ssyncset.done $0x0  }
0x432: {  	[sflag:s25] =	ssyncadd.s32 $0xFFFFC000  }
0x433: {  	_ =	swait.ge [sflag:s26], $0x4000  }
0x434: {  	[sflag:s26] =	ssyncset.done $0x0  }
0x435: {  	s1 =	simm.s32 $0x700;
	[sflag:s26] =	ssyncadd.s32 $0xFFFFC000  }
0x436: {  	[tilespmem:s20], [sflag:$0x1] =	stream.indirect.gather [hbm4b:s5+s19], $0x80, s1, s19, $0xb8;
	[tilespmem:$0x1E000] =	vst v63  }
0x437: {  	s6 =	simm.s32 $0x780  }
0x438: {  	[tilespmem:s21], [sflag:$0x2] =	stream.indirect.gather [hbm4b:s5+s19], $0x80, s6, s19, $0xb8;
	[tilespmem:$0x1E000] =	vst v63  }
0x439: {  	_ =	swait.ge [sflag:s22], $0x4000  }
0x43a: {  	[sflag:s22] =	ssyncset.done $0x0  }
0x43b: {  	s7 =	simm.s32 $0xF00;
	[sflag:s22] =	ssyncadd.s32 $0xFFFFC000  }
0x43c: {  	[spmem:s2] =	stream.indirect.scatter.add.f32 [tilespmem:s20], [sflag:$0x3], $0x80, s7, s19, $0xb8;
	[tilespmem:$0x1E000] =	vst v63  }
0x43d: {  	_ =	swait.ge [sflag:s23], $0x4000  }
0x43e: {  	[sflag:s23] =	ssyncset.done $0x0  }
0x43f: {  	s8 =	simm.s32 $0xF80;
	[sflag:s23] =	ssyncadd.s32 $0xFFFFC000  }
0x440: {  	[spmem:s2] =	stream.indirect.scatter.add.f32 [tilespmem:s21], [sflag:$0x4], $0x80, s8, s19, $0xb8;
	[tilespmem:$0x1E000] =	vst v63  }
0x441: {  	_ =	swait.ge [sflag:s28], $0x800  }
0x442: {  	[sflag:s28] =	ssyncset.done $0x0  }
0x443: {  	[sflag:s28] =	ssyncadd.s32 $0xFFFFF800  }
0x444: {  	_ =	swait.ge [sflag:s28], $0x800  }
0x445: {  	[sflag:s28] =	ssyncset.done $0x0  }
0x446: {  	[sflag:s28] =	ssyncadd.s32 $0xFFFFF800  }
0x447: {  	_ =	swait.ge [sflag:s25], $0x4000  }
0x448: {  	[sflag:s25] =	ssyncset.done $0x0  }
0x449: {  	[sflag:s25] =	ssyncadd.s32 $0xFFFFC000  }
0x44a: {  	_ =	swait.ge [sflag:s26], $0x4000  }
0x44b: {  	[sflag:s26] =	ssyncset.done $0x0  }
0x44c: {  	[sflag:s26] =	ssyncadd.s32 $0xFFFFC000  }
0x44d: {  	[tilespmem:s20], [sflag:$0x1] =	stream.indirect.gather [hbm4b:s5+s19], $0x80, s30, s19, $0xb8;
	[tilespmem:$0x1E000] =	vst v63  }
0x44e: {  	s9 =	simm.s32 $0x1080  }
0x44f: {  	[tilespmem:s21], [sflag:$0x2] =	stream.indirect.gather [hbm4b:s5+s19], $0x80, s9, s19, $0xb8;
	[tilespmem:$0x1E000] =	vst v63  }
0x450: {  	_ =	swait.ge [sflag:s22], $0x4000  }
0x451: {  	[sflag:s22] =	ssyncset.done $0x0  }
0x452: {  	[sflag:s22] =	ssyncadd.s32 $0xFFFFC000  }
0x453: {  	[spmem:s2] =	stream.indirect.scatter.add.f32 [tilespmem:s20], [sflag:$0x3], $0x80, s31, s19, $0xb8;
	[tilespmem:$0x1E000] =	vst v63  }
0x454: {  	_ =	swait.ge [sflag:s23], $0x4000  }
0x455: {  	[sflag:s23] =	ssyncset.done $0x0  }
0x456: {  	s10 =	simm.s32 $0x1880;
	[sflag:s23] =	ssyncadd.s32 $0xFFFFC000  }
0x457: {  	[spmem:s2] =	stream.indirect.scatter.add.f32 [tilespmem:s21], [sflag:$0x4], $0x80, s10, s19, $0xb8;
	[tilespmem:$0x1E000] =	vst v63  }
0x458: {  	_ =	swait.ge [sflag:s25], $0x4000  }
0x459: {  	[sflag:s25] =	ssyncset.done $0x0  }
0x45a: {  	[sflag:s25] =	ssyncadd.s32 $0xFFFFC000  }
0x45b: {  	_ =	swait.ge [sflag:s26], $0x4000  }
0x45c: {  	[sflag:s26] =	ssyncset.done $0x0  }
0x45d: {  	p1 =	por $0x0, $0x0;
	s13 =	simm.s32 $0x1100;
	[sflag:s26] =	ssyncadd.s32 $0xFFFFC000  }
0x45e: {  	[tilespmem:s20], [sflag:$0x1] =	stream.indirect.gather [hbm4b:s5+s19], $0x80, s13, s19, $0xb8;
	[tilespmem:$0x1E000] =	vst v63  }
0x45f: {  	s14 =	simm.s32 $0x1180;
	s6 =	sadd.s32 @!p1 $0x0, s11  }
0x460: {  	[tilespmem:s21], [sflag:$0x2] =	stream.indirect.gather [hbm4b:s5+s19], $0x80, s14, s19, $0xb8;
	[tilespmem:$0x1E000] =	vst v63  }
0x461: {  	s6 =	sadd.s32 @!p1 $0x200, s6;
	s8 =	sadd.s32 @!p1 $0x0, s12;
	s9 =	simm.s32 @!p1 $0x0  }
0x462: {  	[tilespmem:s9], [sflag:$0x5] =	stream.linear.gather @!p1 [hbm4b:s6+s9], $0x800, $0x38;
	[tilespmem:$0x1E000] =	vst v63  }
0x463: {  	s6 =	sadd.s32 @!p1 $0x200, s8;
	s8 =	simm.s32 @!p1 $0x800  }
0x464: {  	[tilespmem:s8], [sflag:$0x5] =	stream.linear.gather @!p1 [hbm4b:s6+s9], $0x800, $0x38;
	[tilespmem:$0x1E000] =	vst v63  }
0x465: {  	_ =	swait.ge [sflag:s22], $0x4000  }
0x466: {  	[sflag:s22] =	ssyncset.done $0x0  }
0x467: {  	s15 =	simm.s32 $0x1900;
	[sflag:s22] =	ssyncadd.s32 $0xFFFFC000  }
0x468: {  	[spmem:s2] =	stream.indirect.scatter.add.f32 [tilespmem:s20], [sflag:$0x3], $0x80, s15, s19, $0xb8;
	[tilespmem:$0x1E000] =	vst v63  }
0x469: {  	_ =	swait.ge [sflag:s23], $0x4000  }
0x46a: {  	[sflag:s23] =	ssyncset.done $0x0  }
0x46b: {  	s16 =	simm.s32 $0x1980;
	[sflag:s23] =	ssyncadd.s32 $0xFFFFC000  }
0x46c: {  	[spmem:s2] =	stream.indirect.scatter.add.f32 [tilespmem:s21], [sflag:$0x4], $0x80, s16, s19, $0xb8;
	[tilespmem:$0x1E000] =	vst v63  }
0x46d: {  	_ =	swait.ge [sflag:s25], $0x4000  }
0x46e: {  	[sflag:s25] =	ssyncset.done $0x0  }
0x46f: {  	[sflag:s25] =	ssyncadd.s32 $0xFFFFC000  }
0x470: {  	_ =	swait.ge [sflag:s26], $0x4000  }
0x471: {  	[sflag:s26] =	ssyncset.done $0x0  }
0x472: {  	s24 =	simm.s32 $0x1200;
	[sflag:s26] =	ssyncadd.s32 $0xFFFFC000  }
0x473: {  	[tilespmem:s20], [sflag:$0x1] =	stream.indirect.gather [hbm4b:s5+s19], $0x80, s24, s19, $0xb8;
	[tilespmem:$0x1E000] =	vst v63  }
0x474: {  	s1 =	simm.s32 $0x1280  }
0x475: {  	[tilespmem:s21], [sflag:$0x2] =	stream.indirect.gather [hbm4b:s5+s19], $0x80, s1, s19, $0xb8;
	[tilespmem:$0x1E000] =	vst v63  }
0x476: {  	_ =	swait.ge [sflag:s22], $0x4000  }
0x477: {  	[sflag:s22] =	ssyncset.done $0x0  }
0x478: {  	s6 =	simm.s32 $0x1A00;
	[sflag:s22] =	ssyncadd.s32 $0xFFFFC000  }
0x479: {  	[spmem:s2] =	stream.indirect.scatter.add.f32 [tilespmem:s20], [sflag:$0x3], $0x80, s6, s19, $0xb8;
	[tilespmem:$0x1E000] =	vst v63  }
0x47a: {  	_ =	swait.ge [sflag:s23], $0x4000  }
0x47b: {  	[sflag:s23] =	ssyncset.done $0x0  }
0x47c: {  	s7 =	simm.s32 $0x1A80;
	[sflag:s23] =	ssyncadd.s32 $0xFFFFC000  }
0x47d: {  	[spmem:s2] =	stream.indirect.scatter.add.f32 [tilespmem:s21], [sflag:$0x4], $0x80, s7, s19, $0xb8;
	[tilespmem:$0x1E000] =	vst v63  }
0x47e: {  	_ =	swait.ge [sflag:s25], $0x4000  }
0x47f: {  	[sflag:s25] =	ssyncset.done $0x0  }
0x480: {  	[sflag:s25] =	ssyncadd.s32 $0xFFFFC000  }
0x481: {  	_ =	swait.ge [sflag:s26], $0x4000  }
0x482: {  	[sflag:s26] =	ssyncset.done $0x0  }
0x483: {  	s8 =	simm.s32 $0x1300;
	[sflag:s26] =	ssyncadd.s32 $0xFFFFC000  }
0x484: {  	[tilespmem:s20], [sflag:$0x1] =	stream.indirect.gather [hbm4b:s5+s19], $0x80, s8, s19, $0xb8;
	[tilespmem:$0x1E000] =	vst v63  }
0x485: {  	s9 =	simm.s32 $0x1380  }
0x486: {  	[tilespmem:s21], [sflag:$0x2] =	stream.indirect.gather [hbm4b:s5+s19], $0x80, s9, s19, $0xb8;
	[tilespmem:$0x1E000] =	vst v63  }
0x487: {  	_ =	swait.ge [sflag:s22], $0x4000  }
0x488: {  	[sflag:s22] =	ssyncset.done $0x0  }
0x489: {  	s10 =	simm.s32 $0x1B00;
	[sflag:s22] =	ssyncadd.s32 $0xFFFFC000  }
0x48a: {  	[spmem:s2] =	stream.indirect.scatter.add.f32 [tilespmem:s20], [sflag:$0x3], $0x80, s10, s19, $0xb8;
	[tilespmem:$0x1E000] =	vst v63  }
0x48b: {  	_ =	swait.ge [sflag:s23], $0x4000  }
0x48c: {  	[sflag:s23] =	ssyncset.done $0x0  }
0x48d: {  	s13 =	simm.s32 $0x1B80;
	[sflag:s23] =	ssyncadd.s32 $0xFFFFC000  }
0x48e: {  	[spmem:s2] =	stream.indirect.scatter.add.f32 [tilespmem:s21], [sflag:$0x4], $0x80, s13, s19, $0xb8;
	[tilespmem:$0x1E000] =	vst v63  }
0x48f: {  	_ =	swait.ge [sflag:s25], $0x4000  }
0x490: {  	[sflag:s25] =	ssyncset.done $0x0  }
0x491: {  	[sflag:s25] =	ssyncadd.s32 $0xFFFFC000  }
0x492: {  	_ =	swait.ge [sflag:s26], $0x4000  }
0x493: {  	[sflag:s26] =	ssyncset.done $0x0  }
0x494: {  	s14 =	simm.s32 $0x1400;
	[sflag:s26] =	ssyncadd.s32 $0xFFFFC000  }
0x495: {  	[tilespmem:s20], [sflag:$0x1] =	stream.indirect.gather [hbm4b:s5+s19], $0x80, s14, s19, $0xb8;
	[tilespmem:$0x1E000] =	vst v63  }
0x496: {  	s15 =	simm.s32 $0x1480  }
0x497: {  	[tilespmem:s21], [sflag:$0x2] =	stream.indirect.gather [hbm4b:s5+s19], $0x80, s15, s19, $0xb8;
	[tilespmem:$0x1E000] =	vst v63  }
0x498: {  	_ =	swait.ge [sflag:s22], $0x4000  }
0x499: {  	[sflag:s22] =	ssyncset.done $0x0  }
0x49a: {  	s16 =	simm.s32 $0x1C00;
	[sflag:s22] =	ssyncadd.s32 $0xFFFFC000  }
0x49b: {  	[spmem:s2] =	stream.indirect.scatter.add.f32 [tilespmem:s20], [sflag:$0x3], $0x80, s16, s19, $0xb8;
	[tilespmem:$0x1E000] =	vst v63  }
0x49c: {  	_ =	swait.ge [sflag:s23], $0x4000  }
0x49d: {  	[sflag:s23] =	ssyncset.done $0x0  }
0x49e: {  	s24 =	simm.s32 $0x1C80;
	[sflag:s23] =	ssyncadd.s32 $0xFFFFC000  }
0x49f: {  	[spmem:s2] =	stream.indirect.scatter.add.f32 [tilespmem:s21], [sflag:$0x4], $0x80, s24, s19, $0xb8;
	[tilespmem:$0x1E000] =	vst v63  }
0x4a0: {  	_ =	swait.ge [sflag:s25], $0x4000  }
0x4a1: {  	[sflag:s25] =	ssyncset.done $0x0  }
0x4a2: {  	[sflag:s25] =	ssyncadd.s32 $0xFFFFC000  }
0x4a3: {  	_ =	swait.ge [sflag:s26], $0x4000  }
0x4a4: {  	[sflag:s26] =	ssyncset.done $0x0  }
0x4a5: {  	s1 =	simm.s32 $0x1500;
	[sflag:s26] =	ssyncadd.s32 $0xFFFFC000  }
0x4a6: {  	[tilespmem:s20], [sflag:$0x1] =	stream.indirect.gather [hbm4b:s5+s19], $0x80, s1, s19, $0xb8;
	[tilespmem:$0x1E000] =	vst v63  }
0x4a7: {  	s6 =	simm.s32 $0x1580  }
0x4a8: {  	[tilespmem:s21], [sflag:$0x2] =	stream.indirect.gather [hbm4b:s5+s19], $0x80, s6, s19, $0xb8;
	[tilespmem:$0x1E000] =	vst v63  }
0x4a9: {  	_ =	swait.ge [sflag:s22], $0x4000  }
0x4aa: {  	[sflag:s22] =	ssyncset.done $0x0  }
0x4ab: {  	s7 =	simm.s32 $0x1D00;
	[sflag:s22] =	ssyncadd.s32 $0xFFFFC000  }
0x4ac: {  	[spmem:s2] =	stream.indirect.scatter.add.f32 [tilespmem:s20], [sflag:$0x3], $0x80, s7, s19, $0xb8;
	[tilespmem:$0x1E000] =	vst v63  }
0x4ad: {  	_ =	swait.ge [sflag:s23], $0x4000  }
0x4ae: {  	[sflag:s23] =	ssyncset.done $0x0  }
0x4af: {  	s8 =	simm.s32 $0x1D80;
	[sflag:s23] =	ssyncadd.s32 $0xFFFFC000  }
0x4b0: {  	[spmem:s2] =	stream.indirect.scatter.add.f32 [tilespmem:s21], [sflag:$0x4], $0x80, s8, s19, $0xb8;
	[tilespmem:$0x1E000] =	vst v63  }
0x4b1: {  	_ =	swait.ge [sflag:s25], $0x4000  }
0x4b2: {  	[sflag:s25] =	ssyncset.done $0x0  }
0x4b3: {  	[sflag:s25] =	ssyncadd.s32 $0xFFFFC000  }
0x4b4: {  	_ =	swait.ge [sflag:s26], $0x4000  }
0x4b5: {  	[sflag:s26] =	ssyncset.done $0x0  }
0x4b6: {  	s9 =	simm.s32 $0x1600;
	[sflag:s26] =	ssyncadd.s32 $0xFFFFC000  }
0x4b7: {  	[tilespmem:s20], [sflag:$0x1] =	stream.indirect.gather [hbm4b:s5+s19], $0x80, s9, s19, $0xb8;
	[tilespmem:$0x1E000] =	vst v63  }
0x4b8: {  	s10 =	simm.s32 $0x1680  }
0x4b9: {  	[tilespmem:s21], [sflag:$0x2] =	stream.indirect.gather [hbm4b:s5+s19], $0x80, s10, s19, $0xb8;
	[tilespmem:$0x1E000] =	vst v63  }
0x4ba: {  	_ =	swait.ge [sflag:s22], $0x4000  }
0x4bb: {  	[sflag:s22] =	ssyncset.done $0x0  }
0x4bc: {  	s13 =	simm.s32 $0x1E00;
	[sflag:s22] =	ssyncadd.s32 $0xFFFFC000  }
0x4bd: {  	[spmem:s2] =	stream.indirect.scatter.add.f32 [tilespmem:s20], [sflag:$0x3], $0x80, s13, s19, $0xb8;
	[tilespmem:$0x1E000] =	vst v63  }
0x4be: {  	_ =	swait.ge [sflag:s23], $0x4000  }
0x4bf: {  	[sflag:s23] =	ssyncset.done $0x0  }
0x4c0: {  	s14 =	simm.s32 $0x1E80;
	[sflag:s23] =	ssyncadd.s32 $0xFFFFC000  }
0x4c1: {  	[spmem:s2] =	stream.indirect.scatter.add.f32 [tilespmem:s21], [sflag:$0x4], $0x80, s14, s19, $0xb8;
	[tilespmem:$0x1E000] =	vst v63  }
0x4c2: {  	_ =	swait.ge [sflag:s25], $0x4000  }
0x4c3: {  	[sflag:s25] =	ssyncset.done $0x0  }
0x4c4: {  	[sflag:s25] =	ssyncadd.s32 $0xFFFFC000  }
0x4c5: {  	s29 =	simm.s32 $0x880;
	_ =	swait.ge [sflag:s26], $0x4000  }
0x4c6: {  	p2 =	por $0x0, $0x0;
	s0 =	simm.s32 $0x100;
	[sflag:s26] =	ssyncset.done $0x0  }
0x4c7: {  	p1 =	por p2, p2;
	s15 =	simm.s32 $0x1700;
	[sflag:s26] =	ssyncadd.s32 $0xFFFFC000  }
0x4c8: {  	[tilespmem:s20], [sflag:$0x1] =	stream.indirect.gather [hbm4b:s5+s19], $0x80, s15, s19, $0xb8;
	[tilespmem:$0x1E000] =	vst v63  }
0x4c9: {  	s16 =	simm.s32 $0x1780;
	s24 =	simm.s32 $0x1F00;
	s1 =	simm.s32 $0x180  }
0x4ca: {  	[tilespmem:s21], [sflag:$0x2] =	stream.indirect.gather [hbm4b:s5+s19], $0x80, s16, s19, $0xb8;
	[tilespmem:$0x1E000] =	vst v63  }
0x4cb: {  	s6 =	simm.s32 $0x400;
	s7 =	simm.s32 $0x1F80;
	_ =	swait.ge [sflag:s22], $0x4000  }
0x4cc: {  	s8 =	simm.s32 $0x200;
	s9 =	sadd.s32 @!p2 $0x200, s11;
	[sflag:s22] =	ssyncset.done $0x0  }
0x4cd: {  	s9 =	sadd.s32 @!p2 $0x100, s9;
	s10 =	sadd.s32 @!p2 $0x200, s12;
	[sflag:s22] =	ssyncadd.s32 $0xFFFFC000  }
0x4ce: {  	[spmem:s2] =	stream.indirect.scatter.add.f32 [tilespmem:s20], [sflag:$0x3], $0x80, s24, s19, $0xb8;
	[tilespmem:$0x1E000] =	vst v63  }
0x4cf: {  	s9 =	smov.u32 @p2 s17;
	s13 =	sadd.s32 @!p2 $0x100, s10;
	_ =	swait.ge [sflag:s23], $0x4000  }
0x4d0: {  	s13 =	smov.u32 @p2 s18;
	s16 =	simm.s32 @!p1 $0x5;
	[sflag:s23] =	ssyncset.done $0x0  }
.LBB2_3:
0x4d1: {  	p3 =	seq.s32 s6, $0x0  }
0x4d2: {  	[sflag:s23] =	ssyncadd.s32 $0xFFFFC000;
	s10 =	smov.u32 s6;
	s6 =	sadd.s32 $0x200, s6  }
0x4d3: {  	[spmem:s2] =	stream.indirect.scatter.add.f32 [tilespmem:s21], [sflag:$0x4], $0x80, s7, s19, $0xb8;
	[tilespmem:$0x1E000] =	vst v63  }
0x4d4: {  	s14 =	sadd.s32 @!p3 s10, s11  }
0x4d5: {  	s24 =	sadd.s32 @!p3 s10, s12;
	_ =	swait.ge @!p1 [sflag:s16], $0x800;
	s15 =	sadd.s32 @!p3 $0x100, s14  }
0x4d6: {  	s14 =	sadd.s32 @!p3 $0x100, s24;
	s24 =	simm.s32 $0x800;
	[sflag:s16] =	ssyncset.done @!p1 $0x0  }
0x4d7: {  	p2 =	sne.s32 s6, $0xA00;
	s15 =	smov.u32 @p3 s17;
	[sflag:s16] =	ssyncadd.s32 @!p1 $0xFFFFF800  }
0x4d8: {  	s14 =	smov.u32 @p3 s18;
	_ =	swait.ge @!p1 [sflag:s16], $0x800  }
0x4d9: {  	[sflag:s16] =	ssyncset.done @!p1 $0x0  }
0x4da: {  	[sflag:s16] =	ssyncadd.s32 @!p1 $0xFFFFF800;
	s16 =	simm.s32 @!p1 $0x3  }
0x4db: {  	_ =	swait.ge @!p1 [sflag:s16], $0x4000  }
0x4dc: {  	[sflag:s16] =	ssyncset.done @!p1 $0x0  }
0x4dd: {  	[sflag:s16] =	ssyncadd.s32 @!p1 $0xFFFFC000;
	s16 =	simm.s32 @!p1 $0x4  }
0x4de: {  	_ =	swait.ge @!p1 [sflag:s16], $0x4000  }
0x4df: {  	[sflag:s16] =	ssyncset.done @!p1 $0x0  }
0x4e0: {  	[sflag:s16] =	ssyncadd.s32 @!p1 $0xFFFFC000;
	p1 =	por p3, p3  }
0x4e1: {  	[tilespmem:s20], [sflag:$0x1] =	stream.indirect.gather [hbm4b:s5+s19], $0x80, s3, s19, $0xb8;
	[tilespmem:$0x1E000] =	vst v63  }
0x4e2: {  	_ = 	snop  }
0x4e3: {  	[tilespmem:s21], [sflag:$0x2] =	stream.indirect.gather [hbm4b:s5+s19], $0x80, s19, s19, $0xb8;
	[tilespmem:$0x1E000] =	vst v63  }
0x4e4: {  	_ =	swait.ge [sflag:s22], $0x4000  }
0x4e5: {  	[sflag:s22] =	ssyncset.done $0x0  }
0x4e6: {  	[sflag:s22] =	ssyncadd.s32 $0xFFFFC000  }
0x4e7: {  	[spmem:s2] =	stream.indirect.scatter.add.f32 [tilespmem:s20], [sflag:$0x3], $0x80, s24, s19, $0xb8;
	[tilespmem:$0x1E000] =	vst v63  }
0x4e8: {  	_ =	swait.ge [sflag:s23], $0x4000  }
0x4e9: {  	[sflag:s23] =	ssyncset.done $0x0  }
0x4ea: {  	[sflag:s23] =	ssyncadd.s32 $0xFFFFC000  }
0x4eb: {  	[spmem:s2] =	stream.indirect.scatter.add.f32 [tilespmem:s21], [sflag:$0x4], $0x80, s29, s19, $0xb8;
	[tilespmem:$0x1E000] =	vst v63  }
0x4ec: {  	_ =	swait.ge [sflag:s25], $0x4000  }
0x4ed: {  	[sflag:s25] =	ssyncset.done $0x0  }
0x4ee: {  	[sflag:s25] =	ssyncadd.s32 $0xFFFFC000  }
0x4ef: {  	_ =	swait.ge [sflag:s26], $0x4000  }
0x4f0: {  	[sflag:s26] =	ssyncset.done $0x0  }
0x4f1: {  	[sflag:s26] =	ssyncadd.s32 $0xFFFFC000  }
0x4f2: {  	[tilespmem:s20], [sflag:$0x1] =	stream.indirect.gather [hbm4b:s5+s19], $0x80, s0, s19, $0xb8;
	[tilespmem:$0x1E000] =	vst v63  }
0x4f3: {  	_ = 	snop  }
0x4f4: {  	[tilespmem:s21], [sflag:$0x2] =	stream.indirect.gather [hbm4b:s5+s19], $0x80, s1, s19, $0xb8;
	[tilespmem:$0x1E000] =	vst v63  }
0x4f5: {  	_ = 	snop  }
0x4f6: {  	[tilespmem:s30], [sflag:$0x6] =	stream.linear.gather [hbm4b:s9+s3], $0x800, $0x38;
	[tilespmem:$0x1E000] =	vst v63  }
0x4f7: {  	s9 =	smov.u32 s15  }
0x4f8: {  	[tilespmem:s31], [sflag:$0x6] =	stream.linear.gather [hbm4b:s13+s3], $0x800, $0x38;
	[tilespmem:$0x1E000] =	vst v63  }
0x4f9: {  	s13 =	smov.u32 s14;
	_ =	swait.ge [sflag:s22], $0x4000  }
0x4fa: {  	[sflag:s22] =	ssyncset.done $0x0  }
0x4fb: {  	s14 =	simm.s32 $0x900;
	[sflag:s22] =	ssyncadd.s32 $0xFFFFC000  }
0x4fc: {  	[spmem:s2] =	stream.indirect.scatter.add.f32 [tilespmem:s20], [sflag:$0x3], $0x80, s14, s19, $0xb8;
	[tilespmem:$0x1E000] =	vst v63  }
0x4fd: {  	_ =	swait.ge [sflag:s23], $0x4000  }
0x4fe: {  	[sflag:s23] =	ssyncset.done $0x0  }
0x4ff: {  	s14 =	simm.s32 $0x980;
	[sflag:s23] =	ssyncadd.s32 $0xFFFFC000  }
0x500: {  	[spmem:s2] =	stream.indirect.scatter.add.f32 [tilespmem:s21], [sflag:$0x4], $0x80, s14, s19, $0xb8;
	[tilespmem:$0x1E000] =	vst v63  }
0x501: {  	_ =	swait.ge [sflag:s25], $0x4000  }
0x502: {  	[sflag:s25] =	ssyncset.done $0x0  }
0x503: {  	[sflag:s25] =	ssyncadd.s32 $0xFFFFC000  }
0x504: {  	_ =	swait.ge [sflag:s26], $0x4000  }
0x505: {  	[sflag:s26] =	ssyncset.done $0x0  }
0x506: {  	s14 =	simm.s32 $0x200;
	[sflag:s26] =	ssyncadd.s32 $0xFFFFC000  }
0x507: {  	[tilespmem:s20], [sflag:$0x1] =	stream.indirect.gather [hbm4b:s5+s19], $0x80, s14, s19, $0xb8;
	[tilespmem:$0x1E000] =	vst v63  }
0x508: {  	s14 =	simm.s32 $0x280  }
0x509: {  	[tilespmem:s21], [sflag:$0x2] =	stream.indirect.gather [hbm4b:s5+s19], $0x80, s14, s19, $0xb8;
	[tilespmem:$0x1E000] =	vst v63  }
0x50a: {  	_ =	swait.ge [sflag:s22], $0x4000  }
0x50b: {  	[sflag:s22] =	ssyncset.done $0x0  }
0x50c: {  	s14 =	simm.s32 $0xA00;
	[sflag:s22] =	ssyncadd.s32 $0xFFFFC000  }
0x50d: {  	[spmem:s2] =	stream.indirect.scatter.add.f32 [tilespmem:s20], [sflag:$0x3], $0x80, s14, s19, $0xb8;
	[tilespmem:$0x1E000] =	vst v63  }
0x50e: {  	_ =	swait.ge [sflag:s23], $0x4000  }
0x50f: {  	[sflag:s23] =	ssyncset.done $0x0  }
0x510: {  	s14 =	simm.s32 $0xA80;
	[sflag:s23] =	ssyncadd.s32 $0xFFFFC000  }
0x511: {  	[spmem:s2] =	stream.indirect.scatter.add.f32 [tilespmem:s21], [sflag:$0x4], $0x80, s14, s19, $0xb8;
	[tilespmem:$0x1E000] =	vst v63  }
0x512: {  	_ =	swait.ge [sflag:s25], $0x4000  }
0x513: {  	[sflag:s25] =	ssyncset.done $0x0  }
0x514: {  	[sflag:s25] =	ssyncadd.s32 $0xFFFFC000  }
0x515: {  	_ =	swait.ge [sflag:s26], $0x4000  }
0x516: {  	[sflag:s26] =	ssyncset.done $0x0  }
0x517: {  	s14 =	simm.s32 $0x300;
	[sflag:s26] =	ssyncadd.s32 $0xFFFFC000  }
0x518: {  	[tilespmem:s20], [sflag:$0x1] =	stream.indirect.gather [hbm4b:s5+s19], $0x80, s14, s19, $0xb8;
	[tilespmem:$0x1E000] =	vst v63  }
0x519: {  	s14 =	simm.s32 $0x380  }
0x51a: {  	[tilespmem:s21], [sflag:$0x2] =	stream.indirect.gather [hbm4b:s5+s19], $0x80, s14, s19, $0xb8;
	[tilespmem:$0x1E000] =	vst v63  }
0x51b: {  	_ =	swait.ge [sflag:s22], $0x4000  }
0x51c: {  	[sflag:s22] =	ssyncset.done $0x0  }
0x51d: {  	s14 =	simm.s32 $0xB00;
	[sflag:s22] =	ssyncadd.s32 $0xFFFFC000  }
0x51e: {  	[spmem:s2] =	stream.indirect.scatter.add.f32 [tilespmem:s20], [sflag:$0x3], $0x80, s14, s19, $0xb8;
	[tilespmem:$0x1E000] =	vst v63  }
0x51f: {  	_ =	swait.ge [sflag:s23], $0x4000  }
0x520: {  	[sflag:s23] =	ssyncset.done $0x0  }
0x521: {  	s14 =	simm.s32 $0xB80;
	[sflag:s23] =	ssyncadd.s32 $0xFFFFC000  }
0x522: {  	[spmem:s2] =	stream.indirect.scatter.add.f32 [tilespmem:s21], [sflag:$0x4], $0x80, s14, s19, $0xb8;
	[tilespmem:$0x1E000] =	vst v63  }
0x523: {  	_ =	swait.ge [sflag:s25], $0x4000  }
0x524: {  	[sflag:s25] =	ssyncset.done $0x0  }
0x525: {  	[sflag:s25] =	ssyncadd.s32 $0xFFFFC000  }
0x526: {  	_ =	swait.ge [sflag:s26], $0x4000  }
0x527: {  	[sflag:s26] =	ssyncset.done $0x0  }
0x528: {  	s14 =	simm.s32 $0x400;
	[sflag:s26] =	ssyncadd.s32 $0xFFFFC000  }
0x529: {  	[tilespmem:s20], [sflag:$0x1] =	stream.indirect.gather [hbm4b:s5+s19], $0x80, s14, s19, $0xb8;
	[tilespmem:$0x1E000] =	vst v63  }
0x52a: {  	s14 =	simm.s32 $0x480  }
0x52b: {  	[tilespmem:s21], [sflag:$0x2] =	stream.indirect.gather [hbm4b:s5+s19], $0x80, s14, s19, $0xb8;
	[tilespmem:$0x1E000] =	vst v63  }
0x52c: {  	_ =	swait.ge [sflag:s22], $0x4000  }
0x52d: {  	[sflag:s22] =	ssyncset.done $0x0  }
0x52e: {  	s14 =	simm.s32 $0xC00;
	[sflag:s22] =	ssyncadd.s32 $0xFFFFC000  }
0x52f: {  	[spmem:s2] =	stream.indirect.scatter.add.f32 [tilespmem:s20], [sflag:$0x3], $0x80, s14, s19, $0xb8;
	[tilespmem:$0x1E000] =	vst v63  }
0x530: {  	_ =	swait.ge [sflag:s23], $0x4000  }
0x531: {  	[sflag:s23] =	ssyncset.done $0x0  }
0x532: {  	s14 =	simm.s32 $0xC80;
	[sflag:s23] =	ssyncadd.s32 $0xFFFFC000  }
0x533: {  	[spmem:s2] =	stream.indirect.scatter.add.f32 [tilespmem:s21], [sflag:$0x4], $0x80, s14, s19, $0xb8;
	[tilespmem:$0x1E000] =	vst v63  }
0x534: {  	_ =	swait.ge [sflag:s25], $0x4000  }
0x535: {  	[sflag:s25] =	ssyncset.done $0x0  }
0x536: {  	[sflag:s25] =	ssyncadd.s32 $0xFFFFC000  }
0x537: {  	_ =	swait.ge [sflag:s26], $0x4000  }
0x538: {  	[sflag:s26] =	ssyncset.done $0x0  }
0x539: {  	s14 =	simm.s32 $0x500;
	[sflag:s26] =	ssyncadd.s32 $0xFFFFC000  }
0x53a: {  	[tilespmem:s20], [sflag:$0x1] =	stream.indirect.gather [hbm4b:s5+s19], $0x80, s14, s19, $0xb8;
	[tilespmem:$0x1E000] =	vst v63  }
0x53b: {  	s14 =	simm.s32 $0x580  }
0x53c: {  	[tilespmem:s21], [sflag:$0x2] =	stream.indirect.gather [hbm4b:s5+s19], $0x80, s14, s19, $0xb8;
	[tilespmem:$0x1E000] =	vst v63  }
0x53d: {  	_ =	swait.ge [sflag:s22], $0x4000  }
0x53e: {  	[sflag:s22] =	ssyncset.done $0x0  }
0x53f: {  	s14 =	simm.s32 $0xD00;
	[sflag:s22] =	ssyncadd.s32 $0xFFFFC000  }
0x540: {  	[spmem:s2] =	stream.indirect.scatter.add.f32 [tilespmem:s20], [sflag:$0x3], $0x80, s14, s19, $0xb8;
	[tilespmem:$0x1E000] =	vst v63  }
0x541: {  	_ =	swait.ge [sflag:s23], $0x4000  }
0x542: {  	[sflag:s23] =	ssyncset.done $0x0  }
0x543: {  	s14 =	simm.s32 $0xD80;
	[sflag:s23] =	ssyncadd.s32 $0xFFFFC000  }
0x544: {  	[spmem:s2] =	stream.indirect.scatter.add.f32 [tilespmem:s21], [sflag:$0x4], $0x80, s14, s19, $0xb8;
	[tilespmem:$0x1E000] =	vst v63  }
0x545: {  	_ =	swait.ge [sflag:s25], $0x4000  }
0x546: {  	[sflag:s25] =	ssyncset.done $0x0  }
0x547: {  	[sflag:s25] =	ssyncadd.s32 $0xFFFFC000  }
0x548: {  	_ =	swait.ge [sflag:s26], $0x4000  }
0x549: {  	[sflag:s26] =	ssyncset.done $0x0  }
0x54a: {  	s14 =	simm.s32 $0x600;
	[sflag:s26] =	ssyncadd.s32 $0xFFFFC000  }
0x54b: {  	[tilespmem:s20], [sflag:$0x1] =	stream.indirect.gather [hbm4b:s5+s19], $0x80, s14, s19, $0xb8;
	[tilespmem:$0x1E000] =	vst v63  }
0x54c: {  	s14 =	simm.s32 $0x680  }
0x54d: {  	[tilespmem:s21], [sflag:$0x2] =	stream.indirect.gather [hbm4b:s5+s19], $0x80, s14, s19, $0xb8;
	[tilespmem:$0x1E000] =	vst v63  }
0x54e: {  	_ =	swait.ge [sflag:s22], $0x4000  }
0x54f: {  	[sflag:s22] =	ssyncset.done $0x0  }
0x550: {  	s14 =	simm.s32 $0xE00;
	[sflag:s22] =	ssyncadd.s32 $0xFFFFC000  }
0x551: {  	[spmem:s2] =	stream.indirect.scatter.add.f32 [tilespmem:s20], [sflag:$0x3], $0x80, s14, s19, $0xb8;
	[tilespmem:$0x1E000] =	vst v63  }
0x552: {  	_ =	swait.ge [sflag:s23], $0x4000  }
0x553: {  	[sflag:s23] =	ssyncset.done $0x0  }
0x554: {  	s14 =	simm.s32 $0xE80;
	[sflag:s23] =	ssyncadd.s32 $0xFFFFC000  }
0x555: {  	[spmem:s2] =	stream.indirect.scatter.add.f32 [tilespmem:s21], [sflag:$0x4], $0x80, s14, s19, $0xb8;
	[tilespmem:$0x1E000] =	vst v63  }
0x556: {  	_ =	swait.ge [sflag:s25], $0x4000  }
0x557: {  	[sflag:s25] =	ssyncset.done $0x0  }
0x558: {  	[sflag:s25] =	ssyncadd.s32 $0xFFFFC000  }
0x559: {  	_ =	swait.ge [sflag:s26], $0x4000  }
0x55a: {  	[sflag:s26] =	ssyncset.done $0x0  }
0x55b: {  	s14 =	simm.s32 $0x700;
	[sflag:s26] =	ssyncadd.s32 $0xFFFFC000  }
0x55c: {  	[tilespmem:s20], [sflag:$0x1] =	stream.indirect.gather [hbm4b:s5+s19], $0x80, s14, s19, $0xb8;
	[tilespmem:$0x1E000] =	vst v63  }
0x55d: {  	s14 =	simm.s32 $0x780  }
0x55e: {  	[tilespmem:s21], [sflag:$0x2] =	stream.indirect.gather [hbm4b:s5+s19], $0x80, s14, s19, $0xb8;
	[tilespmem:$0x1E000] =	vst v63  }
0x55f: {  	_ =	swait.ge [sflag:s22], $0x4000  }
0x560: {  	[sflag:s22] =	ssyncset.done $0x0  }
0x561: {  	s14 =	simm.s32 $0xF00;
	[sflag:s22] =	ssyncadd.s32 $0xFFFFC000  }
0x562: {  	[spmem:s2] =	stream.indirect.scatter.add.f32 [tilespmem:s20], [sflag:$0x3], $0x80, s14, s19, $0xb8;
	[tilespmem:$0x1E000] =	vst v63  }
0x563: {  	_ =	swait.ge [sflag:s23], $0x4000  }
0x564: {  	[sflag:s23] =	ssyncset.done $0x0  }
0x565: {  	s14 =	simm.s32 $0xF80;
	[sflag:s23] =	ssyncadd.s32 $0xFFFFC000  }
0x566: {  	[spmem:s2] =	stream.indirect.scatter.add.f32 [tilespmem:s21], [sflag:$0x4], $0x80, s14, s19, $0xb8;
	[tilespmem:$0x1E000] =	vst v63  }
0x567: {  	_ =	swait.ge [sflag:s28], $0x800  }
0x568: {  	[sflag:s28] =	ssyncset.done $0x0  }
0x569: {  	[sflag:s28] =	ssyncadd.s32 $0xFFFFF800  }
0x56a: {  	_ =	swait.ge [sflag:s28], $0x800  }
0x56b: {  	[sflag:s28] =	ssyncset.done $0x0  }
0x56c: {  	[sflag:s28] =	ssyncadd.s32 $0xFFFFF800  }
0x56d: {  	_ =	swait.ge [sflag:s25], $0x4000  }
0x56e: {  	[sflag:s25] =	ssyncset.done $0x0  }
0x56f: {  	[sflag:s25] =	ssyncadd.s32 $0xFFFFC000  }
0x570: {  	_ =	swait.ge [sflag:s26], $0x4000  }
0x571: {  	[sflag:s26] =	ssyncset.done $0x0  }
0x572: {  	[sflag:s26] =	ssyncadd.s32 $0xFFFFC000  }
0x573: {  	[tilespmem:s20], [sflag:$0x1] =	stream.indirect.gather [hbm4b:s5+s19], $0x80, s30, s19, $0xb8;
	[tilespmem:$0x1E000] =	vst v63  }
0x574: {  	s14 =	simm.s32 $0x1080  }
0x575: {  	[tilespmem:s21], [sflag:$0x2] =	stream.indirect.gather [hbm4b:s5+s19], $0x80, s14, s19, $0xb8;
	[tilespmem:$0x1E000] =	vst v63  }
0x576: {  	_ =	swait.ge [sflag:s22], $0x4000  }
0x577: {  	[sflag:s22] =	ssyncset.done $0x0  }
0x578: {  	[sflag:s22] =	ssyncadd.s32 $0xFFFFC000  }
0x579: {  	[spmem:s2] =	stream.indirect.scatter.add.f32 [tilespmem:s20], [sflag:$0x3], $0x80, s31, s19, $0xb8;
	[tilespmem:$0x1E000] =	vst v63  }
0x57a: {  	_ =	swait.ge [sflag:s23], $0x4000  }
0x57b: {  	[sflag:s23] =	ssyncset.done $0x0  }
0x57c: {  	s14 =	simm.s32 $0x1880;
	[sflag:s23] =	ssyncadd.s32 $0xFFFFC000  }
0x57d: {  	[spmem:s2] =	stream.indirect.scatter.add.f32 [tilespmem:s21], [sflag:$0x4], $0x80, s14, s19, $0xb8;
	[tilespmem:$0x1E000] =	vst v63  }
0x57e: {  	_ =	swait.ge [sflag:s25], $0x4000  }
0x57f: {  	[sflag:s25] =	ssyncset.done $0x0  }
0x580: {  	[sflag:s25] =	ssyncadd.s32 $0xFFFFC000  }
0x581: {  	_ =	swait.ge [sflag:s26], $0x4000  }
0x582: {  	[sflag:s26] =	ssyncset.done $0x0  }
0x583: {  	s14 =	simm.s32 $0x1100;
	[sflag:s26] =	ssyncadd.s32 $0xFFFFC000  }
0x584: {  	[tilespmem:s20], [sflag:$0x1] =	stream.indirect.gather [hbm4b:s5+s19], $0x80, s14, s19, $0xb8;
	[tilespmem:$0x1E000] =	vst v63  }
0x585: {  	p3 =	seq.s32 s8, $0x800;
	s14 =	simm.s32 $0x1180  }
0x586: {  	[tilespmem:s21], [sflag:$0x2] =	stream.indirect.gather [hbm4b:s5+s19], $0x80, s14, s19, $0xb8;
	[tilespmem:$0x1E000] =	vst v63  }
0x587: {  	s15 =	simm.s32 @!p3 $0x0;
	s14 =	sadd.s32 @!p3 s8, s12;
	s8 =	sadd.s32 @!p3 s8, s11  }
0x588: {  	s16 =	simm.s32 @!p3 $0x800;
	s14 =	sadd.s32 @!p3 $0x200, s14;
	s8 =	sadd.s32 @!p3 $0x200, s8  }
0x589: {  	[tilespmem:s15], [sflag:$0x5] =	stream.linear.gather @!p3 [hbm4b:s8+s15], $0x800, $0x38;
	[tilespmem:$0x1E000] =	vst v63  }
0x58a: {  	s8 =	smov.u32 s10  }
0x58b: {  	[tilespmem:s16], [sflag:$0x5] =	stream.linear.gather @!p3 [hbm4b:s14+s15], $0x800, $0x38;
	[tilespmem:$0x1E000] =	vst v63  }
0x58c: {  	s10 =	simm.s32 $0x1900;
	s15 =	simm.s32 $0x1200;
	s14 =	simm.s32 $0x1980  }
0x58d: {  	_ =	swait.ge [sflag:s22], $0x4000  }
0x58e: {  	[sflag:s22] =	ssyncset.done $0x0  }
0x58f: {  	[sflag:s22] =	ssyncadd.s32 $0xFFFFC000  }
0x590: {  	[spmem:s2] =	stream.indirect.scatter.add.f32 [tilespmem:s20], [sflag:$0x3], $0x80, s10, s19, $0xb8;
	[tilespmem:$0x1E000] =	vst v63  }
0x591: {  	_ =	swait.ge [sflag:s23], $0x4000  }
0x592: {  	[sflag:s23] =	ssyncset.done $0x0  }
0x593: {  	[sflag:s23] =	ssyncadd.s32 $0xFFFFC000  }
0x594: {  	[spmem:s2] =	stream.indirect.scatter.add.f32 [tilespmem:s21], [sflag:$0x4], $0x80, s14, s19, $0xb8;
	[tilespmem:$0x1E000] =	vst v63  }
0x595: {  	_ =	swait.ge [sflag:s25], $0x4000  }
0x596: {  	[sflag:s25] =	ssyncset.done $0x0  }
0x597: {  	[sflag:s25] =	ssyncadd.s32 $0xFFFFC000  }
0x598: {  	_ =	swait.ge [sflag:s26], $0x4000  }
0x599: {  	[sflag:s26] =	ssyncset.done $0x0  }
0x59a: {  	[sflag:s26] =	ssyncadd.s32 $0xFFFFC000  }
0x59b: {  	[tilespmem:s20], [sflag:$0x1] =	stream.indirect.gather [hbm4b:s5+s19], $0x80, s15, s19, $0xb8;
	[tilespmem:$0x1E000] =	vst v63  }
0x59c: {  	s16 =	simm.s32 $0x1280  }
0x59d: {  	[tilespmem:s21], [sflag:$0x2] =	stream.indirect.gather [hbm4b:s5+s19], $0x80, s16, s19, $0xb8;
	[tilespmem:$0x1E000] =	vst v63  }
0x59e: {  	_ =	swait.ge [sflag:s22], $0x4000  }
0x59f: {  	[sflag:s22] =	ssyncset.done $0x0  }
0x5a0: {  	s16 =	simm.s32 $0x1A00;
	[sflag:s22] =	ssyncadd.s32 $0xFFFFC000  }
0x5a1: {  	[spmem:s2] =	stream.indirect.scatter.add.f32 [tilespmem:s20], [sflag:$0x3], $0x80, s16, s19, $0xb8;
	[tilespmem:$0x1E000] =	vst v63  }
0x5a2: {  	_ =	swait.ge [sflag:s23], $0x4000  }
0x5a3: {  	[sflag:s23] =	ssyncset.done $0x0  }
0x5a4: {  	s16 =	simm.s32 $0x1A80;
	[sflag:s23] =	ssyncadd.s32 $0xFFFFC000  }
0x5a5: {  	[spmem:s2] =	stream.indirect.scatter.add.f32 [tilespmem:s21], [sflag:$0x4], $0x80, s16, s19, $0xb8;
	[tilespmem:$0x1E000] =	vst v63  }
0x5a6: {  	_ =	swait.ge [sflag:s25], $0x4000  }
0x5a7: {  	[sflag:s25] =	ssyncset.done $0x0  }
0x5a8: {  	[sflag:s25] =	ssyncadd.s32 $0xFFFFC000  }
0x5a9: {  	_ =	swait.ge [sflag:s26], $0x4000  }
0x5aa: {  	[sflag:s26] =	ssyncset.done $0x0  }
0x5ab: {  	s16 =	simm.s32 $0x1300;
	[sflag:s26] =	ssyncadd.s32 $0xFFFFC000  }
0x5ac: {  	[tilespmem:s20], [sflag:$0x1] =	stream.indirect.gather [hbm4b:s5+s19], $0x80, s16, s19, $0xb8;
	[tilespmem:$0x1E000] =	vst v63  }
0x5ad: {  	s16 =	simm.s32 $0x1380  }
0x5ae: {  	[tilespmem:s21], [sflag:$0x2] =	stream.indirect.gather [hbm4b:s5+s19], $0x80, s16, s19, $0xb8;
	[tilespmem:$0x1E000] =	vst v63  }
0x5af: {  	_ =	swait.ge [sflag:s22], $0x4000  }
0x5b0: {  	[sflag:s22] =	ssyncset.done $0x0  }
0x5b1: {  	s16 =	simm.s32 $0x1B00;
	[sflag:s22] =	ssyncadd.s32 $0xFFFFC000  }
0x5b2: {  	[spmem:s2] =	stream.indirect.scatter.add.f32 [tilespmem:s20], [sflag:$0x3], $0x80, s16, s19, $0xb8;
	[tilespmem:$0x1E000] =	vst v63  }
0x5b3: {  	_ =	swait.ge [sflag:s23], $0x4000  }
0x5b4: {  	[sflag:s23] =	ssyncset.done $0x0  }
0x5b5: {  	s16 =	simm.s32 $0x1B80;
	[sflag:s23] =	ssyncadd.s32 $0xFFFFC000  }
0x5b6: {  	[spmem:s2] =	stream.indirect.scatter.add.f32 [tilespmem:s21], [sflag:$0x4], $0x80, s16, s19, $0xb8;
	[tilespmem:$0x1E000] =	vst v63  }
0x5b7: {  	_ =	swait.ge [sflag:s25], $0x4000  }
0x5b8: {  	[sflag:s25] =	ssyncset.done $0x0  }
0x5b9: {  	[sflag:s25] =	ssyncadd.s32 $0xFFFFC000  }
0x5ba: {  	_ =	swait.ge [sflag:s26], $0x4000  }
0x5bb: {  	[sflag:s26] =	ssyncset.done $0x0  }
0x5bc: {  	s16 =	simm.s32 $0x1400;
	[sflag:s26] =	ssyncadd.s32 $0xFFFFC000  }
0x5bd: {  	[tilespmem:s20], [sflag:$0x1] =	stream.indirect.gather [hbm4b:s5+s19], $0x80, s16, s19, $0xb8;
	[tilespmem:$0x1E000] =	vst v63  }
0x5be: {  	s16 =	simm.s32 $0x1480  }
0x5bf: {  	[tilespmem:s21], [sflag:$0x2] =	stream.indirect.gather [hbm4b:s5+s19], $0x80, s16, s19, $0xb8;
	[tilespmem:$0x1E000] =	vst v63  }
0x5c0: {  	_ =	swait.ge [sflag:s22], $0x4000  }
0x5c1: {  	[sflag:s22] =	ssyncset.done $0x0  }
0x5c2: {  	s16 =	simm.s32 $0x1C00;
	[sflag:s22] =	ssyncadd.s32 $0xFFFFC000  }
0x5c3: {  	[spmem:s2] =	stream.indirect.scatter.add.f32 [tilespmem:s20], [sflag:$0x3], $0x80, s16, s19, $0xb8;
	[tilespmem:$0x1E000] =	vst v63  }
0x5c4: {  	_ =	swait.ge [sflag:s23], $0x4000  }
0x5c5: {  	[sflag:s23] =	ssyncset.done $0x0  }
0x5c6: {  	s16 =	simm.s32 $0x1C80;
	[sflag:s23] =	ssyncadd.s32 $0xFFFFC000  }
0x5c7: {  	[spmem:s2] =	stream.indirect.scatter.add.f32 [tilespmem:s21], [sflag:$0x4], $0x80, s16, s19, $0xb8;
	[tilespmem:$0x1E000] =	vst v63  }
0x5c8: {  	_ =	swait.ge [sflag:s25], $0x4000  }
0x5c9: {  	[sflag:s25] =	ssyncset.done $0x0  }
0x5ca: {  	[sflag:s25] =	ssyncadd.s32 $0xFFFFC000  }
0x5cb: {  	_ =	swait.ge [sflag:s26], $0x4000  }
0x5cc: {  	[sflag:s26] =	ssyncset.done $0x0  }
0x5cd: {  	s16 =	simm.s32 $0x1500;
	[sflag:s26] =	ssyncadd.s32 $0xFFFFC000  }
0x5ce: {  	[tilespmem:s20], [sflag:$0x1] =	stream.indirect.gather [hbm4b:s5+s19], $0x80, s16, s19, $0xb8;
	[tilespmem:$0x1E000] =	vst v63  }
0x5cf: {  	s16 =	simm.s32 $0x1580  }
0x5d0: {  	[tilespmem:s21], [sflag:$0x2] =	stream.indirect.gather [hbm4b:s5+s19], $0x80, s16, s19, $0xb8;
	[tilespmem:$0x1E000] =	vst v63  }
0x5d1: {  	_ =	swait.ge [sflag:s22], $0x4000  }
0x5d2: {  	[sflag:s22] =	ssyncset.done $0x0  }
0x5d3: {  	s16 =	simm.s32 $0x1D00;
	[sflag:s22] =	ssyncadd.s32 $0xFFFFC000  }
0x5d4: {  	[spmem:s2] =	stream.indirect.scatter.add.f32 [tilespmem:s20], [sflag:$0x3], $0x80, s16, s19, $0xb8;
	[tilespmem:$0x1E000] =	vst v63  }
0x5d5: {  	_ =	swait.ge [sflag:s23], $0x4000  }
0x5d6: {  	[sflag:s23] =	ssyncset.done $0x0  }
0x5d7: {  	s16 =	simm.s32 $0x1D80;
	[sflag:s23] =	ssyncadd.s32 $0xFFFFC000  }
0x5d8: {  	[spmem:s2] =	stream.indirect.scatter.add.f32 [tilespmem:s21], [sflag:$0x4], $0x80, s16, s19, $0xb8;
	[tilespmem:$0x1E000] =	vst v63  }
0x5d9: {  	_ =	swait.ge [sflag:s25], $0x4000  }
0x5da: {  	[sflag:s25] =	ssyncset.done $0x0  }
0x5db: {  	[sflag:s25] =	ssyncadd.s32 $0xFFFFC000  }
0x5dc: {  	_ =	swait.ge [sflag:s26], $0x4000  }
0x5dd: {  	[sflag:s26] =	ssyncset.done $0x0  }
0x5de: {  	s16 =	simm.s32 $0x1600;
	[sflag:s26] =	ssyncadd.s32 $0xFFFFC000  }
0x5df: {  	[tilespmem:s20], [sflag:$0x1] =	stream.indirect.gather [hbm4b:s5+s19], $0x80, s16, s19, $0xb8;
	[tilespmem:$0x1E000] =	vst v63  }
0x5e0: {  	s16 =	simm.s32 $0x1680  }
0x5e1: {  	[tilespmem:s21], [sflag:$0x2] =	stream.indirect.gather [hbm4b:s5+s19], $0x80, s16, s19, $0xb8;
	[tilespmem:$0x1E000] =	vst v63  }
0x5e2: {  	_ =	swait.ge [sflag:s22], $0x4000  }
0x5e3: {  	[sflag:s22] =	ssyncset.done $0x0  }
0x5e4: {  	s16 =	simm.s32 $0x1E00;
	[sflag:s22] =	ssyncadd.s32 $0xFFFFC000  }
0x5e5: {  	[spmem:s2] =	stream.indirect.scatter.add.f32 [tilespmem:s20], [sflag:$0x3], $0x80, s16, s19, $0xb8;
	[tilespmem:$0x1E000] =	vst v63  }
0x5e6: {  	_ =	swait.ge [sflag:s23], $0x4000  }
0x5e7: {  	[sflag:s23] =	ssyncset.done $0x0  }
0x5e8: {  	s16 =	simm.s32 $0x1E80;
	[sflag:s23] =	ssyncadd.s32 $0xFFFFC000  }
0x5e9: {  	[spmem:s2] =	stream.indirect.scatter.add.f32 [tilespmem:s21], [sflag:$0x4], $0x80, s16, s19, $0xb8;
	[tilespmem:$0x1E000] =	vst v63  }
0x5ea: {  	_ =	swait.ge [sflag:s25], $0x4000  }
0x5eb: {  	[sflag:s25] =	ssyncset.done $0x0  }
0x5ec: {  	[sflag:s25] =	ssyncadd.s32 $0xFFFFC000  }
0x5ed: {  	_ =	swait.ge [sflag:s26], $0x4000  }
0x5ee: {  	[sflag:s26] =	ssyncset.done $0x0  }
0x5ef: {  	s16 =	simm.s32 $0x1700;
	[sflag:s26] =	ssyncadd.s32 $0xFFFFC000  }
0x5f0: {  	[tilespmem:s20], [sflag:$0x1] =	stream.indirect.gather [hbm4b:s5+s19], $0x80, s16, s19, $0xb8;
	[tilespmem:$0x1E000] =	vst v63  }
0x5f1: {  	s16 =	simm.s32 $0x1780  }
0x5f2: {  	[tilespmem:s21], [sflag:$0x2] =	stream.indirect.gather [hbm4b:s5+s19], $0x80, s16, s19, $0xb8;
	[tilespmem:$0x1E000] =	vst v63  }
0x5f3: {  	_ =	swait.ge [sflag:s22], $0x4000  }
.Ltmp5:
0x5f4: {  	[sflag:s22] =	ssyncset.done $0x0;
	(pc) =	sbr.rel @p2 .LBB2_3-.Ltmp5, $4  }
0x5f5: {  	s16 =	simm.s32 $0x1F00;
	[sflag:s22] =	ssyncadd.s32 $0xFFFFC000  }
0x5f6: {  	[spmem:s2] =	stream.indirect.scatter.add.f32 [tilespmem:s20], [sflag:$0x3], $0x80, s16, s19, $0xb8;
	[tilespmem:$0x1E000] =	vst v63  }
0x5f7: {  	_ =	swait.ge [sflag:s23], $0x4000  }
0x5f8: {  	s16 =	simm.s32 @!p1 $0x5;
	[sflag:s23] =	ssyncset.done $0x0  }
0x5f9: {  	[sflag:s23] =	ssyncadd.s32 $0xFFFFC000;
	s7 =	simm.s32 $0x1F80  }
0x5fa: {  	[spmem:s2] =	stream.indirect.scatter.add.f32 [tilespmem:s21], [sflag:$0x4], $0x80, s7, s19, $0xb8;
	[tilespmem:$0x1E000] =	vst v63  }
0x5fb: {  	_ =	swait.ge @!p1 [sflag:s16], $0x800  }
0x5fc: {  	[sflag:s16] =	ssyncset.done @!p1 $0x0  }
0x5fd: {  	[sflag:s16] =	ssyncadd.s32 @!p1 $0xFFFFF800  }
0x5fe: {  	_ =	swait.ge @!p1 [sflag:s16], $0x800  }
0x5ff: {  	[sflag:s16] =	ssyncset.done @!p1 $0x0  }
0x600: {  	s6 =	simm.s32 @!p1 $0x3;
	[sflag:s16] =	ssyncadd.s32 @!p1 $0xFFFFF800  }
0x601: {  	_ =	swait.ge @!p1 [sflag:s6], $0x4000  }
0x602: {  	[sflag:s6] =	ssyncset.done @!p1 $0x0  }
0x603: {  	[sflag:s6] =	ssyncadd.s32 @!p1 $0xFFFFC000;
	s6 =	simm.s32 @!p1 $0x4  }
0x604: {  	_ =	swait.ge @!p1 [sflag:s6], $0x4000  }
0x605: {  	[sflag:s6] =	ssyncset.done @!p1 $0x0  }
0x606: {  	[sflag:s6] =	ssyncadd.s32 @!p1 $0xFFFFC000  }
0x607: {  	[tilespmem:s20], [sflag:$0x1] =	stream.indirect.gather [hbm4b:s5+s19], $0x80, s3, s19, $0xb8;
	[tilespmem:$0x1E000] =	vst v63  }
0x608: {  	_ = 	snop  }
0x609: {  	[tilespmem:s21], [sflag:$0x2] =	stream.indirect.gather [hbm4b:s5+s19], $0x80, s19, s19, $0xb8;
	[tilespmem:$0x1E000] =	vst v63  }
0x60a: {  	_ =	swait.ge [sflag:s22], $0x4000  }
0x60b: {  	[sflag:s22] =	ssyncset.done $0x0  }
0x60c: {  	[sflag:s22] =	ssyncadd.s32 $0xFFFFC000  }
0x60d: {  	[spmem:s2] =	stream.indirect.scatter.add.f32 [tilespmem:s20], [sflag:$0x3], $0x80, s24, s19, $0xb8;
	[tilespmem:$0x1E000] =	vst v63  }
0x60e: {  	_ =	swait.ge [sflag:s23], $0x4000  }
0x60f: {  	[sflag:s23] =	ssyncset.done $0x0  }
0x610: {  	[sflag:s23] =	ssyncadd.s32 $0xFFFFC000  }
0x611: {  	[spmem:s2] =	stream.indirect.scatter.add.f32 [tilespmem:s21], [sflag:$0x4], $0x80, s29, s19, $0xb8;
	[tilespmem:$0x1E000] =	vst v63  }
0x612: {  	_ =	swait.ge [sflag:s25], $0x4000  }
0x613: {  	[sflag:s25] =	ssyncset.done $0x0  }
0x614: {  	[sflag:s25] =	ssyncadd.s32 $0xFFFFC000  }
0x615: {  	_ =	swait.ge [sflag:s26], $0x4000  }
0x616: {  	[sflag:s26] =	ssyncset.done $0x0  }
0x617: {  	[sflag:s26] =	ssyncadd.s32 $0xFFFFC000  }
0x618: {  	[tilespmem:s20], [sflag:$0x1] =	stream.indirect.gather [hbm4b:s5+s19], $0x80, s0, s19, $0xb8;
	[tilespmem:$0x1E000] =	vst v63  }
0x619: {  	_ = 	snop  }
0x61a: {  	[tilespmem:s21], [sflag:$0x2] =	stream.indirect.gather [hbm4b:s5+s19], $0x80, s1, s19, $0xb8;
	[tilespmem:$0x1E000] =	vst v63  }
0x61b: {  	_ = 	snop  }
0x61c: {  	[tilespmem:s30], [sflag:$0x6] =	stream.linear.gather [hbm4b:s9+s3], $0x800, $0x38;
	[tilespmem:$0x1E000] =	vst v63  }
0x61d: {  	_ = 	snop  }
0x61e: {  	[tilespmem:s31], [sflag:$0x6] =	stream.linear.gather [hbm4b:s13+s3], $0x800, $0x38;
	[tilespmem:$0x1E000] =	vst v63  }
0x61f: {  	_ =	swait.ge [sflag:s22], $0x4000  }
0x620: {  	[sflag:s22] =	ssyncset.done $0x0  }
0x621: {  	s13 =	simm.s32 $0x900;
	[sflag:s22] =	ssyncadd.s32 $0xFFFFC000  }
0x622: {  	[spmem:s2] =	stream.indirect.scatter.add.f32 [tilespmem:s20], [sflag:$0x3], $0x80, s13, s19, $0xb8;
	[tilespmem:$0x1E000] =	vst v63  }
0x623: {  	_ =	swait.ge [sflag:s23], $0x4000  }
0x624: {  	[sflag:s23] =	ssyncset.done $0x0  }
0x625: {  	s16 =	simm.s32 $0x980;
	[sflag:s23] =	ssyncadd.s32 $0xFFFFC000  }
0x626: {  	[spmem:s2] =	stream.indirect.scatter.add.f32 [tilespmem:s21], [sflag:$0x4], $0x80, s16, s19, $0xb8;
	[tilespmem:$0x1E000] =	vst v63  }
0x627: {  	_ =	swait.ge [sflag:s25], $0x4000  }
0x628: {  	[sflag:s25] =	ssyncset.done $0x0  }
0x629: {  	[sflag:s25] =	ssyncadd.s32 $0xFFFFC000  }
0x62a: {  	_ =	swait.ge [sflag:s26], $0x4000  }
0x62b: {  	[sflag:s26] =	ssyncset.done $0x0  }
0x62c: {  	s1 =	simm.s32 $0x200;
	[sflag:s26] =	ssyncadd.s32 $0xFFFFC000  }
0x62d: {  	[tilespmem:s20], [sflag:$0x1] =	stream.indirect.gather [hbm4b:s5+s19], $0x80, s1, s19, $0xb8;
	[tilespmem:$0x1E000] =	vst v63  }
0x62e: {  	s6 =	simm.s32 $0x280  }
0x62f: {  	[tilespmem:s21], [sflag:$0x2] =	stream.indirect.gather [hbm4b:s5+s19], $0x80, s6, s19, $0xb8;
	[tilespmem:$0x1E000] =	vst v63  }
0x630: {  	_ =	swait.ge [sflag:s22], $0x4000  }
0x631: {  	[sflag:s22] =	ssyncset.done $0x0  }
0x632: {  	s9 =	simm.s32 $0xA00;
	[sflag:s22] =	ssyncadd.s32 $0xFFFFC000  }
0x633: {  	[spmem:s2] =	stream.indirect.scatter.add.f32 [tilespmem:s20], [sflag:$0x3], $0x80, s9, s19, $0xb8;
	[tilespmem:$0x1E000] =	vst v63  }
0x634: {  	_ =	swait.ge [sflag:s23], $0x4000  }
0x635: {  	[sflag:s23] =	ssyncset.done $0x0  }
0x636: {  	s13 =	simm.s32 $0xA80;
	[sflag:s23] =	ssyncadd.s32 $0xFFFFC000  }
0x637: {  	[spmem:s2] =	stream.indirect.scatter.add.f32 [tilespmem:s21], [sflag:$0x4], $0x80, s13, s19, $0xb8;
	[tilespmem:$0x1E000] =	vst v63  }
0x638: {  	_ =	swait.ge [sflag:s25], $0x4000  }
0x639: {  	[sflag:s25] =	ssyncset.done $0x0  }
0x63a: {  	[sflag:s25] =	ssyncadd.s32 $0xFFFFC000  }
0x63b: {  	_ =	swait.ge [sflag:s26], $0x4000  }
0x63c: {  	[sflag:s26] =	ssyncset.done $0x0  }
0x63d: {  	s16 =	simm.s32 $0x300;
	[sflag:s26] =	ssyncadd.s32 $0xFFFFC000  }
0x63e: {  	[tilespmem:s20], [sflag:$0x1] =	stream.indirect.gather [hbm4b:s5+s19], $0x80, s16, s19, $0xb8;
	[tilespmem:$0x1E000] =	vst v63  }
0x63f: {  	s1 =	simm.s32 $0x380  }
0x640: {  	[tilespmem:s21], [sflag:$0x2] =	stream.indirect.gather [hbm4b:s5+s19], $0x80, s1, s19, $0xb8;
	[tilespmem:$0x1E000] =	vst v63  }
0x641: {  	_ =	swait.ge [sflag:s22], $0x4000  }
0x642: {  	[sflag:s22] =	ssyncset.done $0x0  }
0x643: {  	s6 =	simm.s32 $0xB00;
	[sflag:s22] =	ssyncadd.s32 $0xFFFFC000  }
0x644: {  	[spmem:s2] =	stream.indirect.scatter.add.f32 [tilespmem:s20], [sflag:$0x3], $0x80, s6, s19, $0xb8;
	[tilespmem:$0x1E000] =	vst v63  }
0x645: {  	_ =	swait.ge [sflag:s23], $0x4000  }
0x646: {  	[sflag:s23] =	ssyncset.done $0x0  }
0x647: {  	s9 =	simm.s32 $0xB80;
	[sflag:s23] =	ssyncadd.s32 $0xFFFFC000  }
0x648: {  	[spmem:s2] =	stream.indirect.scatter.add.f32 [tilespmem:s21], [sflag:$0x4], $0x80, s9, s19, $0xb8;
	[tilespmem:$0x1E000] =	vst v63  }
0x649: {  	_ =	swait.ge [sflag:s25], $0x4000  }
0x64a: {  	[sflag:s25] =	ssyncset.done $0x0  }
0x64b: {  	[sflag:s25] =	ssyncadd.s32 $0xFFFFC000  }
0x64c: {  	_ =	swait.ge [sflag:s26], $0x4000  }
0x64d: {  	[sflag:s26] =	ssyncset.done $0x0  }
0x64e: {  	s13 =	simm.s32 $0x400;
	[sflag:s26] =	ssyncadd.s32 $0xFFFFC000  }
0x64f: {  	[tilespmem:s20], [sflag:$0x1] =	stream.indirect.gather [hbm4b:s5+s19], $0x80, s13, s19, $0xb8;
	[tilespmem:$0x1E000] =	vst v63  }
0x650: {  	s16 =	simm.s32 $0x480  }
0x651: {  	[tilespmem:s21], [sflag:$0x2] =	stream.indirect.gather [hbm4b:s5+s19], $0x80, s16, s19, $0xb8;
	[tilespmem:$0x1E000] =	vst v63  }
0x652: {  	_ =	swait.ge [sflag:s22], $0x4000  }
0x653: {  	[sflag:s22] =	ssyncset.done $0x0  }
0x654: {  	s1 =	simm.s32 $0xC00;
	[sflag:s22] =	ssyncadd.s32 $0xFFFFC000  }
0x655: {  	[spmem:s2] =	stream.indirect.scatter.add.f32 [tilespmem:s20], [sflag:$0x3], $0x80, s1, s19, $0xb8;
	[tilespmem:$0x1E000] =	vst v63  }
0x656: {  	_ =	swait.ge [sflag:s23], $0x4000  }
0x657: {  	[sflag:s23] =	ssyncset.done $0x0  }
0x658: {  	s6 =	simm.s32 $0xC80;
	[sflag:s23] =	ssyncadd.s32 $0xFFFFC000  }
0x659: {  	[spmem:s2] =	stream.indirect.scatter.add.f32 [tilespmem:s21], [sflag:$0x4], $0x80, s6, s19, $0xb8;
	[tilespmem:$0x1E000] =	vst v63  }
0x65a: {  	_ =	swait.ge [sflag:s25], $0x4000  }
0x65b: {  	[sflag:s25] =	ssyncset.done $0x0  }
0x65c: {  	[sflag:s25] =	ssyncadd.s32 $0xFFFFC000  }
0x65d: {  	_ =	swait.ge [sflag:s26], $0x4000  }
0x65e: {  	[sflag:s26] =	ssyncset.done $0x0  }
0x65f: {  	s9 =	simm.s32 $0x500;
	[sflag:s26] =	ssyncadd.s32 $0xFFFFC000  }
0x660: {  	[tilespmem:s20], [sflag:$0x1] =	stream.indirect.gather [hbm4b:s5+s19], $0x80, s9, s19, $0xb8;
	[tilespmem:$0x1E000] =	vst v63  }
0x661: {  	s13 =	simm.s32 $0x580  }
0x662: {  	[tilespmem:s21], [sflag:$0x2] =	stream.indirect.gather [hbm4b:s5+s19], $0x80, s13, s19, $0xb8;
	[tilespmem:$0x1E000] =	vst v63  }
0x663: {  	_ =	swait.ge [sflag:s22], $0x4000  }
0x664: {  	[sflag:s22] =	ssyncset.done $0x0  }
0x665: {  	s16 =	simm.s32 $0xD00;
	[sflag:s22] =	ssyncadd.s32 $0xFFFFC000  }
0x666: {  	[spmem:s2] =	stream.indirect.scatter.add.f32 [tilespmem:s20], [sflag:$0x3], $0x80, s16, s19, $0xb8;
	[tilespmem:$0x1E000] =	vst v63  }
0x667: {  	_ =	swait.ge [sflag:s23], $0x4000  }
0x668: {  	[sflag:s23] =	ssyncset.done $0x0  }
0x669: {  	s1 =	simm.s32 $0xD80;
	[sflag:s23] =	ssyncadd.s32 $0xFFFFC000  }
0x66a: {  	[spmem:s2] =	stream.indirect.scatter.add.f32 [tilespmem:s21], [sflag:$0x4], $0x80, s1, s19, $0xb8;
	[tilespmem:$0x1E000] =	vst v63  }
0x66b: {  	_ =	swait.ge [sflag:s25], $0x4000  }
0x66c: {  	[sflag:s25] =	ssyncset.done $0x0  }
0x66d: {  	[sflag:s25] =	ssyncadd.s32 $0xFFFFC000  }
0x66e: {  	_ =	swait.ge [sflag:s26], $0x4000  }
0x66f: {  	[sflag:s26] =	ssyncset.done $0x0  }
0x670: {  	s6 =	simm.s32 $0x600;
	[sflag:s26] =	ssyncadd.s32 $0xFFFFC000  }
0x671: {  	[tilespmem:s20], [sflag:$0x1] =	stream.indirect.gather [hbm4b:s5+s19], $0x80, s6, s19, $0xb8;
	[tilespmem:$0x1E000] =	vst v63  }
0x672: {  	s9 =	simm.s32 $0x680  }
0x673: {  	[tilespmem:s21], [sflag:$0x2] =	stream.indirect.gather [hbm4b:s5+s19], $0x80, s9, s19, $0xb8;
	[tilespmem:$0x1E000] =	vst v63  }
0x674: {  	_ =	swait.ge [sflag:s22], $0x4000  }
0x675: {  	[sflag:s22] =	ssyncset.done $0x0  }
0x676: {  	s13 =	simm.s32 $0xE00;
	[sflag:s22] =	ssyncadd.s32 $0xFFFFC000  }
0x677: {  	[spmem:s2] =	stream.indirect.scatter.add.f32 [tilespmem:s20], [sflag:$0x3], $0x80, s13, s19, $0xb8;
	[tilespmem:$0x1E000] =	vst v63  }
0x678: {  	_ =	swait.ge [sflag:s23], $0x4000  }
0x679: {  	[sflag:s23] =	ssyncset.done $0x0  }
0x67a: {  	s16 =	simm.s32 $0xE80;
	[sflag:s23] =	ssyncadd.s32 $0xFFFFC000  }
0x67b: {  	[spmem:s2] =	stream.indirect.scatter.add.f32 [tilespmem:s21], [sflag:$0x4], $0x80, s16, s19, $0xb8;
	[tilespmem:$0x1E000] =	vst v63  }
0x67c: {  	_ =	swait.ge [sflag:s25], $0x4000  }
0x67d: {  	[sflag:s25] =	ssyncset.done $0x0  }
0x67e: {  	[sflag:s25] =	ssyncadd.s32 $0xFFFFC000  }
0x67f: {  	_ =	swait.ge [sflag:s26], $0x4000  }
0x680: {  	[sflag:s26] =	ssyncset.done $0x0  }
0x681: {  	s1 =	simm.s32 $0x700;
	[sflag:s26] =	ssyncadd.s32 $0xFFFFC000  }
0x682: {  	[tilespmem:s20], [sflag:$0x1] =	stream.indirect.gather [hbm4b:s5+s19], $0x80, s1, s19, $0xb8;
	[tilespmem:$0x1E000] =	vst v63  }
0x683: {  	s6 =	simm.s32 $0x780  }
0x684: {  	[tilespmem:s21], [sflag:$0x2] =	stream.indirect.gather [hbm4b:s5+s19], $0x80, s6, s19, $0xb8;
	[tilespmem:$0x1E000] =	vst v63  }
0x685: {  	_ =	swait.ge [sflag:s22], $0x4000  }
0x686: {  	[sflag:s22] =	ssyncset.done $0x0  }
0x687: {  	s9 =	simm.s32 $0xF00;
	[sflag:s22] =	ssyncadd.s32 $0xFFFFC000  }
0x688: {  	[spmem:s2] =	stream.indirect.scatter.add.f32 [tilespmem:s20], [sflag:$0x3], $0x80, s9, s19, $0xb8;
	[tilespmem:$0x1E000] =	vst v63  }
0x689: {  	_ =	swait.ge [sflag:s23], $0x4000  }
0x68a: {  	[sflag:s23] =	ssyncset.done $0x0  }
0x68b: {  	s13 =	simm.s32 $0xF80;
	[sflag:s23] =	ssyncadd.s32 $0xFFFFC000  }
0x68c: {  	[spmem:s2] =	stream.indirect.scatter.add.f32 [tilespmem:s21], [sflag:$0x4], $0x80, s13, s19, $0xb8;
	[tilespmem:$0x1E000] =	vst v63  }
0x68d: {  	_ =	swait.ge [sflag:s28], $0x800  }
0x68e: {  	[sflag:s28] =	ssyncset.done $0x0  }
0x68f: {  	[sflag:s28] =	ssyncadd.s32 $0xFFFFF800  }
0x690: {  	_ =	swait.ge [sflag:s28], $0x800  }
0x691: {  	[sflag:s28] =	ssyncset.done $0x0  }
0x692: {  	[sflag:s28] =	ssyncadd.s32 $0xFFFFF800  }
0x693: {  	_ =	swait.ge [sflag:s25], $0x4000  }
0x694: {  	[sflag:s25] =	ssyncset.done $0x0  }
0x695: {  	[sflag:s25] =	ssyncadd.s32 $0xFFFFC000  }
0x696: {  	_ =	swait.ge [sflag:s26], $0x4000  }
0x697: {  	[sflag:s26] =	ssyncset.done $0x0  }
0x698: {  	[sflag:s26] =	ssyncadd.s32 $0xFFFFC000  }
0x699: {  	[tilespmem:s20], [sflag:$0x1] =	stream.indirect.gather [hbm4b:s5+s19], $0x80, s30, s19, $0xb8;
	[tilespmem:$0x1E000] =	vst v63  }
0x69a: {  	s16 =	simm.s32 $0x1080  }
0x69b: {  	[tilespmem:s21], [sflag:$0x2] =	stream.indirect.gather [hbm4b:s5+s19], $0x80, s16, s19, $0xb8;
	[tilespmem:$0x1E000] =	vst v63  }
0x69c: {  	_ =	swait.ge [sflag:s22], $0x4000  }
0x69d: {  	[sflag:s22] =	ssyncset.done $0x0  }
0x69e: {  	[sflag:s22] =	ssyncadd.s32 $0xFFFFC000  }
0x69f: {  	[spmem:s2] =	stream.indirect.scatter.add.f32 [tilespmem:s20], [sflag:$0x3], $0x80, s31, s19, $0xb8;
	[tilespmem:$0x1E000] =	vst v63  }
0x6a0: {  	_ =	swait.ge [sflag:s23], $0x4000  }
0x6a1: {  	[sflag:s23] =	ssyncset.done $0x0  }
0x6a2: {  	s1 =	simm.s32 $0x1880;
	[sflag:s23] =	ssyncadd.s32 $0xFFFFC000  }
0x6a3: {  	[spmem:s2] =	stream.indirect.scatter.add.f32 [tilespmem:s21], [sflag:$0x4], $0x80, s1, s19, $0xb8;
	[tilespmem:$0x1E000] =	vst v63  }
0x6a4: {  	_ =	swait.ge [sflag:s25], $0x4000  }
0x6a5: {  	[sflag:s25] =	ssyncset.done $0x0  }
0x6a6: {  	[sflag:s25] =	ssyncadd.s32 $0xFFFFC000  }
0x6a7: {  	_ =	swait.ge [sflag:s26], $0x4000  }
0x6a8: {  	[sflag:s26] =	ssyncset.done $0x0  }
0x6a9: {  	p1 =	seq.s32 s8, $0x800;
	s6 =	simm.s32 $0x1100;
	[sflag:s26] =	ssyncadd.s32 $0xFFFFC000  }
0x6aa: {  	[tilespmem:s20], [sflag:$0x1] =	stream.indirect.gather [hbm4b:s5+s19], $0x80, s6, s19, $0xb8;
	[tilespmem:$0x1E000] =	vst v63  }
0x6ab: {  	s9 =	simm.s32 $0x1180;
	s6 =	sadd.s32 @!p1 s8, s11  }
0x6ac: {  	[tilespmem:s21], [sflag:$0x2] =	stream.indirect.gather [hbm4b:s5+s19], $0x80, s9, s19, $0xb8;
	[tilespmem:$0x1E000] =	vst v63  }
0x6ad: {  	s8 =	sadd.s32 @!p1 s8, s12;
	s6 =	sadd.s32 @!p1 $0x200, s6;
	s9 =	simm.s32 @!p1 $0x0  }
0x6ae: {  	[tilespmem:s9], [sflag:$0x5] =	stream.linear.gather @!p1 [hbm4b:s6+s9], $0x800, $0x38;
	[tilespmem:$0x1E000] =	vst v63  }
0x6af: {  	s6 =	sadd.s32 @!p1 $0x200, s8;
	s8 =	simm.s32 @!p1 $0x800  }
0x6b0: {  	[tilespmem:s8], [sflag:$0x5] =	stream.linear.gather @!p1 [hbm4b:s6+s9], $0x800, $0x38;
	[tilespmem:$0x1E000] =	vst v63  }
0x6b1: {  	_ =	swait.ge [sflag:s22], $0x4000  }
0x6b2: {  	[sflag:s22] =	ssyncset.done $0x0  }
0x6b3: {  	[sflag:s22] =	ssyncadd.s32 $0xFFFFC000  }
0x6b4: {  	[spmem:s2] =	stream.indirect.scatter.add.f32 [tilespmem:s20], [sflag:$0x3], $0x80, s10, s19, $0xb8;
	[tilespmem:$0x1E000] =	vst v63  }
0x6b5: {  	_ =	swait.ge [sflag:s23], $0x4000  }
0x6b6: {  	[sflag:s23] =	ssyncset.done $0x0  }
0x6b7: {  	[sflag:s23] =	ssyncadd.s32 $0xFFFFC000  }
0x6b8: {  	[spmem:s2] =	stream.indirect.scatter.add.f32 [tilespmem:s21], [sflag:$0x4], $0x80, s14, s19, $0xb8;
	[tilespmem:$0x1E000] =	vst v63  }
0x6b9: {  	_ =	swait.ge [sflag:s25], $0x4000  }
0x6ba: {  	[sflag:s25] =	ssyncset.done $0x0  }
0x6bb: {  	[sflag:s25] =	ssyncadd.s32 $0xFFFFC000  }
0x6bc: {  	_ =	swait.ge [sflag:s26], $0x4000  }
0x6bd: {  	[sflag:s26] =	ssyncset.done $0x0  }
0x6be: {  	[sflag:s26] =	ssyncadd.s32 $0xFFFFC000  }
0x6bf: {  	[tilespmem:s20], [sflag:$0x1] =	stream.indirect.gather [hbm4b:s5+s19], $0x80, s15, s19, $0xb8;
	[tilespmem:$0x1E000] =	vst v63  }
0x6c0: {  	s13 =	simm.s32 $0x1280  }
0x6c1: {  	[tilespmem:s21], [sflag:$0x2] =	stream.indirect.gather [hbm4b:s5+s19], $0x80, s13, s19, $0xb8;
	[tilespmem:$0x1E000] =	vst v63  }
0x6c2: {  	_ =	swait.ge [sflag:s22], $0x4000  }
0x6c3: {  	[sflag:s22] =	ssyncset.done $0x0  }
0x6c4: {  	s14 =	simm.s32 $0x1A00;
	[sflag:s22] =	ssyncadd.s32 $0xFFFFC000  }
0x6c5: {  	[spmem:s2] =	stream.indirect.scatter.add.f32 [tilespmem:s20], [sflag:$0x3], $0x80, s14, s19, $0xb8;
	[tilespmem:$0x1E000] =	vst v63  }
0x6c6: {  	_ =	swait.ge [sflag:s23], $0x4000  }
0x6c7: {  	[sflag:s23] =	ssyncset.done $0x0  }
0x6c8: {  	s15 =	simm.s32 $0x1A80;
	[sflag:s23] =	ssyncadd.s32 $0xFFFFC000  }
0x6c9: {  	[spmem:s2] =	stream.indirect.scatter.add.f32 [tilespmem:s21], [sflag:$0x4], $0x80, s15, s19, $0xb8;
	[tilespmem:$0x1E000] =	vst v63  }
0x6ca: {  	_ =	swait.ge [sflag:s25], $0x4000  }
0x6cb: {  	[sflag:s25] =	ssyncset.done $0x0  }
0x6cc: {  	[sflag:s25] =	ssyncadd.s32 $0xFFFFC000  }
0x6cd: {  	_ =	swait.ge [sflag:s26], $0x4000  }
0x6ce: {  	[sflag:s26] =	ssyncset.done $0x0  }
0x6cf: {  	s16 =	simm.s32 $0x1300;
	[sflag:s26] =	ssyncadd.s32 $0xFFFFC000  }
0x6d0: {  	[tilespmem:s20], [sflag:$0x1] =	stream.indirect.gather [hbm4b:s5+s19], $0x80, s16, s19, $0xb8;
	[tilespmem:$0x1E000] =	vst v63  }
0x6d1: {  	s1 =	simm.s32 $0x1380  }
0x6d2: {  	[tilespmem:s21], [sflag:$0x2] =	stream.indirect.gather [hbm4b:s5+s19], $0x80, s1, s19, $0xb8;
	[tilespmem:$0x1E000] =	vst v63  }
0x6d3: {  	_ =	swait.ge [sflag:s22], $0x4000  }
0x6d4: {  	[sflag:s22] =	ssyncset.done $0x0  }
0x6d5: {  	s6 =	simm.s32 $0x1B00;
	[sflag:s22] =	ssyncadd.s32 $0xFFFFC000  }
0x6d6: {  	[spmem:s2] =	stream.indirect.scatter.add.f32 [tilespmem:s20], [sflag:$0x3], $0x80, s6, s19, $0xb8;
	[tilespmem:$0x1E000] =	vst v63  }
0x6d7: {  	_ =	swait.ge [sflag:s23], $0x4000  }
0x6d8: {  	[sflag:s23] =	ssyncset.done $0x0  }
0x6d9: {  	s8 =	simm.s32 $0x1B80;
	[sflag:s23] =	ssyncadd.s32 $0xFFFFC000  }
0x6da: {  	[spmem:s2] =	stream.indirect.scatter.add.f32 [tilespmem:s21], [sflag:$0x4], $0x80, s8, s19, $0xb8;
	[tilespmem:$0x1E000] =	vst v63  }
0x6db: {  	_ =	swait.ge [sflag:s25], $0x4000  }
0x6dc: {  	[sflag:s25] =	ssyncset.done $0x0  }
0x6dd: {  	[sflag:s25] =	ssyncadd.s32 $0xFFFFC000  }
0x6de: {  	_ =	swait.ge [sflag:s26], $0x4000  }
0x6df: {  	[sflag:s26] =	ssyncset.done $0x0  }
0x6e0: {  	s9 =	simm.s32 $0x1400;
	[sflag:s26] =	ssyncadd.s32 $0xFFFFC000  }
0x6e1: {  	[tilespmem:s20], [sflag:$0x1] =	stream.indirect.gather [hbm4b:s5+s19], $0x80, s9, s19, $0xb8;
	[tilespmem:$0x1E000] =	vst v63  }
0x6e2: {  	s10 =	simm.s32 $0x1480  }
0x6e3: {  	[tilespmem:s21], [sflag:$0x2] =	stream.indirect.gather [hbm4b:s5+s19], $0x80, s10, s19, $0xb8;
	[tilespmem:$0x1E000] =	vst v63  }
0x6e4: {  	_ =	swait.ge [sflag:s22], $0x4000  }
0x6e5: {  	[sflag:s22] =	ssyncset.done $0x0  }
0x6e6: {  	s13 =	simm.s32 $0x1C00;
	[sflag:s22] =	ssyncadd.s32 $0xFFFFC000  }
0x6e7: {  	[spmem:s2] =	stream.indirect.scatter.add.f32 [tilespmem:s20], [sflag:$0x3], $0x80, s13, s19, $0xb8;
	[tilespmem:$0x1E000] =	vst v63  }
0x6e8: {  	_ =	swait.ge [sflag:s23], $0x4000  }
0x6e9: {  	[sflag:s23] =	ssyncset.done $0x0  }
0x6ea: {  	s14 =	simm.s32 $0x1C80;
	[sflag:s23] =	ssyncadd.s32 $0xFFFFC000  }
0x6eb: {  	[spmem:s2] =	stream.indirect.scatter.add.f32 [tilespmem:s21], [sflag:$0x4], $0x80, s14, s19, $0xb8;
	[tilespmem:$0x1E000] =	vst v63  }
0x6ec: {  	_ =	swait.ge [sflag:s25], $0x4000  }
0x6ed: {  	[sflag:s25] =	ssyncset.done $0x0  }
0x6ee: {  	[sflag:s25] =	ssyncadd.s32 $0xFFFFC000  }
0x6ef: {  	_ =	swait.ge [sflag:s26], $0x4000  }
0x6f0: {  	[sflag:s26] =	ssyncset.done $0x0  }
0x6f1: {  	s15 =	simm.s32 $0x1500;
	[sflag:s26] =	ssyncadd.s32 $0xFFFFC000  }
0x6f2: {  	[tilespmem:s20], [sflag:$0x1] =	stream.indirect.gather [hbm4b:s5+s19], $0x80, s15, s19, $0xb8;
	[tilespmem:$0x1E000] =	vst v63  }
0x6f3: {  	s16 =	simm.s32 $0x1580  }
0x6f4: {  	[tilespmem:s21], [sflag:$0x2] =	stream.indirect.gather [hbm4b:s5+s19], $0x80, s16, s19, $0xb8;
	[tilespmem:$0x1E000] =	vst v63  }
0x6f5: {  	_ =	swait.ge [sflag:s22], $0x4000  }
0x6f6: {  	[sflag:s22] =	ssyncset.done $0x0  }
0x6f7: {  	s1 =	simm.s32 $0x1D00;
	[sflag:s22] =	ssyncadd.s32 $0xFFFFC000  }
0x6f8: {  	[spmem:s2] =	stream.indirect.scatter.add.f32 [tilespmem:s20], [sflag:$0x3], $0x80, s1, s19, $0xb8;
	[tilespmem:$0x1E000] =	vst v63  }
0x6f9: {  	_ =	swait.ge [sflag:s23], $0x4000  }
0x6fa: {  	[sflag:s23] =	ssyncset.done $0x0  }
0x6fb: {  	s6 =	simm.s32 $0x1D80;
	[sflag:s23] =	ssyncadd.s32 $0xFFFFC000  }
0x6fc: {  	[spmem:s2] =	stream.indirect.scatter.add.f32 [tilespmem:s21], [sflag:$0x4], $0x80, s6, s19, $0xb8;
	[tilespmem:$0x1E000] =	vst v63  }
0x6fd: {  	_ =	swait.ge [sflag:s25], $0x4000  }
0x6fe: {  	[sflag:s25] =	ssyncset.done $0x0  }
0x6ff: {  	[sflag:s25] =	ssyncadd.s32 $0xFFFFC000  }
0x700: {  	_ =	swait.ge [sflag:s26], $0x4000  }
0x701: {  	[sflag:s26] =	ssyncset.done $0x0  }
0x702: {  	s8 =	simm.s32 $0x1600;
	[sflag:s26] =	ssyncadd.s32 $0xFFFFC000  }
0x703: {  	[tilespmem:s20], [sflag:$0x1] =	stream.indirect.gather [hbm4b:s5+s19], $0x80, s8, s19, $0xb8;
	[tilespmem:$0x1E000] =	vst v63  }
0x704: {  	s9 =	simm.s32 $0x1680  }
0x705: {  	[tilespmem:s21], [sflag:$0x2] =	stream.indirect.gather [hbm4b:s5+s19], $0x80, s9, s19, $0xb8;
	[tilespmem:$0x1E000] =	vst v63  }
0x706: {  	_ =	swait.ge [sflag:s22], $0x4000  }
0x707: {  	[sflag:s22] =	ssyncset.done $0x0  }
0x708: {  	s10 =	simm.s32 $0x1E00;
	[sflag:s22] =	ssyncadd.s32 $0xFFFFC000  }
0x709: {  	[spmem:s2] =	stream.indirect.scatter.add.f32 [tilespmem:s20], [sflag:$0x3], $0x80, s10, s19, $0xb8;
	[tilespmem:$0x1E000] =	vst v63  }
0x70a: {  	_ =	swait.ge [sflag:s23], $0x4000  }
0x70b: {  	[sflag:s23] =	ssyncset.done $0x0  }
0x70c: {  	s13 =	simm.s32 $0x1E80;
	[sflag:s23] =	ssyncadd.s32 $0xFFFFC000  }
0x70d: {  	[spmem:s2] =	stream.indirect.scatter.add.f32 [tilespmem:s21], [sflag:$0x4], $0x80, s13, s19, $0xb8;
	[tilespmem:$0x1E000] =	vst v63  }
0x70e: {  	_ =	swait.ge [sflag:s25], $0x4000  }
0x70f: {  	[sflag:s25] =	ssyncset.done $0x0  }
0x710: {  	[sflag:s25] =	ssyncadd.s32 $0xFFFFC000  }
0x711: {  	_ =	swait.ge [sflag:s26], $0x4000  }
0x712: {  	[sflag:s26] =	ssyncset.done $0x0  }
0x713: {  	s14 =	simm.s32 $0x1700;
	[sflag:s26] =	ssyncadd.s32 $0xFFFFC000  }
0x714: {  	[tilespmem:s20], [sflag:$0x1] =	stream.indirect.gather [hbm4b:s5+s19], $0x80, s14, s19, $0xb8;
	[tilespmem:$0x1E000] =	vst v63  }
0x715: {  	s15 =	simm.s32 $0x1780  }
0x716: {  	[tilespmem:s21], [sflag:$0x2] =	stream.indirect.gather [hbm4b:s5+s19], $0x80, s15, s19, $0xb8;
	[tilespmem:$0x1E000] =	vst v63  }
0x717: {  	_ =	swait.ge [sflag:s22], $0x4000  }
0x718: {  	s0 =	simm.s32 $0x100;
	[sflag:s22] =	ssyncset.done $0x0  }
0x719: {  	s16 =	simm.s32 $0x1F00;
	s1 =	simm.s32 $0x180;
	[sflag:s22] =	ssyncadd.s32 $0xFFFFC000  }
0x71a: {  	[spmem:s2] =	stream.indirect.scatter.add.f32 [tilespmem:s20], [sflag:$0x3], $0x80, s16, s19, $0xb8;
	[tilespmem:$0x1E000] =	vst v63  }
.Ltmp6:
0x71b: {  	s13 =	simm.s32 $0x880;
	_ =	swait.ge [sflag:s23], $0x4000;
	(pc) =	sbr.rel .LBB2_8-.Ltmp6, $4  }
0x71c: {  	s14 =	simm.s32 $0x980;
	[sflag:s23] =	ssyncset.done $0x0;
	s6 =	rddreg [dreg:$0x6]  }
0x71d: {  	s15 =	simm.s32 $0x200;
	s10 =	rddreg [dreg:$0x8];
	[sflag:s23] =	ssyncadd.s32 $0xFFFFC000  }
0x71e: {  	[spmem:s2] =	stream.indirect.scatter.add.f32 [tilespmem:s21], [sflag:$0x4], $0x80, s7, s19, $0xb8;
	[tilespmem:$0x1E000] =	vst v63  }
0x71f: {  	s16 =	simm.s32 $0x280;
	s29 =	rddreg [dreg:$0xb];
	s7 =	simm.s32 $0x900  }
.LBB2_9:
0x720: {  	_ =	sfence.sel $0x180000  }
0x721: {  	[bflag:$0x0] =	sbarrier.arrive $0xFFFF  }
0x722: {  	_ =	strace $0x90000047  }
0x723: {  	s0 =	stileid.u32;
	[bflag:$0x2] =	sbarrier.arrive $0xFFFF  }
0x724: {  	p0 =	sne.s32 s0, $0x0;
	s0 =	rddreg [dreg:$0x3]  }
0x725: {  	s0 =	sadd.s32 @!p0 $0x100000, s0  }
0x726: {  	[sflag:s0] =	ssyncadd.tile.s32 @!p0 $0x1;
	_ =	shalt  }
.Lfunc_end2:
_tile_overlayer_lowered:
.L_overlay_start_2:
0x727: {  	(tag) =	ssettag $0x2  }
0x728: {  	s0 =	rddreg [dreg:$0x0];
	s2 =	stileid.u32  }
0x729: {  	s1 =	rddreg [dreg:$0x1];
	p0 =	sne.s32 s2, $0x0  }
0x72a: {  	s3 =	rddreg [dreg:$0x2];
	[bflag:$0x3] =	sbarrier.arrive $0xFFFF;
	s2 =	simm.s32 @!p0 $0x1C07  }
0x72b: {  	[timem:s3], [sflag:s2] =	dma.local @!p0 [hbm:s0], s1  }
0x72c: {  	s0 =	simm.s32 @!p0 $0x7  }
0x72d: {  	_ =	swait.ge @!p0 [sflag:s0], s1  }
0x72e: {  	s1 =	ssub.s32 @!p0 $0x0, s1;
	[sflag:s0] =	ssyncset.done @!p0 $0x0  }
0x72f: {  	[sflag:s0] =	ssyncadd.s32 @!p0 s1  }
0x730: {  	[bflag:$0x3] =	sbarrier.arrive $0xFFFF  }
0x731: {  	_ =	shalt  }

</sc_bundles>
